<compile_context>
chip_gen: v7x
topology: tpu7x:2x2x1
jax: 0.10.2.dev20260603
libtpu: 0.0.44.dev20260713+nightly
codegen_flags: <defaults>
</compile_context>

<pallas_src>
import functools

import jax
import jax.numpy as jnp
from jax import lax
from jax.experimental import pallas as pl
from jax.experimental.pallas import tpu as pltpu
from jax.experimental.pallas import tpu_sc as plsc

GS = 240

NC = 2
NSUB = 16
NW = NC * NSUB
CH = 128


def _make_sc_scatter(e_pad, n_pad, hnf, r_rows, passes):
    rs = 2352
    seg = 18816
    n_strips = seg // rs
    n_seg = e_pad // seg
    chunk = 64
    kg = chunk // 16
    jmax = seg // chunk - 1
    trash = r_rows

    def body(z_hbm, row_hbm, ef_hbm, agg_hbm,
             rs0_v, rs1_v, eid_v, idx0_v, ef0_v, slab_v,
             ss0, ss1, se0):
        wid = lax.axis_index("s") * NC + lax.axis_index("c")
        iota = lax.iota(jnp.int32, 16)
        rot = [jnp.bitwise_and(iota + s, 15) for s in range(16)]
        rbufs = [(rs0_v, ss0), (rs1_v, ss1)]

        def pfill(i, c):
            eid_v[pl.ds(i * 16, 16)] = jnp.zeros((16,), jnp.int32)
            return c
        lax.fori_loop(0, seg // 16, pfill, 0)

        def one_pass(p, c0):
            start = (p * NW + wid) * r_rows
            pltpu.sync_copy(z_hbm, slab_v.at[pl.ds(0, r_rows)])

            def one_seg(si, c1):
                sbase = si * seg

                cv = jnp.zeros((16,), jnp.int32)
                pltpu.async_copy(row_hbm.at[pl.ds(sbase, rs)], rs0_v, ss0)
                for st in range(n_strips):
                    buf, sem = rbufs[st % 2]
                    if st + 1 < n_strips:
                        nbuf, nsem = rbufs[(st + 1) % 2]
                        pltpu.async_copy(
                            row_hbm.at[pl.ds(sbase + (st + 1) * rs, rs)],
                            nbuf, nsem)
                    pltpu.make_async_copy(
                        row_hbm.at[pl.ds(sbase, rs)], buf, sem).wait()

                    def scan_vec(g, cv2, _buf=buf, _st=st):
                        r = _buf[pl.ds(g * 16, 16)]
                        m = (r >= start) & (r < start + r_rows)
                        eidv = sbase + _st * rs + g * 16 + iota
                        pk = eidv * 512 + (r - start)
                        pos = cv2 * 16 + iota
                        plsc.store_scatter(eid_v, [pos], pk, mask=m)
                        return cv2 + jnp.where(m, jnp.int32(1), jnp.int32(0))

                    cv = lax.fori_loop(0, rs // 16, scan_vec, cv)
                c_vec = cv
                mx = c_vec[0]
                for l in range(1, 16):
                    mx = jnp.maximum(mx, c_vec[l])

                def unpack(j, idx_b):
                    jc = jnp.minimum(j, jmax)
                    for kk in range(kg):
                        pv = eid_v[pl.ds(jc * chunk + kk * 16, 16)]
                        idx_b[pl.ds(kk * 16, 16)] = lax.shift_right_logical(
                            pv, 9)
                    return jc

                def acc(j, jc, ef_b):
                    def acc_group(gg, c3):
                        pv = eid_v[pl.ds(jc * chunk + gg * 16, 16)]
                        d = jnp.bitwise_and(pv, 511)
                        valid = (j * kg + gg) < c_vec
                        d = jnp.where(valid, d, jnp.int32(trash))
                        rows16 = gg * 16 + iota

                        def col_loop(gc, c4):
                            for s in range(16):
                                colv = gc * 16 + rot[s]
                                vals = plsc.load_gather(ef_b, [rows16, colv])
                                plsc.addupdate_scatter(slab_v, [d, colv],
                                                       vals)
                            return c4
                        lax.fori_loop(0, hnf // 16, col_loop, 0)
                        return c3
                    lax.fori_loop(0, kg, acc_group, 0)

                def ch_body(j, c2):
                    jc = unpack(j, idx0_v)
                    pltpu.async_copy(ef_hbm.at[idx0_v], ef0_v, se0).wait()
                    acc(j, jc, ef0_v)
                    return c2

                lax.fori_loop(0, (mx + kg - 1) // kg, ch_body, 0)
                return c1

            lax.fori_loop(0, n_seg, one_seg, 0)
            pltpu.sync_copy(slab_v.at[pl.ds(0, r_rows)],
                            agg_hbm.at[pl.ds(start, r_rows)])
            return c0

        lax.fori_loop(0, passes, one_pass, 0)

    mesh = plsc.VectorSubcoreMesh(core_axis_name="c", subcore_axis_name="s",
                                  num_cores=NC, num_subcores=NSUB)
    return pl.kernel(
        body,
        out_type=jax.ShapeDtypeStruct((n_pad, hnf), jnp.float32),
        mesh=mesh,
        compiler_params=pltpu.CompilerParams(needs_layout_passes=False),
        scratch_types=[
            pltpu.VMEM((rs,), jnp.int32),
            pltpu.VMEM((rs,), jnp.int32),
            pltpu.VMEM((seg,), jnp.int32),
            pltpu.VMEM((chunk,), jnp.int32),
            pltpu.VMEM((chunk, hnf), jnp.float32),
            pltpu.VMEM((r_rows + 8, hnf), jnp.float32),
            pltpu.SemaphoreType.DMA,
            pltpu.SemaphoreType.DMA,
            pltpu.SemaphoreType.DMA,
        ],
    )


def _xsxt_body(x_ref, ws_ref, wt_ref, os_ref, ot_ref):
    os_ref[...] = jnp.dot(x_ref[...], ws_ref[...],
                          preferred_element_type=jnp.float32)
    ot_ref[...] = jnp.dot(x_ref[...], wt_ref[...],
                          preferred_element_type=jnp.float32)


def _make_sc_gather(e_pad, hnf):
    per_w = e_pad // NW
    nch = per_w // CH

    def body(xs_hbm, xt_hbm, row_hbm, col_hbm, out_hbm,
             ridx_v, cidx_v, a_v, b_v, sem_a, sem_b):
        wid = lax.axis_index("s") * NC + lax.axis_index("c")
        base = wid * per_w

        def chunk(ci, carry):
            off = base + ci * CH
            pltpu.sync_copy(row_hbm.at[pl.ds(off, CH)], ridx_v)
            pltpu.sync_copy(col_hbm.at[pl.ds(off, CH)], cidx_v)
            cpa = pltpu.async_copy(xs_hbm.at[ridx_v], a_v, sem_a)
            cpb = pltpu.async_copy(xt_hbm.at[cidx_v], b_v, sem_b)
            cpa.wait()
            cpb.wait()

            def add_row(r, c2):
                for c in range(hnf // 16):
                    sl = pl.ds(c * 16, 16)
                    a_v[r, sl] = a_v[r, sl] + b_v[r, sl]
                return c2

            lax.fori_loop(0, CH, add_row, 0)
            pltpu.sync_copy(a_v, out_hbm.at[pl.ds(off, CH)])
            return carry

        lax.fori_loop(0, nch, chunk, 0)

    mesh = plsc.VectorSubcoreMesh(core_axis_name="c", subcore_axis_name="s",
                                  num_cores=NC, num_subcores=NSUB)
    return pl.kernel(
        body,
        out_type=jax.ShapeDtypeStruct((e_pad, hnf), jnp.float32),
        mesh=mesh,
        scratch_types=[
            pltpu.VMEM((CH,), jnp.int32),
            pltpu.VMEM((CH,), jnp.int32),
            pltpu.VMEM((CH, hnf), jnp.float32),
            pltpu.VMEM((CH, hnf), jnp.float32),
            pltpu.SemaphoreType.DMA,
            pltpu.SemaphoreType.DMA,
        ],
    )


def _edge_body(s_ref, ea_ref, we_ref, eb1_ref, ew2_ref, eb2_ref, ng_ref,
               nb_ref, o_ref):
    h = s_ref[...] + jnp.dot(ea_ref[...], we_ref[...],
                             preferred_element_type=jnp.float32) + eb1_ref[...]
    h = jnp.maximum(h, 0.0)
    h = jnp.dot(h.astype(jnp.bfloat16), ew2_ref[...].astype(jnp.bfloat16),
                preferred_element_type=jnp.float32) + eb2_ref[...]
    h = jnp.maximum(h, 0.0)
    mu = jnp.mean(h, axis=-1, keepdims=True)
    d = h - mu
    var = jnp.mean(d * d, axis=-1, keepdims=True)
    o_ref[...] = d * jax.lax.rsqrt(var + 1e-5) * ng_ref[...] + nb_ref[...]


def _node_body(x_ref, agg_ref, wx_ref, wa_ref, wl_ref, nb1_ref, nw2_ref,
               nb2_ref, o_ref):
    agg = agg_ref[...]
    x = x_ref[...]
    lat = jnp.mean(agg, axis=0, keepdims=True)
    h = (jnp.dot(x, wx_ref[...], preferred_element_type=jnp.float32)
         + jnp.dot(agg, wa_ref[...], preferred_element_type=jnp.float32)
         + jnp.dot(lat, wl_ref[...], preferred_element_type=jnp.float32)
         + nb1_ref[...])
    h = jnp.maximum(h, 0.0)
    o = jnp.dot(h, nw2_ref[...], preferred_element_type=jnp.float32) + nb2_ref[...]
    o_ref[...] = o + x


def kernel(x, edge_index, edge_attr, ew1, eb1, ew2, eb2, ng, nb,
           nw1, nb1, nw2, nb2):
    n, inf = x.shape
    e, ein = edge_attr.shape
    hnf = ew2.shape[1]
    onf = nw2.shape[1]
    row = edge_index[0]
    col = edge_index[1]

    we = ew1[2 * inf:]
    wx = nw1[:inf]
    wa = nw1[inf:inf + hnf]
    wl = nw1[inf + hnf:]

    eb1r = eb1.reshape(1, hnf)
    eb2r = eb2.reshape(1, hnf)
    ngr = ng.reshape(1, hnf)
    nbr = nb.reshape(1, hnf)
    nb1r = nb1.reshape(1, hnf)
    nb2r = nb2.reshape(1, onf)

    xs, xt = pl.pallas_call(
        _xsxt_body,
        grid=(n // GS,),
        in_specs=[pl.BlockSpec((GS, inf), lambda i: (i, 0)),
                  pl.BlockSpec((inf, hnf), lambda i: (0, 0)),
                  pl.BlockSpec((inf, hnf), lambda i: (0, 0))],
        out_specs=[pl.BlockSpec((GS, hnf), lambda i: (i, 0)),
                   pl.BlockSpec((GS, hnf), lambda i: (i, 0))],
        out_shape=[jax.ShapeDtypeStruct((n, hnf), jnp.float32),
                   jax.ShapeDtypeStruct((n, hnf), jnp.float32)],
    )(x, ew1[:inf], ew1[inf:2 * inf])

    e_pad = -(-e // (NW * CH)) * (NW * CH)
    row_pad = jnp.pad(row, (0, e_pad - e))
    col_pad = jnp.pad(col, (0, e_pad - e))
    s = _make_sc_gather(e_pad, hnf)(xs, xt, row_pad, col_pad)

    be = 2000
    bcast = lambda i: (0, 0)
    edge_feat = pl.pallas_call(
        _edge_body,
        grid=(e // be,),
        in_specs=[pl.BlockSpec((be, hnf), lambda i: (i, 0)),
                  pl.BlockSpec((be, ein), lambda i: (i, 0)),
                  pl.BlockSpec((ein, hnf), bcast),
                  pl.BlockSpec((1, hnf), bcast),
                  pl.BlockSpec((hnf, hnf), bcast),
                  pl.BlockSpec((1, hnf), bcast),
                  pl.BlockSpec((1, hnf), bcast),
                  pl.BlockSpec((1, hnf), bcast)],
        out_specs=pl.BlockSpec((be, hnf), lambda i: (i, 0)),
        out_shape=jax.ShapeDtypeStruct((e, hnf), jnp.float32),
    )(s, edge_attr, we, eb1r, ew2, eb2r, ngr, nbr)

    r_rows, passes = 304, 3
    n_pad = NW * r_rows * passes
    e_pad2 = -(-e // 18816) * 18816
    row_pad2 = jnp.pad(row, (0, e_pad2 - e), constant_values=jnp.int32(1 << 30))
    zsrc = jnp.zeros((r_rows, hnf), jnp.float32)
    agg = _make_sc_scatter(e_pad2, n_pad, hnf, r_rows, passes)(
        zsrc, row_pad2, edge_feat)

    out = pl.pallas_call(
        _node_body,
        grid=(n // GS,),
        in_specs=[pl.BlockSpec((GS, inf), lambda i: (i, 0)),
                  pl.BlockSpec((GS, hnf), lambda i: (i, 0)),
                  pl.BlockSpec((inf, hnf), bcast),
                  pl.BlockSpec((hnf, hnf), bcast),
                  pl.BlockSpec((hnf, hnf), bcast),
                  pl.BlockSpec((1, hnf), bcast),
                  pl.BlockSpec((hnf, onf), bcast),
                  pl.BlockSpec((1, onf), bcast)],
        out_specs=pl.BlockSpec((GS, onf), lambda i: (i, 0)),
        out_shape=jax.ShapeDtypeStruct((n, onf), jnp.float32),
    )(x, agg, wx, wa, wl, nb1r, nw2, nb2r)

    return (out, edge_feat)

# --- scband reference (transcript-rebuilt; emitter-appended) ---
"""Pipeline reference for scband-gcl-78065325572145 (READ-ONLY COPY).

The authoritative reference and input builder live on the scoring server;
editing this copy changes nothing except your own understanding.
"""

import jax, jax.numpy as jnp
import numpy as np

N = 29040
E = 300000
INF = 256
HNF = 256
ONF = 256
EIN = 16


def setup_inputs(seed: int = 0) -> dict:
    key = jax.random.key(seed)
    ks = jax.random.split(key, 13)
    x = jax.random.normal(ks[0], (N, INF), dtype=jnp.float32)
    edge_index = jax.random.randint(ks[1], (2, E), 0, N, dtype=jnp.int32)
    edge_attr = jax.random.normal(ks[2], (E, EIN), dtype=jnp.float32)
    d_ein = INF * 2 + EIN
    ew1 = jax.random.normal(ks[3], (d_ein, HNF), dtype=jnp.float32) / np.sqrt(d_ein)
    eb1 = jnp.zeros((HNF,), dtype=jnp.float32)
    ew2 = jax.random.normal(ks[4], (HNF, HNF), dtype=jnp.float32) / np.sqrt(HNF)
    eb2 = jnp.zeros((HNF,), dtype=jnp.float32)
    ng = jnp.ones((HNF,), dtype=jnp.float32)
    nb = jnp.zeros((HNF,), dtype=jnp.float32)
    d_nin = HNF * 2 + INF
    nw1 = jax.random.normal(ks[5], (d_nin, HNF), dtype=jnp.float32) / np.sqrt(d_nin)
    nb1 = jnp.zeros((HNF,), dtype=jnp.float32)
    nw2 = jax.random.normal(ks[6], (HNF, ONF), dtype=jnp.float32) / np.sqrt(HNF)
    nb2 = jnp.zeros((ONF,), dtype=jnp.float32)
    return {"x": x, "edge_index": edge_index, "edge_attr": edge_attr,
            "ew1": ew1, "eb1": eb1, "ew2": ew2, "eb2": eb2,
            "ng": ng, "nb": nb,
            "nw1": nw1, "nb1": nb1, "nw2": nw2, "nb2": nb2}


def _layernorm(h, g, b, eps=1e-5):
    mu = jnp.mean(h, axis=-1, keepdims=True)
    var = jnp.mean((h - mu) ** 2, axis=-1, keepdims=True)
    return (h - mu) / jnp.sqrt(var + eps) * g + b


def reference(x, edge_index, edge_attr, ew1, eb1, ew2, eb2, ng, nb, nw1, nb1, nw2, nb2):
    row = edge_index[0]
    col = edge_index[1]
    source = jnp.take(x, row, axis=0)
    target = jnp.take(x, col, axis=0)
    # edge_model
    edge_in = jnp.concatenate([source, target, edge_attr], axis=1)
    h = jax.nn.relu(edge_in @ ew1 + eb1)
    h = jax.nn.relu(h @ ew2 + eb2)
    edge_feat = _layernorm(h, ng, nb)
    # node_model: unsorted_segment_sum over row
    agg = jax.ops.segment_sum(edge_feat, row, num_segments=N)
    lat = agg.reshape(121, 240, HNF)
    lat = jnp.mean(lat, axis=1, keepdims=True)
    lat = jnp.broadcast_to(lat, (121, 240, HNF)).reshape(N, HNF)
    out_in = jnp.concatenate([x, agg, lat], axis=1)
    o = jax.nn.relu(out_in @ nw1 + nb1)
    o = o @ nw2 + nb2
    out = o + x  # recurrent residual (output_nf == input_nf)
    return (out, edge_feat)

if __name__ == "__main__":
    import jax
    _d = setup_inputs()
    print(jax.jit(kernel)(*tuple(_d.values())))

</pallas_src>

<mosaic_0001>
#map = affine_map<(d0, d1) -> (0, 0)>
#map1 = affine_map<(d0, d1) -> (0)>
module attributes {stable_mosaic.version = 14 : i64} {
  func.func @body(%arg0: i32, %arg1: i32, %arg2: memref<304x256xf32, #tpu.memory_space<hbm>>, %arg3: memref<301056xi32, #tpu.memory_space<hbm>>, %arg4: memref<300000x256xf32, #tpu.memory_space<hbm>>, %arg5: memref<29184x256xf32, #tpu.memory_space<hbm>>, %arg6: memref<2352xi32, #tpu.memory_space<vmem>>, %arg7: memref<2352xi32, #tpu.memory_space<vmem>>, %arg8: memref<18816xi32, #tpu.memory_space<vmem>>, %arg9: memref<64xi32, #tpu.memory_space<vmem>>, %arg10: memref<64x256xf32, #tpu.memory_space<vmem>>, %arg11: memref<312x256xf32, #tpu.memory_space<vmem>>, %arg12: memref<!tpu.dma_semaphore, #tpu.memory_space<semaphore_mem>>, %arg13: memref<!tpu.dma_semaphore, #tpu.memory_space<semaphore_mem>>, %arg14: memref<!tpu.dma_semaphore, #tpu.memory_space<semaphore_mem>>) attributes {dimension_semantics = [#tpu.dimension_semantics<core_parallel>, #tpu.dimension_semantics<subcore_parallel>], iteration_bounds = array<i64: 2, 16>, scalar_prefetch = 0 : i64, scratch_operands = 9 : i64, tpu.core_type = #tpu.core_type<sc_vector_subcore>, window_params = [{transform_indices = #map}, {transform_indices = #map1}, {transform_indices = #map}, {transform_indices = #map}]} {
    %mul3A = arith.constant 2 : i32
    %mul3A_0 = arith.muli %arg1, %mul3A : i32
    %add3A = arith.addi %mul3A_0, %arg0 : i32
    %iota3A = tpu.iota {dimensions = array<i32: 0>} : vector<16xi32>
    %add3A_1 = arith.constant 0 : i32
    %add3A_2 = vector.broadcast %add3A_1 : i32 to vector<16xi32>
    %add3A_3 = arith.addi %iota3A, %add3A_2 : vector<16xi32>
    %and3A = arith.constant 15 : i32
    %and3A_4 = vector.broadcast %and3A : i32 to vector<16xi32>
    %and3A_5 = arith.andi %add3A_3, %and3A_4 : vector<16xi32>
    %add3A_6 = arith.constant 1 : i32
    %add3A_7 = vector.broadcast %add3A_6 : i32 to vector<16xi32>
    %add3A_8 = arith.addi %iota3A, %add3A_7 : vector<16xi32>
    %and3A_9 = arith.constant 15 : i32
    %and3A_10 = vector.broadcast %and3A_9 : i32 to vector<16xi32>
    %and3A_11 = arith.andi %add3A_8, %and3A_10 : vector<16xi32>
    %add3A_12 = arith.constant 2 : i32
    %add3A_13 = vector.broadcast %add3A_12 : i32 to vector<16xi32>
    %add3A_14 = arith.addi %iota3A, %add3A_13 : vector<16xi32>
    %and3A_15 = arith.constant 15 : i32
    %and3A_16 = vector.broadcast %and3A_15 : i32 to vector<16xi32>
    %and3A_17 = arith.andi %add3A_14, %and3A_16 : vector<16xi32>
    %add3A_18 = arith.constant 3 : i32
    %add3A_19 = vector.broadcast %add3A_18 : i32 to vector<16xi32>
    %add3A_20 = arith.addi %iota3A, %add3A_19 : vector<16xi32>
    %and3A_21 = arith.constant 15 : i32
    %and3A_22 = vector.broadcast %and3A_21 : i32 to vector<16xi32>
    %and3A_23 = arith.andi %add3A_20, %and3A_22 : vector<16xi32>
    %add3A_24 = arith.constant 4 : i32
    %add3A_25 = vector.broadcast %add3A_24 : i32 to vector<16xi32>
    %add3A_26 = arith.addi %iota3A, %add3A_25 : vector<16xi32>
    %and3A_27 = arith.constant 15 : i32
    %and3A_28 = vector.broadcast %and3A_27 : i32 to vector<16xi32>
    %and3A_29 = arith.andi %add3A_26, %and3A_28 : vector<16xi32>
    %add3A_30 = arith.constant 5 : i32
    %add3A_31 = vector.broadcast %add3A_30 : i32 to vector<16xi32>
    %add3A_32 = arith.addi %iota3A, %add3A_31 : vector<16xi32>
    %and3A_33 = arith.constant 15 : i32
    %and3A_34 = vector.broadcast %and3A_33 : i32 to vector<16xi32>
    %and3A_35 = arith.andi %add3A_32, %and3A_34 : vector<16xi32>
    %add3A_36 = arith.constant 6 : i32
    %add3A_37 = vector.broadcast %add3A_36 : i32 to vector<16xi32>
    %add3A_38 = arith.addi %iota3A, %add3A_37 : vector<16xi32>
    %and3A_39 = arith.constant 15 : i32
    %and3A_40 = vector.broadcast %and3A_39 : i32 to vector<16xi32>
    %and3A_41 = arith.andi %add3A_38, %and3A_40 : vector<16xi32>
    %add3A_42 = arith.constant 7 : i32
    %add3A_43 = vector.broadcast %add3A_42 : i32 to vector<16xi32>
    %add3A_44 = arith.addi %iota3A, %add3A_43 : vector<16xi32>
    %and3A_45 = arith.constant 15 : i32
    %and3A_46 = vector.broadcast %and3A_45 : i32 to vector<16xi32>
    %and3A_47 = arith.andi %add3A_44, %and3A_46 : vector<16xi32>
    %add3A_48 = arith.constant 8 : i32
    %add3A_49 = vector.broadcast %add3A_48 : i32 to vector<16xi32>
    %add3A_50 = arith.addi %iota3A, %add3A_49 : vector<16xi32>
    %and3A_51 = arith.constant 15 : i32
    %and3A_52 = vector.broadcast %and3A_51 : i32 to vector<16xi32>
    %and3A_53 = arith.andi %add3A_50, %and3A_52 : vector<16xi32>
    %add3A_54 = arith.constant 9 : i32
    %add3A_55 = vector.broadcast %add3A_54 : i32 to vector<16xi32>
    %add3A_56 = arith.addi %iota3A, %add3A_55 : vector<16xi32>
    %and3A_57 = arith.constant 15 : i32
    %and3A_58 = vector.broadcast %and3A_57 : i32 to vector<16xi32>
    %and3A_59 = arith.andi %add3A_56, %and3A_58 : vector<16xi32>
    %add3A_60 = arith.constant 10 : i32
    %add3A_61 = vector.broadcast %add3A_60 : i32 to vector<16xi32>
    %add3A_62 = arith.addi %iota3A, %add3A_61 : vector<16xi32>
    %and3A_63 = arith.constant 15 : i32
    %and3A_64 = vector.broadcast %and3A_63 : i32 to vector<16xi32>
    %and3A_65 = arith.andi %add3A_62, %and3A_64 : vector<16xi32>
    %add3A_66 = arith.constant 11 : i32
    %add3A_67 = vector.broadcast %add3A_66 : i32 to vector<16xi32>
    %add3A_68 = arith.addi %iota3A, %add3A_67 : vector<16xi32>
    %and3A_69 = arith.constant 15 : i32
    %and3A_70 = vector.broadcast %and3A_69 : i32 to vector<16xi32>
    %and3A_71 = arith.andi %add3A_68, %and3A_70 : vector<16xi32>
    %add3A_72 = arith.constant 12 : i32
    %add3A_73 = vector.broadcast %add3A_72 : i32 to vector<16xi32>
    %add3A_74 = arith.addi %iota3A, %add3A_73 : vector<16xi32>
    %and3A_75 = arith.constant 15 : i32
    %and3A_76 = vector.broadcast %and3A_75 : i32 to vector<16xi32>
    %and3A_77 = arith.andi %add3A_74, %and3A_76 : vector<16xi32>
    %add3A_78 = arith.constant 13 : i32
    %add3A_79 = vector.broadcast %add3A_78 : i32 to vector<16xi32>
    %add3A_80 = arith.addi %iota3A, %add3A_79 : vector<16xi32>
    %and3A_81 = arith.constant 15 : i32
    %and3A_82 = vector.broadcast %and3A_81 : i32 to vector<16xi32>
    %and3A_83 = arith.andi %add3A_80, %and3A_82 : vector<16xi32>
    %add3A_84 = arith.constant 14 : i32
    %add3A_85 = vector.broadcast %add3A_84 : i32 to vector<16xi32>
    %add3A_86 = arith.addi %iota3A, %add3A_85 : vector<16xi32>
    %and3A_87 = arith.constant 15 : i32
    %and3A_88 = vector.broadcast %and3A_87 : i32 to vector<16xi32>
    %and3A_89 = arith.andi %add3A_86, %and3A_88 : vector<16xi32>
    %add3A_90 = arith.constant 15 : i32
    %add3A_91 = vector.broadcast %add3A_90 : i32 to vector<16xi32>
    %add3A_92 = arith.addi %iota3A, %add3A_91 : vector<16xi32>
    %and3A_93 = arith.constant 15 : i32
    %and3A_94 = vector.broadcast %and3A_93 : i32 to vector<16xi32>
    %and3A_95 = arith.andi %add3A_92, %and3A_94 : vector<16xi32>
    %scan3A = arith.constant 0 : i32
    %scan3A_96 = arith.constant 0 : i32
    %scan3A_97 = arith.constant 1176 : i32
    %scan3A_98 = arith.addi %scan3A_96, %scan3A_97 : i32
    %scan3A_99 = arith.constant 1 : i32
    scf.for %scan3A_107 = %scan3A_96 to %scan3A_98 step %scan3A_99  : i32 {
      %broadcast_in_dim3A = arith.constant 0 : i32
      %broadcast_in_dim3A_108 = vector.broadcast %broadcast_in_dim3A : i32 to vector<16xi32>
      %mul3A_109 = arith.constant 16 : i32
      %mul3A_110 = arith.muli %scan3A_107, %mul3A_109 : i32
      %swap3A = arith.index_cast %mul3A_110 : i32 to index
      %swap3A_111 = tpu.vector_load %arg8[%swap3A] {strides = array<i32>} : memref<18816xi32, #tpu.memory_space<vmem>>, vector<16xi32>,
      tpu.vector_store %arg8[%swap3A], %broadcast_in_dim3A_108 {strides = array<i32>} : memref<18816xi32, #tpu.memory_space<vmem>>, vector<16xi32>,
    }
    %scan3A_100 = arith.constant 1176 : i32
    %scan3A_101 = arith.constant 0 : i32
    %scan3A_102 = arith.constant 0 : i32
    %scan3A_103 = arith.constant 3 : i32
    %scan3A_104 = arith.addi %scan3A_102, %scan3A_103 : i32
    %scan3A_105 = arith.constant 1 : i32
    scf.for %scan3A_107 = %scan3A_102 to %scan3A_104 step %scan3A_105  : i32 {
      %mul3A_108 = arith.constant 32 : i32
      %mul3A_109 = arith.muli %scan3A_107, %mul3A_108 : i32
      %add3A_110 = arith.addi %mul3A_109, %add3A : i32
      %mul3A_111 = arith.constant 304 : i32
      %mul3A_112 = arith.muli %add3A_110, %mul3A_111 : i32
      "tpu.region"() ({
        %run_scoped3A = tpu.sem_alloc : memref<!tpu.dma_semaphore, #tpu.memory_space<semaphore_mem>>
        %dma_start3A = arith.constant 0 : i32
        %dma_start3A_119 = arith.constant 0 : i32
        %dma_start3A_120 = tpu.memref_slice %arg11[%dma_start3A, %dma_start3A_119] : memref<312x256xf32, #tpu.memory_space<vmem>> -> memref<304x256xf32, #tpu.memory_space<vmem>>
        %dma_start3A_121 = arith.constant 0 : i32
        %dma_start3A_122 = arith.constant 0 : i32
        %dma_start3A_123 = tpu.memref_slice %arg11[%dma_start3A_121, %dma_start3A_122] : memref<312x256xf32, #tpu.memory_space<vmem>> -> memref<304x256xf32, #tpu.memory_space<vmem>>
        tpu.enqueue_dma source(%arg2 : memref<304x256xf32, #tpu.memory_space<hbm>>) target(%dma_start3A_123 : memref<304x256xf32, #tpu.memory_space<vmem>>) target_semaphore(%run_scoped3A : memref<!tpu.dma_semaphore, #tpu.memory_space<semaphore_mem>>)
        %dma_wait3A = arith.constant 0 : i32
        %dma_wait3A_124 = arith.constant 0 : i32
        %dma_wait3A_125 = tpu.memref_slice %arg11[%dma_wait3A, %dma_wait3A_124] : memref<312x256xf32, #tpu.memory_space<vmem>> -> memref<304x256xf32, #tpu.memory_space<vmem>>
        %dma_wait3A_126 = arith.constant 0 : i32
        %dma_wait3A_127 = arith.constant 0 : i32
        %dma_wait3A_128 = tpu.memref_slice %arg11[%dma_wait3A_126, %dma_wait3A_127] : memref<312x256xf32, #tpu.memory_space<vmem>> -> memref<304x256xf32, #tpu.memory_space<vmem>>
        tpu.wait_dma2 semaphore(%run_scoped3A : memref<!tpu.dma_semaphore, #tpu.memory_space<semaphore_mem>>) src(%arg2 : memref<304x256xf32, #tpu.memory_space<hbm>>) dst(%dma_wait3A_128 : memref<304x256xf32, #tpu.memory_space<vmem>>)
        tpu.yield
      }) : () -> ()
      %scan3A_113 = arith.constant 0 : i32
      %scan3A_114 = arith.constant 0 : i32
      %scan3A_115 = arith.constant 16 : i32
      %scan3A_116 = arith.addi %scan3A_114, %scan3A_115 : i32
      %scan3A_117 = arith.constant 1 : i32
      scf.for %scan3A_119 = %scan3A_114 to %scan3A_116 step %scan3A_117  : i32 {
        %mul3A_120 = arith.constant 18816 : i32
        %mul3A_121 = arith.muli %scan3A_119, %mul3A_120 : i32
        %broadcast_in_dim3A = arith.constant 0 : i32
        %broadcast_in_dim3A_122 = vector.broadcast %broadcast_in_dim3A : i32 to vector<16xi32>
        %dma_start3A = tpu.memref_slice %arg3[%mul3A_121] : memref<301056xi32, #tpu.memory_space<hbm>> -> memref<2352xi32, #tpu.memory_space<hbm>>
        %dma_start3A_123 = tpu.memref_slice %arg3[%mul3A_121] : memref<301056xi32, #tpu.memory_space<hbm>> -> memref<2352xi32, #tpu.memory_space<hbm>>
        tpu.enqueue_dma source(%dma_start3A_123 : memref<2352xi32, #tpu.memory_space<hbm>>) target(%arg6 : memref<2352xi32, #tpu.memory_space<vmem>>) target_semaphore(%arg12 : memref<!tpu.dma_semaphore, #tpu.memory_space<semaphore_mem>>)
        %add3A_124 = arith.constant 2352 : i32
        %add3A_125 = arith.addi %mul3A_121, %add3A_124 : i32
        %dma_start3A_126 = tpu.memref_slice %arg3[%add3A_125] : memref<301056xi32, #tpu.memory_space<hbm>> -> memref<2352xi32, #tpu.memory_space<hbm>>
        %dma_start3A_127 = tpu.memref_slice %arg3[%add3A_125] : memref<301056xi32, #tpu.memory_space<hbm>> -> memref<2352xi32, #tpu.memory_space<hbm>>
        tpu.enqueue_dma source(%dma_start3A_127 : memref<2352xi32, #tpu.memory_space<hbm>>) target(%arg7 : memref<2352xi32, #tpu.memory_space<vmem>>) target_semaphore(%arg13 : memref<!tpu.dma_semaphore, #tpu.memory_space<semaphore_mem>>)
        %dma_wait3A = tpu.memref_slice %arg3[%mul3A_121] : memref<301056xi32, #tpu.memory_space<hbm>> -> memref<2352xi32, #tpu.memory_space<hbm>>
        %dma_wait3A_128 = tpu.memref_slice %arg3[%mul3A_121] : memref<301056xi32, #tpu.memory_space<hbm>> -> memref<2352xi32, #tpu.memory_space<hbm>>
        tpu.wait_dma2 semaphore(%arg12 : memref<!tpu.dma_semaphore, #tpu.memory_space<semaphore_mem>>) src(%dma_wait3A_128 : memref<2352xi32, #tpu.memory_space<hbm>>) dst(%arg6 : memref<2352xi32, #tpu.memory_space<vmem>>)
        %scan3A_129 = arith.constant 0 : i32
        %scan3A_130 = arith.constant 147 : i32
        %scan3A_131 = arith.addi %scan3A_129, %scan3A_130 : i32
        %scan3A_132 = arith.constant 1 : i32
        %scan3A_133 = scf.for %scan3A_289 = %scan3A_129 to %scan3A_131 step %scan3A_132 iter_args(%scan3A_290 = %broadcast_in_dim3A_122) -> (vector<16xi32>)  : i32 {
          %mul3A_291 = arith.constant 16 : i32
          %mul3A_292 = arith.muli %scan3A_289, %mul3A_291 : i32
          %get3A = arith.index_cast %mul3A_292 : i32 to index
          %get3A_293 = tpu.vector_load %arg6[%get3A] {strides = array<i32>} : memref<2352xi32, #tpu.memory_space<vmem>>, vector<16xi32>,
          %ge3A = vector.broadcast %mul3A_112 : i32 to vector<16xi32>
          %ge3A_294 = arith.cmpi sge, %get3A_293, %ge3A : vector<16xi32>
          %add3A_295 = arith.constant 304 : i32
          %add3A_296 = arith.addi %mul3A_112, %add3A_295 : i32
          %lt3A = vector.broadcast %add3A_296 : i32 to vector<16xi32>
          %lt3A_297 = arith.cmpi slt, %get3A_293, %lt3A : vector<16xi32>
          %and3A_298 = arith.andi %ge3A_294, %lt3A_297 : vector<16xi1>
          %add3A_299 = arith.constant 0 : i32
          %add3A_300 = arith.addi %mul3A_121, %add3A_299 : i32
          %mul3A_301 = arith.constant 16 : i32
          %mul3A_302 = arith.muli %scan3A_289, %mul3A_301 : i32
          %add3A_303 = arith.addi %add3A_300, %mul3A_302 : i32
          %add3A_304 = vector.broadcast %add3A_303 : i32 to vector<16xi32>
          %add3A_305 = arith.addi %add3A_304, %iota3A : vector<16xi32>
          %mul3A_306 = arith.constant 512 : i32
          %mul3A_307 = vector.broadcast %mul3A_306 : i32 to vector<16xi32>
          %mul3A_308 = arith.muli %add3A_305, %mul3A_307 : vector<16xi32>
          %sub3A_309 = vector.broadcast %mul3A_112 : i32 to vector<16xi32>
          %sub3A_310 = arith.subi %get3A_293, %sub3A_309 : vector<16xi32>
          %add3A_311 = arith.addi %mul3A_308, %sub3A_310 : vector<16xi32>
          %mul3A_312 = arith.constant 16 : i32
          %mul3A_313 = vector.broadcast %mul3A_312 : i32 to vector<16xi32>
          %mul3A_314 = arith.muli %scan3A_290, %mul3A_313 : vector<16xi32>
          %add3A_315 = arith.addi %mul3A_314, %iota3A : vector<16xi32>
          tpu.vector_store_idx %arg8[%add3A_315], %add3A_311 masked %and3A_298 : memref<18816xi32, #tpu.memory_space<vmem>>[vector<16xi32>], vector<16xi32>, vector<16xi1>
          %jit3A_316 = arith.constant 1 : i32
          %jit3A_317 = arith.constant 0 : i32
          %broadcast_in_dim3A_318 = vector.broadcast %jit3A_316 : i32 to vector<16xi32>
          %broadcast_in_dim3A_319 = vector.broadcast %jit3A_317 : i32 to vector<16xi32>
          %select_n3A_320 = arith.select %and3A_298, %broadcast_in_dim3A_318, %broadcast_in_dim3A_319 : vector<16xi1>, vector<16xi32>
          %add3A_321 = arith.addi %scan3A_290, %select_n3A_320 : vector<16xi32>
          scf.yield %add3A_321 : vector<16xi32>
        }
        %scan3A_134 = arith.constant 147 : i32
        %add3A_135 = arith.constant 4704 : i32
        %add3A_136 = arith.addi %mul3A_121, %add3A_135 : i32
        %dma_start3A_137 = tpu.memref_slice %arg3[%add3A_136] : memref<301056xi32, #tpu.memory_space<hbm>> -> memref<2352xi32, #tpu.memory_space<hbm>>
        %dma_start3A_138 = tpu.memref_slice %arg3[%add3A_136] : memref<301056xi32, #tpu.memory_space<hbm>> -> memref<2352xi32, #tpu.memory_space<hbm>>
        tpu.enqueue_dma source(%dma_start3A_138 : memref<2352xi32, #tpu.memory_space<hbm>>) target(%arg6 : memref<2352xi32, #tpu.memory_space<vmem>>) target_semaphore(%arg12 : memref<!tpu.dma_semaphore, #tpu.memory_space<semaphore_mem>>)
        %dma_wait3A_139 = tpu.memref_slice %arg3[%mul3A_121] : memref<301056xi32, #tpu.memory_space<hbm>> -> memref<2352xi32, #tpu.memory_space<hbm>>
        %dma_wait3A_140 = tpu.memref_slice %arg3[%mul3A_121] : memref<301056xi32, #tpu.memory_space<hbm>> -> memref<2352xi32, #tpu.memory_space<hbm>>
        tpu.wait_dma2 semaphore(%arg13 : memref<!tpu.dma_semaphore, #tpu.memory_space<semaphore_mem>>) src(%dma_wait3A_140 : memref<2352xi32, #tpu.memory_space<hbm>>) dst(%arg7 : memref<2352xi32, #tpu.memory_space<vmem>>)
        %scan3A_141 = arith.constant 0 : i32
        %scan3A_142 = arith.constant 147 : i32
        %scan3A_143 = arith.addi %scan3A_141, %scan3A_142 : i32
        %scan3A_144 = arith.constant 1 : i32
        %scan3A_145 = scf.for %scan3A_289 = %scan3A_141 to %scan3A_143 step %scan3A_144 iter_args(%scan3A_290 = %scan3A_133) -> (vector<16xi32>)  : i32 {
          %mul3A_291 = arith.constant 16 : i32
          %mul3A_292 = arith.muli %scan3A_289, %mul3A_291 : i32
          %get3A = arith.index_cast %mul3A_292 : i32 to index
          %get3A_293 = tpu.vector_load %arg7[%get3A] {strides = array<i32>} : memref<2352xi32, #tpu.memory_space<vmem>>, vector<16xi32>,
          %ge3A = vector.broadcast %mul3A_112 : i32 to vector<16xi32>
          %ge3A_294 = arith.cmpi sge, %get3A_293, %ge3A : vector<16xi32>
          %add3A_295 = arith.constant 304 : i32
          %add3A_296 = arith.addi %mul3A_112, %add3A_295 : i32
          %lt3A = vector.broadcast %add3A_296 : i32 to vector<16xi32>
          %lt3A_297 = arith.cmpi slt, %get3A_293, %lt3A : vector<16xi32>
          %and3A_298 = arith.andi %ge3A_294, %lt3A_297 : vector<16xi1>
          %add3A_299 = arith.constant 2352 : i32
          %add3A_300 = arith.addi %mul3A_121, %add3A_299 : i32
          %mul3A_301 = arith.constant 16 : i32
          %mul3A_302 = arith.muli %scan3A_289, %mul3A_301 : i32
          %add3A_303 = arith.addi %add3A_300, %mul3A_302 : i32
          %add3A_304 = vector.broadcast %add3A_303 : i32 to vector<16xi32>
          %add3A_305 = arith.addi %add3A_304, %iota3A : vector<16xi32>
          %mul3A_306 = arith.constant 512 : i32
          %mul3A_307 = vector.broadcast %mul3A_306 : i32 to vector<16xi32>
          %mul3A_308 = arith.muli %add3A_305, %mul3A_307 : vector<16xi32>
          %sub3A_309 = vector.broadcast %mul3A_112 : i32 to vector<16xi32>
          %sub3A_310 = arith.subi %get3A_293, %sub3A_309 : vector<16xi32>
          %add3A_311 = arith.addi %mul3A_308, %sub3A_310 : vector<16xi32>
          %mul3A_312 = arith.constant 16 : i32
          %mul3A_313 = vector.broadcast %mul3A_312 : i32 to vector<16xi32>
          %mul3A_314 = arith.muli %scan3A_290, %mul3A_313 : vector<16xi32>
          %add3A_315 = arith.addi %mul3A_314, %iota3A : vector<16xi32>
          tpu.vector_store_idx %arg8[%add3A_315], %add3A_311 masked %and3A_298 : memref<18816xi32, #tpu.memory_space<vmem>>[vector<16xi32>], vector<16xi32>, vector<16xi1>
          %jit3A_316 = arith.constant 1 : i32
          %jit3A_317 = arith.constant 0 : i32
          %broadcast_in_dim3A_318 = vector.broadcast %jit3A_316 : i32 to vector<16xi32>
          %broadcast_in_dim3A_319 = vector.broadcast %jit3A_317 : i32 to vector<16xi32>
          %select_n3A_320 = arith.select %and3A_298, %broadcast_in_dim3A_318, %broadcast_in_dim3A_319 : vector<16xi1>, vector<16xi32>
          %add3A_321 = arith.addi %scan3A_290, %select_n3A_320 : vector<16xi32>
          scf.yield %add3A_321 : vector<16xi32>
        }
        %scan3A_146 = arith.constant 147 : i32
        %add3A_147 = arith.constant 7056 : i32
        %add3A_148 = arith.addi %mul3A_121, %add3A_147 : i32
        %dma_start3A_149 = tpu.memref_slice %arg3[%add3A_148] : memref<301056xi32, #tpu.memory_space<hbm>> -> memref<2352xi32, #tpu.memory_space<hbm>>
        %dma_start3A_150 = tpu.memref_slice %arg3[%add3A_148] : memref<301056xi32, #tpu.memory_space<hbm>> -> memref<2352xi32, #tpu.memory_space<hbm>>
        tpu.enqueue_dma source(%dma_start3A_150 : memref<2352xi32, #tpu.memory_space<hbm>>) target(%arg7 : memref<2352xi32, #tpu.memory_space<vmem>>) target_semaphore(%arg13 : memref<!tpu.dma_semaphore, #tpu.memory_space<semaphore_mem>>)
        %dma_wait3A_151 = tpu.memref_slice %arg3[%mul3A_121] : memref<301056xi32, #tpu.memory_space<hbm>> -> memref<2352xi32, #tpu.memory_space<hbm>>
        %dma_wait3A_152 = tpu.memref_slice %arg3[%mul3A_121] : memref<301056xi32, #tpu.memory_space<hbm>> -> memref<2352xi32, #tpu.memory_space<hbm>>
        tpu.wait_dma2 semaphore(%arg12 : memref<!tpu.dma_semaphore, #tpu.memory_space<semaphore_mem>>) src(%dma_wait3A_152 : memref<2352xi32, #tpu.memory_space<hbm>>) dst(%arg6 : memref<2352xi32, #tpu.memory_space<vmem>>)
        %scan3A_153 = arith.constant 0 : i32
        %scan3A_154 = arith.constant 147 : i32
        %scan3A_155 = arith.addi %scan3A_153, %scan3A_154 : i32
        %scan3A_156 = arith.constant 1 : i32
        %scan3A_157 = scf.for %scan3A_289 = %scan3A_153 to %scan3A_155 step %scan3A_156 iter_args(%scan3A_290 = %scan3A_145) -> (vector<16xi32>)  : i32 {
          %mul3A_291 = arith.constant 16 : i32
          %mul3A_292 = arith.muli %scan3A_289, %mul3A_291 : i32
          %get3A = arith.index_cast %mul3A_292 : i32 to index
          %get3A_293 = tpu.vector_load %arg6[%get3A] {strides = array<i32>} : memref<2352xi32, #tpu.memory_space<vmem>>, vector<16xi32>,
          %ge3A = vector.broadcast %mul3A_112 : i32 to vector<16xi32>
          %ge3A_294 = arith.cmpi sge, %get3A_293, %ge3A : vector<16xi32>
          %add3A_295 = arith.constant 304 : i32
          %add3A_296 = arith.addi %mul3A_112, %add3A_295 : i32
          %lt3A = vector.broadcast %add3A_296 : i32 to vector<16xi32>
          %lt3A_297 = arith.cmpi slt, %get3A_293, %lt3A : vector<16xi32>
          %and3A_298 = arith.andi %ge3A_294, %lt3A_297 : vector<16xi1>
          %add3A_299 = arith.constant 4704 : i32
          %add3A_300 = arith.addi %mul3A_121, %add3A_299 : i32
          %mul3A_301 = arith.constant 16 : i32
          %mul3A_302 = arith.muli %scan3A_289, %mul3A_301 : i32
          %add3A_303 = arith.addi %add3A_300, %mul3A_302 : i32
          %add3A_304 = vector.broadcast %add3A_303 : i32 to vector<16xi32>
          %add3A_305 = arith.addi %add3A_304, %iota3A : vector<16xi32>
          %mul3A_306 = arith.constant 512 : i32
          %mul3A_307 = vector.broadcast %mul3A_306 : i32 to vector<16xi32>
          %mul3A_308 = arith.muli %add3A_305, %mul3A_307 : vector<16xi32>
          %sub3A_309 = vector.broadcast %mul3A_112 : i32 to vector<16xi32>
          %sub3A_310 = arith.subi %get3A_293, %sub3A_309 : vector<16xi32>
          %add3A_311 = arith.addi %mul3A_308, %sub3A_310 : vector<16xi32>
          %mul3A_312 = arith.constant 16 : i32
          %mul3A_313 = vector.broadcast %mul3A_312 : i32 to vector<16xi32>
          %mul3A_314 = arith.muli %scan3A_290, %mul3A_313 : vector<16xi32>
          %add3A_315 = arith.addi %mul3A_314, %iota3A : vector<16xi32>
          tpu.vector_store_idx %arg8[%add3A_315], %add3A_311 masked %and3A_298 : memref<18816xi32, #tpu.memory_space<vmem>>[vector<16xi32>], vector<16xi32>, vector<16xi1>
          %jit3A_316 = arith.constant 1 : i32
          %jit3A_317 = arith.constant 0 : i32
          %broadcast_in_dim3A_318 = vector.broadcast %jit3A_316 : i32 to vector<16xi32>
          %broadcast_in_dim3A_319 = vector.broadcast %jit3A_317 : i32 to vector<16xi32>
          %select_n3A_320 = arith.select %and3A_298, %broadcast_in_dim3A_318, %broadcast_in_dim3A_319 : vector<16xi1>, vector<16xi32>
          %add3A_321 = arith.addi %scan3A_290, %select_n3A_320 : vector<16xi32>
          scf.yield %add3A_321 : vector<16xi32>
        }
        %scan3A_158 = arith.constant 147 : i32
        %add3A_159 = arith.constant 9408 : i32
        %add3A_160 = arith.addi %mul3A_121, %add3A_159 : i32
        %dma_start3A_161 = tpu.memref_slice %arg3[%add3A_160] : memref<301056xi32, #tpu.memory_space<hbm>> -> memref<2352xi32, #tpu.memory_space<hbm>>
        %dma_start3A_162 = tpu.memref_slice %arg3[%add3A_160] : memref<301056xi32, #tpu.memory_space<hbm>> -> memref<2352xi32, #tpu.memory_space<hbm>>
        tpu.enqueue_dma source(%dma_start3A_162 : memref<2352xi32, #tpu.memory_space<hbm>>) target(%arg6 : memref<2352xi32, #tpu.memory_space<vmem>>) target_semaphore(%arg12 : memref<!tpu.dma_semaphore, #tpu.memory_space<semaphore_mem>>)
        %dma_wait3A_163 = tpu.memref_slice %arg3[%mul3A_121] : memref<301056xi32, #tpu.memory_space<hbm>> -> memref<2352xi32, #tpu.memory_space<hbm>>
        %dma_wait3A_164 = tpu.memref_slice %arg3[%mul3A_121] : memref<301056xi32, #tpu.memory_space<hbm>> -> memref<2352xi32, #tpu.memory_space<hbm>>
        tpu.wait_dma2 semaphore(%arg13 : memref<!tpu.dma_semaphore, #tpu.memory_space<semaphore_mem>>) src(%dma_wait3A_164 : memref<2352xi32, #tpu.memory_space<hbm>>) dst(%arg7 : memref<2352xi32, #tpu.memory_space<vmem>>)
        %scan3A_165 = arith.constant 0 : i32
        %scan3A_166 = arith.constant 147 : i32
        %scan3A_167 = arith.addi %scan3A_165, %scan3A_166 : i32
        %scan3A_168 = arith.constant 1 : i32
        %scan3A_169 = scf.for %scan3A_289 = %scan3A_165 to %scan3A_167 step %scan3A_168 iter_args(%scan3A_290 = %scan3A_157) -> (vector<16xi32>)  : i32 {
          %mul3A_291 = arith.constant 16 : i32
          %mul3A_292 = arith.muli %scan3A_289, %mul3A_291 : i32
          %get3A = arith.index_cast %mul3A_292 : i32 to index
          %get3A_293 = tpu.vector_load %arg7[%get3A] {strides = array<i32>} : memref<2352xi32, #tpu.memory_space<vmem>>, vector<16xi32>,
          %ge3A = vector.broadcast %mul3A_112 : i32 to vector<16xi32>
          %ge3A_294 = arith.cmpi sge, %get3A_293, %ge3A : vector<16xi32>
          %add3A_295 = arith.constant 304 : i32
          %add3A_296 = arith.addi %mul3A_112, %add3A_295 : i32
          %lt3A = vector.broadcast %add3A_296 : i32 to vector<16xi32>
          %lt3A_297 = arith.cmpi slt, %get3A_293, %lt3A : vector<16xi32>
          %and3A_298 = arith.andi %ge3A_294, %lt3A_297 : vector<16xi1>
          %add3A_299 = arith.constant 7056 : i32
          %add3A_300 = arith.addi %mul3A_121, %add3A_299 : i32
          %mul3A_301 = arith.constant 16 : i32
          %mul3A_302 = arith.muli %scan3A_289, %mul3A_301 : i32
          %add3A_303 = arith.addi %add3A_300, %mul3A_302 : i32
          %add3A_304 = vector.broadcast %add3A_303 : i32 to vector<16xi32>
          %add3A_305 = arith.addi %add3A_304, %iota3A : vector<16xi32>
          %mul3A_306 = arith.constant 512 : i32
          %mul3A_307 = vector.broadcast %mul3A_306 : i32 to vector<16xi32>
          %mul3A_308 = arith.muli %add3A_305, %mul3A_307 : vector<16xi32>
          %sub3A_309 = vector.broadcast %mul3A_112 : i32 to vector<16xi32>
          %sub3A_310 = arith.subi %get3A_293, %sub3A_309 : vector<16xi32>
          %add3A_311 = arith.addi %mul3A_308, %sub3A_310 : vector<16xi32>
          %mul3A_312 = arith.constant 16 : i32
          %mul3A_313 = vector.broadcast %mul3A_312 : i32 to vector<16xi32>
          %mul3A_314 = arith.muli %scan3A_290, %mul3A_313 : vector<16xi32>
          %add3A_315 = arith.addi %mul3A_314, %iota3A : vector<16xi32>
          tpu.vector_store_idx %arg8[%add3A_315], %add3A_311 masked %and3A_298 : memref<18816xi32, #tpu.memory_space<vmem>>[vector<16xi32>], vector<16xi32>, vector<16xi1>
          %jit3A_316 = arith.constant 1 : i32
          %jit3A_317 = arith.constant 0 : i32
          %broadcast_in_dim3A_318 = vector.broadcast %jit3A_316 : i32 to vector<16xi32>
          %broadcast_in_dim3A_319 = vector.broadcast %jit3A_317 : i32 to vector<16xi32>
          %select_n3A_320 = arith.select %and3A_298, %broadcast_in_dim3A_318, %broadcast_in_dim3A_319 : vector<16xi1>, vector<16xi32>
          %add3A_321 = arith.addi %scan3A_290, %select_n3A_320 : vector<16xi32>
          scf.yield %add3A_321 : vector<16xi32>
        }
        %scan3A_170 = arith.constant 147 : i32
        %add3A_171 = arith.constant 11760 : i32
        %add3A_172 = arith.addi %mul3A_121, %add3A_171 : i32
        %dma_start3A_173 = tpu.memref_slice %arg3[%add3A_172] : memref<301056xi32, #tpu.memory_space<hbm>> -> memref<2352xi32, #tpu.memory_space<hbm>>
        %dma_start3A_174 = tpu.memref_slice %arg3[%add3A_172] : memref<301056xi32, #tpu.memory_space<hbm>> -> memref<2352xi32, #tpu.memory_space<hbm>>
        tpu.enqueue_dma source(%dma_start3A_174 : memref<2352xi32, #tpu.memory_space<hbm>>) target(%arg7 : memref<2352xi32, #tpu.memory_space<vmem>>) target_semaphore(%arg13 : memref<!tpu.dma_semaphore, #tpu.memory_space<semaphore_mem>>)
        %dma_wait3A_175 = tpu.memref_slice %arg3[%mul3A_121] : memref<301056xi32, #tpu.memory_space<hbm>> -> memref<2352xi32, #tpu.memory_space<hbm>>
        %dma_wait3A_176 = tpu.memref_slice %arg3[%mul3A_121] : memref<301056xi32, #tpu.memory_space<hbm>> -> memref<2352xi32, #tpu.memory_space<hbm>>
        tpu.wait_dma2 semaphore(%arg12 : memref<!tpu.dma_semaphore, #tpu.memory_space<semaphore_mem>>) src(%dma_wait3A_176 : memref<2352xi32, #tpu.memory_space<hbm>>) dst(%arg6 : memref<2352xi32, #tpu.memory_space<vmem>>)
        %scan3A_177 = arith.constant 0 : i32
        %scan3A_178 = arith.constant 147 : i32
        %scan3A_179 = arith.addi %scan3A_177, %scan3A_178 : i32
        %scan3A_180 = arith.constant 1 : i32
        %scan3A_181 = scf.for %scan3A_289 = %scan3A_177 to %scan3A_179 step %scan3A_180 iter_args(%scan3A_290 = %scan3A_169) -> (vector<16xi32>)  : i32 {
          %mul3A_291 = arith.constant 16 : i32
          %mul3A_292 = arith.muli %scan3A_289, %mul3A_291 : i32
          %get3A = arith.index_cast %mul3A_292 : i32 to index
          %get3A_293 = tpu.vector_load %arg6[%get3A] {strides = array<i32>} : memref<2352xi32, #tpu.memory_space<vmem>>, vector<16xi32>,
          %ge3A = vector.broadcast %mul3A_112 : i32 to vector<16xi32>
          %ge3A_294 = arith.cmpi sge, %get3A_293, %ge3A : vector<16xi32>
          %add3A_295 = arith.constant 304 : i32
          %add3A_296 = arith.addi %mul3A_112, %add3A_295 : i32
          %lt3A = vector.broadcast %add3A_296 : i32 to vector<16xi32>
          %lt3A_297 = arith.cmpi slt, %get3A_293, %lt3A : vector<16xi32>
          %and3A_298 = arith.andi %ge3A_294, %lt3A_297 : vector<16xi1>
          %add3A_299 = arith.constant 9408 : i32
          %add3A_300 = arith.addi %mul3A_121, %add3A_299 : i32
          %mul3A_301 = arith.constant 16 : i32
          %mul3A_302 = arith.muli %scan3A_289, %mul3A_301 : i32
          %add3A_303 = arith.addi %add3A_300, %mul3A_302 : i32
          %add3A_304 = vector.broadcast %add3A_303 : i32 to vector<16xi32>
          %add3A_305 = arith.addi %add3A_304, %iota3A : vector<16xi32>
          %mul3A_306 = arith.constant 512 : i32
          %mul3A_307 = vector.broadcast %mul3A_306 : i32 to vector<16xi32>
          %mul3A_308 = arith.muli %add3A_305, %mul3A_307 : vector<16xi32>
          %sub3A_309 = vector.broadcast %mul3A_112 : i32 to vector<16xi32>
          %sub3A_310 = arith.subi %get3A_293, %sub3A_309 : vector<16xi32>
          %add3A_311 = arith.addi %mul3A_308, %sub3A_310 : vector<16xi32>
          %mul3A_312 = arith.constant 16 : i32
          %mul3A_313 = vector.broadcast %mul3A_312 : i32 to vector<16xi32>
          %mul3A_314 = arith.muli %scan3A_290, %mul3A_313 : vector<16xi32>
          %add3A_315 = arith.addi %mul3A_314, %iota3A : vector<16xi32>
          tpu.vector_store_idx %arg8[%add3A_315], %add3A_311 masked %and3A_298 : memref<18816xi32, #tpu.memory_space<vmem>>[vector<16xi32>], vector<16xi32>, vector<16xi1>
          %jit3A_316 = arith.constant 1 : i32
          %jit3A_317 = arith.constant 0 : i32
          %broadcast_in_dim3A_318 = vector.broadcast %jit3A_316 : i32 to vector<16xi32>
          %broadcast_in_dim3A_319 = vector.broadcast %jit3A_317 : i32 to vector<16xi32>
          %select_n3A_320 = arith.select %and3A_298, %broadcast_in_dim3A_318, %broadcast_in_dim3A_319 : vector<16xi1>, vector<16xi32>
          %add3A_321 = arith.addi %scan3A_290, %select_n3A_320 : vector<16xi32>
          scf.yield %add3A_321 : vector<16xi32>
        }
        %scan3A_182 = arith.constant 147 : i32
        %add3A_183 = arith.constant 14112 : i32
        %add3A_184 = arith.addi %mul3A_121, %add3A_183 : i32
        %dma_start3A_185 = tpu.memref_slice %arg3[%add3A_184] : memref<301056xi32, #tpu.memory_space<hbm>> -> memref<2352xi32, #tpu.memory_space<hbm>>
        %dma_start3A_186 = tpu.memref_slice %arg3[%add3A_184] : memref<301056xi32, #tpu.memory_space<hbm>> -> memref<2352xi32, #tpu.memory_space<hbm>>
        tpu.enqueue_dma source(%dma_start3A_186 : memref<2352xi32, #tpu.memory_space<hbm>>) target(%arg6 : memref<2352xi32, #tpu.memory_space<vmem>>) target_semaphore(%arg12 : memref<!tpu.dma_semaphore, #tpu.memory_space<semaphore_mem>>)
        %dma_wait3A_187 = tpu.memref_slice %arg3[%mul3A_121] : memref<301056xi32, #tpu.memory_space<hbm>> -> memref<2352xi32, #tpu.memory_space<hbm>>
        %dma_wait3A_188 = tpu.memref_slice %arg3[%mul3A_121] : memref<301056xi32, #tpu.memory_space<hbm>> -> memref<2352xi32, #tpu.memory_space<hbm>>
        tpu.wait_dma2 semaphore(%arg13 : memref<!tpu.dma_semaphore, #tpu.memory_space<semaphore_mem>>) src(%dma_wait3A_188 : memref<2352xi32, #tpu.memory_space<hbm>>) dst(%arg7 : memref<2352xi32, #tpu.memory_space<vmem>>)
        %scan3A_189 = arith.constant 0 : i32
        %scan3A_190 = arith.constant 147 : i32
        %scan3A_191 = arith.addi %scan3A_189, %scan3A_190 : i32
        %scan3A_192 = arith.constant 1 : i32
        %scan3A_193 = scf.for %scan3A_289 = %scan3A_189 to %scan3A_191 step %scan3A_192 iter_args(%scan3A_290 = %scan3A_181) -> (vector<16xi32>)  : i32 {
          %mul3A_291 = arith.constant 16 : i32
          %mul3A_292 = arith.muli %scan3A_289, %mul3A_291 : i32
          %get3A = arith.index_cast %mul3A_292 : i32 to index
          %get3A_293 = tpu.vector_load %arg7[%get3A] {strides = array<i32>} : memref<2352xi32, #tpu.memory_space<vmem>>, vector<16xi32>,
          %ge3A = vector.broadcast %mul3A_112 : i32 to vector<16xi32>
          %ge3A_294 = arith.cmpi sge, %get3A_293, %ge3A : vector<16xi32>
          %add3A_295 = arith.constant 304 : i32
          %add3A_296 = arith.addi %mul3A_112, %add3A_295 : i32
          %lt3A = vector.broadcast %add3A_296 : i32 to vector<16xi32>
          %lt3A_297 = arith.cmpi slt, %get3A_293, %lt3A : vector<16xi32>
          %and3A_298 = arith.andi %ge3A_294, %lt3A_297 : vector<16xi1>
          %add3A_299 = arith.constant 11760 : i32
          %add3A_300 = arith.addi %mul3A_121, %add3A_299 : i32
          %mul3A_301 = arith.constant 16 : i32
          %mul3A_302 = arith.muli %scan3A_289, %mul3A_301 : i32
          %add3A_303 = arith.addi %add3A_300, %mul3A_302 : i32
          %add3A_304 = vector.broadcast %add3A_303 : i32 to vector<16xi32>
          %add3A_305 = arith.addi %add3A_304, %iota3A : vector<16xi32>
          %mul3A_306 = arith.constant 512 : i32
          %mul3A_307 = vector.broadcast %mul3A_306 : i32 to vector<16xi32>
          %mul3A_308 = arith.muli %add3A_305, %mul3A_307 : vector<16xi32>
          %sub3A_309 = vector.broadcast %mul3A_112 : i32 to vector<16xi32>
          %sub3A_310 = arith.subi %get3A_293, %sub3A_309 : vector<16xi32>
          %add3A_311 = arith.addi %mul3A_308, %sub3A_310 : vector<16xi32>
          %mul3A_312 = arith.constant 16 : i32
          %mul3A_313 = vector.broadcast %mul3A_312 : i32 to vector<16xi32>
          %mul3A_314 = arith.muli %scan3A_290, %mul3A_313 : vector<16xi32>
          %add3A_315 = arith.addi %mul3A_314, %iota3A : vector<16xi32>
          tpu.vector_store_idx %arg8[%add3A_315], %add3A_311 masked %and3A_298 : memref<18816xi32, #tpu.memory_space<vmem>>[vector<16xi32>], vector<16xi32>, vector<16xi1>
          %jit3A_316 = arith.constant 1 : i32
          %jit3A_317 = arith.constant 0 : i32
          %broadcast_in_dim3A_318 = vector.broadcast %jit3A_316 : i32 to vector<16xi32>
          %broadcast_in_dim3A_319 = vector.broadcast %jit3A_317 : i32 to vector<16xi32>
          %select_n3A_320 = arith.select %and3A_298, %broadcast_in_dim3A_318, %broadcast_in_dim3A_319 : vector<16xi1>, vector<16xi32>
          %add3A_321 = arith.addi %scan3A_290, %select_n3A_320 : vector<16xi32>
          scf.yield %add3A_321 : vector<16xi32>
        }
        %scan3A_194 = arith.constant 147 : i32
        %add3A_195 = arith.constant 16464 : i32
        %add3A_196 = arith.addi %mul3A_121, %add3A_195 : i32
        %dma_start3A_197 = tpu.memref_slice %arg3[%add3A_196] : memref<301056xi32, #tpu.memory_space<hbm>> -> memref<2352xi32, #tpu.memory_space<hbm>>
        %dma_start3A_198 = tpu.memref_slice %arg3[%add3A_196] : memref<301056xi32, #tpu.memory_space<hbm>> -> memref<2352xi32, #tpu.memory_space<hbm>>
        tpu.enqueue_dma source(%dma_start3A_198 : memref<2352xi32, #tpu.memory_space<hbm>>) target(%arg7 : memref<2352xi32, #tpu.memory_space<vmem>>) target_semaphore(%arg13 : memref<!tpu.dma_semaphore, #tpu.memory_space<semaphore_mem>>)
        %dma_wait3A_199 = tpu.memref_slice %arg3[%mul3A_121] : memref<301056xi32, #tpu.memory_space<hbm>> -> memref<2352xi32, #tpu.memory_space<hbm>>
        %dma_wait3A_200 = tpu.memref_slice %arg3[%mul3A_121] : memref<301056xi32, #tpu.memory_space<hbm>> -> memref<2352xi32, #tpu.memory_space<hbm>>
        tpu.wait_dma2 semaphore(%arg12 : memref<!tpu.dma_semaphore, #tpu.memory_space<semaphore_mem>>) src(%dma_wait3A_200 : memref<2352xi32, #tpu.memory_space<hbm>>) dst(%arg6 : memref<2352xi32, #tpu.memory_space<vmem>>)
        %scan3A_201 = arith.constant 0 : i32
        %scan3A_202 = arith.constant 147 : i32
        %scan3A_203 = arith.addi %scan3A_201, %scan3A_202 : i32
        %scan3A_204 = arith.constant 1 : i32
        %scan3A_205 = scf.for %scan3A_289 = %scan3A_201 to %scan3A_203 step %scan3A_204 iter_args(%scan3A_290 = %scan3A_193) -> (vector<16xi32>)  : i32 {
          %mul3A_291 = arith.constant 16 : i32
          %mul3A_292 = arith.muli %scan3A_289, %mul3A_291 : i32
          %get3A = arith.index_cast %mul3A_292 : i32 to index
          %get3A_293 = tpu.vector_load %arg6[%get3A] {strides = array<i32>} : memref<2352xi32, #tpu.memory_space<vmem>>, vector<16xi32>,
          %ge3A = vector.broadcast %mul3A_112 : i32 to vector<16xi32>
          %ge3A_294 = arith.cmpi sge, %get3A_293, %ge3A : vector<16xi32>
          %add3A_295 = arith.constant 304 : i32
          %add3A_296 = arith.addi %mul3A_112, %add3A_295 : i32
          %lt3A = vector.broadcast %add3A_296 : i32 to vector<16xi32>
          %lt3A_297 = arith.cmpi slt, %get3A_293, %lt3A : vector<16xi32>
          %and3A_298 = arith.andi %ge3A_294, %lt3A_297 : vector<16xi1>
          %add3A_299 = arith.constant 14112 : i32
          %add3A_300 = arith.addi %mul3A_121, %add3A_299 : i32
          %mul3A_301 = arith.constant 16 : i32
          %mul3A_302 = arith.muli %scan3A_289, %mul3A_301 : i32
          %add3A_303 = arith.addi %add3A_300, %mul3A_302 : i32
          %add3A_304 = vector.broadcast %add3A_303 : i32 to vector<16xi32>
          %add3A_305 = arith.addi %add3A_304, %iota3A : vector<16xi32>
          %mul3A_306 = arith.constant 512 : i32
          %mul3A_307 = vector.broadcast %mul3A_306 : i32 to vector<16xi32>
          %mul3A_308 = arith.muli %add3A_305, %mul3A_307 : vector<16xi32>
          %sub3A_309 = vector.broadcast %mul3A_112 : i32 to vector<16xi32>
          %sub3A_310 = arith.subi %get3A_293, %sub3A_309 : vector<16xi32>
          %add3A_311 = arith.addi %mul3A_308, %sub3A_310 : vector<16xi32>
          %mul3A_312 = arith.constant 16 : i32
          %mul3A_313 = vector.broadcast %mul3A_312 : i32 to vector<16xi32>
          %mul3A_314 = arith.muli %scan3A_290, %mul3A_313 : vector<16xi32>
          %add3A_315 = arith.addi %mul3A_314, %iota3A : vector<16xi32>
          tpu.vector_store_idx %arg8[%add3A_315], %add3A_311 masked %and3A_298 : memref<18816xi32, #tpu.memory_space<vmem>>[vector<16xi32>], vector<16xi32>, vector<16xi1>
          %jit3A_316 = arith.constant 1 : i32
          %jit3A_317 = arith.constant 0 : i32
          %broadcast_in_dim3A_318 = vector.broadcast %jit3A_316 : i32 to vector<16xi32>
          %broadcast_in_dim3A_319 = vector.broadcast %jit3A_317 : i32 to vector<16xi32>
          %select_n3A_320 = arith.select %and3A_298, %broadcast_in_dim3A_318, %broadcast_in_dim3A_319 : vector<16xi1>, vector<16xi32>
          %add3A_321 = arith.addi %scan3A_290, %select_n3A_320 : vector<16xi32>
          scf.yield %add3A_321 : vector<16xi32>
        }
        %scan3A_206 = arith.constant 147 : i32
        %dma_wait3A_207 = tpu.memref_slice %arg3[%mul3A_121] : memref<301056xi32, #tpu.memory_space<hbm>> -> memref<2352xi32, #tpu.memory_space<hbm>>
        %dma_wait3A_208 = tpu.memref_slice %arg3[%mul3A_121] : memref<301056xi32, #tpu.memory_space<hbm>> -> memref<2352xi32, #tpu.memory_space<hbm>>
        tpu.wait_dma2 semaphore(%arg13 : memref<!tpu.dma_semaphore, #tpu.memory_space<semaphore_mem>>) src(%dma_wait3A_208 : memref<2352xi32, #tpu.memory_space<hbm>>) dst(%arg7 : memref<2352xi32, #tpu.memory_space<vmem>>)
        %scan3A_209 = arith.constant 0 : i32
        %scan3A_210 = arith.constant 147 : i32
        %scan3A_211 = arith.addi %scan3A_209, %scan3A_210 : i32
        %scan3A_212 = arith.constant 1 : i32
        %scan3A_213 = scf.for %scan3A_289 = %scan3A_209 to %scan3A_211 step %scan3A_212 iter_args(%scan3A_290 = %scan3A_205) -> (vector<16xi32>)  : i32 {
          %mul3A_291 = arith.constant 16 : i32
          %mul3A_292 = arith.muli %scan3A_289, %mul3A_291 : i32
          %get3A = arith.index_cast %mul3A_292 : i32 to index
          %get3A_293 = tpu.vector_load %arg7[%get3A] {strides = array<i32>} : memref<2352xi32, #tpu.memory_space<vmem>>, vector<16xi32>,
          %ge3A = vector.broadcast %mul3A_112 : i32 to vector<16xi32>
          %ge3A_294 = arith.cmpi sge, %get3A_293, %ge3A : vector<16xi32>
          %add3A_295 = arith.constant 304 : i32
          %add3A_296 = arith.addi %mul3A_112, %add3A_295 : i32
          %lt3A = vector.broadcast %add3A_296 : i32 to vector<16xi32>
          %lt3A_297 = arith.cmpi slt, %get3A_293, %lt3A : vector<16xi32>
          %and3A_298 = arith.andi %ge3A_294, %lt3A_297 : vector<16xi1>
          %add3A_299 = arith.constant 16464 : i32
          %add3A_300 = arith.addi %mul3A_121, %add3A_299 : i32
          %mul3A_301 = arith.constant 16 : i32
          %mul3A_302 = arith.muli %scan3A_289, %mul3A_301 : i32
          %add3A_303 = arith.addi %add3A_300, %mul3A_302 : i32
          %add3A_304 = vector.broadcast %add3A_303 : i32 to vector<16xi32>
          %add3A_305 = arith.addi %add3A_304, %iota3A : vector<16xi32>
          %mul3A_306 = arith.constant 512 : i32
          %mul3A_307 = vector.broadcast %mul3A_306 : i32 to vector<16xi32>
          %mul3A_308 = arith.muli %add3A_305, %mul3A_307 : vector<16xi32>
          %sub3A_309 = vector.broadcast %mul3A_112 : i32 to vector<16xi32>
          %sub3A_310 = arith.subi %get3A_293, %sub3A_309 : vector<16xi32>
          %add3A_311 = arith.addi %mul3A_308, %sub3A_310 : vector<16xi32>
          %mul3A_312 = arith.constant 16 : i32
          %mul3A_313 = vector.broadcast %mul3A_312 : i32 to vector<16xi32>
          %mul3A_314 = arith.muli %scan3A_290, %mul3A_313 : vector<16xi32>
          %add3A_315 = arith.addi %mul3A_314, %iota3A : vector<16xi32>
          tpu.vector_store_idx %arg8[%add3A_315], %add3A_311 masked %and3A_298 : memref<18816xi32, #tpu.memory_space<vmem>>[vector<16xi32>], vector<16xi32>, vector<16xi1>
          %jit3A_316 = arith.constant 1 : i32
          %jit3A_317 = arith.constant 0 : i32
          %broadcast_in_dim3A_318 = vector.broadcast %jit3A_316 : i32 to vector<16xi32>
          %broadcast_in_dim3A_319 = vector.broadcast %jit3A_317 : i32 to vector<16xi32>
          %select_n3A_320 = arith.select %and3A_298, %broadcast_in_dim3A_318, %broadcast_in_dim3A_319 : vector<16xi1>, vector<16xi32>
          %add3A_321 = arith.addi %scan3A_290, %select_n3A_320 : vector<16xi32>
          scf.yield %add3A_321 : vector<16xi32>
        }
        %scan3A_214 = arith.constant 147 : i32
        %slice3A = vector.extract_strided_slice %scan3A_213 {offsets = [0], sizes = [1], strides = [1]} : vector<16xi32> to vector<1xi32>
        %squeeze3A = vector.extract %slice3A[0] : i32 from vector<1xi32>
        %slice3A_215 = vector.extract_strided_slice %scan3A_213 {offsets = [1], sizes = [1], strides = [1]} : vector<16xi32> to vector<1xi32>
        %squeeze3A_216 = vector.extract %slice3A_215[0] : i32 from vector<1xi32>
        %max3A = arith.maxsi %squeeze3A, %squeeze3A_216 : i32
        %slice3A_217 = vector.extract_strided_slice %scan3A_213 {offsets = [2], sizes = [1], strides = [1]} : vector<16xi32> to vector<1xi32>
        %squeeze3A_218 = vector.extract %slice3A_217[0] : i32 from vector<1xi32>
        %max3A_219 = arith.maxsi %max3A, %squeeze3A_218 : i32
        %slice3A_220 = vector.extract_strided_slice %scan3A_213 {offsets = [3], sizes = [1], strides = [1]} : vector<16xi32> to vector<1xi32>
        %squeeze3A_221 = vector.extract %slice3A_220[0] : i32 from vector<1xi32>
        %max3A_222 = arith.maxsi %max3A_219, %squeeze3A_221 : i32
        %slice3A_223 = vector.extract_strided_slice %scan3A_213 {offsets = [4], sizes = [1], strides = [1]} : vector<16xi32> to vector<1xi32>
        %squeeze3A_224 = vector.extract %slice3A_223[0] : i32 from vector<1xi32>
        %max3A_225 = arith.maxsi %max3A_222, %squeeze3A_224 : i32
        %slice3A_226 = vector.extract_strided_slice %scan3A_213 {offsets = [5], sizes = [1], strides = [1]} : vector<16xi32> to vector<1xi32>
        %squeeze3A_227 = vector.extract %slice3A_226[0] : i32 from vector<1xi32>
        %max3A_228 = arith.maxsi %max3A_225, %squeeze3A_227 : i32
        %slice3A_229 = vector.extract_strided_slice %scan3A_213 {offsets = [6], sizes = [1], strides = [1]} : vector<16xi32> to vector<1xi32>
        %squeeze3A_230 = vector.extract %slice3A_229[0] : i32 from vector<1xi32>
        %max3A_231 = arith.maxsi %max3A_228, %squeeze3A_230 : i32
        %slice3A_232 = vector.extract_strided_slice %scan3A_213 {offsets = [7], sizes = [1], strides = [1]} : vector<16xi32> to vector<1xi32>
        %squeeze3A_233 = vector.extract %slice3A_232[0] : i32 from vector<1xi32>
        %max3A_234 = arith.maxsi %max3A_231, %squeeze3A_233 : i32
        %slice3A_235 = vector.extract_strided_slice %scan3A_213 {offsets = [8], sizes = [1], strides = [1]} : vector<16xi32> to vector<1xi32>
        %squeeze3A_236 = vector.extract %slice3A_235[0] : i32 from vector<1xi32>
        %max3A_237 = arith.maxsi %max3A_234, %squeeze3A_236 : i32
        %slice3A_238 = vector.extract_strided_slice %scan3A_213 {offsets = [9], sizes = [1], strides = [1]} : vector<16xi32> to vector<1xi32>
        %squeeze3A_239 = vector.extract %slice3A_238[0] : i32 from vector<1xi32>
        %max3A_240 = arith.maxsi %max3A_237, %squeeze3A_239 : i32
        %slice3A_241 = vector.extract_strided_slice %scan3A_213 {offsets = [10], sizes = [1], strides = [1]} : vector<16xi32> to vector<1xi32>
        %squeeze3A_242 = vector.extract %slice3A_241[0] : i32 from vector<1xi32>
        %max3A_243 = arith.maxsi %max3A_240, %squeeze3A_242 : i32
        %slice3A_244 = vector.extract_strided_slice %scan3A_213 {offsets = [11], sizes = [1], strides = [1]} : vector<16xi32> to vector<1xi32>
        %squeeze3A_245 = vector.extract %slice3A_244[0] : i32 from vector<1xi32>
        %max3A_246 = arith.maxsi %max3A_243, %squeeze3A_245 : i32
        %slice3A_247 = vector.extract_strided_slice %scan3A_213 {offsets = [12], sizes = [1], strides = [1]} : vector<16xi32> to vector<1xi32>
        %squeeze3A_248 = vector.extract %slice3A_247[0] : i32 from vector<1xi32>
        %max3A_249 = arith.maxsi %max3A_246, %squeeze3A_248 : i32
        %slice3A_250 = vector.extract_strided_slice %scan3A_213 {offsets = [13], sizes = [1], strides = [1]} : vector<16xi32> to vector<1xi32>
        %squeeze3A_251 = vector.extract %slice3A_250[0] : i32 from vector<1xi32>
        %max3A_252 = arith.maxsi %max3A_249, %squeeze3A_251 : i32
        %slice3A_253 = vector.extract_strided_slice %scan3A_213 {offsets = [14], sizes = [1], strides = [1]} : vector<16xi32> to vector<1xi32>
        %squeeze3A_254 = vector.extract %slice3A_253[0] : i32 from vector<1xi32>
        %max3A_255 = arith.maxsi %max3A_252, %squeeze3A_254 : i32
        %slice3A_256 = vector.extract_strided_slice %scan3A_213 {offsets = [15], sizes = [1], strides = [1]} : vector<16xi32> to vector<1xi32>
        %squeeze3A_257 = vector.extract %slice3A_256[0] : i32 from vector<1xi32>
        %max3A_258 = arith.maxsi %max3A_255, %squeeze3A_257 : i32
        %add3A_259 = arith.constant 4 : i32
        %add3A_260 = arith.addi %max3A_258, %add3A_259 : i32
        %sub3A = arith.constant 1 : i32
        %sub3A_261 = arith.subi %add3A_260, %sub3A : i32
        %jit3A = arith.constant 4 : i32
        %div3A = arith.divsi %sub3A_261, %jit3A : i32
        %sign3A = arith.constant 0 : i32
        %sign3A_262 = arith.cmpi sgt, %sub3A_261, %sign3A : i32
        %sign3A_263 = arith.extui %sign3A_262 : i1 to i32
        %sign3A_264 = arith.constant 0 : i32
        %sign3A_265 = arith.cmpi slt, %sub3A_261, %sign3A_264 : i32
        %sign3A_266 = arith.extui %sign3A_265 : i1 to i32
        %sign3A_267 = arith.subi %sign3A_263, %sign3A_266 : i32
        %sign3A_268 = arith.constant 0 : i32
        %sign3A_269 = arith.cmpi sgt, %jit3A, %sign3A_268 : i32
        %sign3A_270 = arith.extui %sign3A_269 : i1 to i32
        %sign3A_271 = arith.constant 0 : i32
        %sign3A_272 = arith.cmpi slt, %jit3A, %sign3A_271 : i32
        %sign3A_273 = arith.extui %sign3A_272 : i1 to i32
        %sign3A_274 = arith.subi %sign3A_270, %sign3A_273 : i32
        %ne3A = arith.cmpi ne, %sign3A_267, %sign3A_274 : i32
        %rem3A = arith.remsi %sub3A_261, %jit3A : i32
        %ne3A_275 = arith.constant 0 : i32
        %ne3A_276 = arith.cmpi ne, %rem3A, %ne3A_275 : i32
        %and3A_277 = arith.andi %ne3A, %ne3A_276 : i1
        %sub3A_278 = arith.constant 1 : i32
        %sub3A_279 = arith.subi %div3A, %sub3A_278 : i32
        %select_n3A = arith.select %and3A_277, %sub3A_279, %div3A : i32
        %while3A = arith.constant 0 : i32
        %while3A_280 = arith.constant 0 : i32
        %while3A_281 = arith.subi %select_n3A, %while3A_280 : i32
        %while3A_282 = arith.addi %while3A_280, %while3A_281 : i32
        %while3A_283 = arith.constant 1 : i32
        %while3A_284 = arith.divsi %while3A_281, %while3A_283 : i32
        %while3A_285 = arith.muli %while3A_284, %while3A_283 : i32
        %while3A_286 = arith.addi %while3A_280, %while3A_285 : i32
        %while3A_287 = arith.constant 1 : i32
        scf.for %while3A_289 = %while3A_280 to %while3A_286 step %while3A_287  : i32 {
          %min3A = arith.constant 293 : i32
          %min3A_290 = arith.minsi %while3A_289, %min3A : i32
          %mul3A_291 = arith.constant 64 : i32
          %mul3A_292 = arith.muli %min3A_290, %mul3A_291 : i32
          %add3A_293 = arith.constant 0 : i32
          %add3A_294 = arith.addi %mul3A_292, %add3A_293 : i32
          %get3A = arith.index_cast %add3A_294 : i32 to index
          %get3A_295 = tpu.vector_load %arg8[%get3A] {strides = array<i32>} : memref<18816xi32, #tpu.memory_space<vmem>>, vector<16xi32>,
          %shift_right_logical3A = arith.constant 9 : i32
          %shift_right_logical3A_296 = vector.broadcast %shift_right_logical3A : i32 to vector<16xi32>
          %shift_right_logical3A_297 = arith.shrui %get3A_295, %shift_right_logical3A_296 : vector<16xi32>
          %swap3A = arith.constant 0 : index
          %swap3A_298 = tpu.vector_load %arg9[%swap3A] {strides = array<i32>} : memref<64xi32, #tpu.memory_space<vmem>>, vector<16xi32>,
          tpu.vector_store %arg9[%swap3A], %shift_right_logical3A_297 {strides = array<i32>} : memref<64xi32, #tpu.memory_space<vmem>>, vector<16xi32>,
          %mul3A_299 = arith.constant 64 : i32
          %mul3A_300 = arith.muli %min3A_290, %mul3A_299 : i32
          %add3A_301 = arith.constant 16 : i32
          %add3A_302 = arith.addi %mul3A_300, %add3A_301 : i32
          %get3A_303 = arith.index_cast %add3A_302 : i32 to index
          %get3A_304 = tpu.vector_load %arg8[%get3A_303] {strides = array<i32>} : memref<18816xi32, #tpu.memory_space<vmem>>, vector<16xi32>,
          %shift_right_logical3A_305 = arith.constant 9 : i32
          %shift_right_logical3A_306 = vector.broadcast %shift_right_logical3A_305 : i32 to vector<16xi32>
          %shift_right_logical3A_307 = arith.shrui %get3A_304, %shift_right_logical3A_306 : vector<16xi32>
          %swap3A_308 = arith.constant 16 : index
          %swap3A_309 = tpu.vector_load %arg9[%swap3A_308] {strides = array<i32>} : memref<64xi32, #tpu.memory_space<vmem>>, vector<16xi32>,
          tpu.vector_store %arg9[%swap3A_308], %shift_right_logical3A_307 {strides = array<i32>} : memref<64xi32, #tpu.memory_space<vmem>>, vector<16xi32>,
          %mul3A_310 = arith.constant 64 : i32
          %mul3A_311 = arith.muli %min3A_290, %mul3A_310 : i32
          %add3A_312 = arith.constant 32 : i32
          %add3A_313 = arith.addi %mul3A_311, %add3A_312 : i32
          %get3A_314 = arith.index_cast %add3A_313 : i32 to index
          %get3A_315 = tpu.vector_load %arg8[%get3A_314] {strides = array<i32>} : memref<18816xi32, #tpu.memory_space<vmem>>, vector<16xi32>,
          %shift_right_logical3A_316 = arith.constant 9 : i32
          %shift_right_logical3A_317 = vector.broadcast %shift_right_logical3A_316 : i32 to vector<16xi32>
          %shift_right_logical3A_318 = arith.shrui %get3A_315, %shift_right_logical3A_317 : vector<16xi32>
          %swap3A_319 = arith.constant 32 : index
          %swap3A_320 = tpu.vector_load %arg9[%swap3A_319] {strides = array<i32>} : memref<64xi32, #tpu.memory_space<vmem>>, vector<16xi32>,
          tpu.vector_store %arg9[%swap3A_319], %shift_right_logical3A_318 {strides = array<i32>} : memref<64xi32, #tpu.memory_space<vmem>>, vector<16xi32>,
          %mul3A_321 = arith.constant 64 : i32
          %mul3A_322 = arith.muli %min3A_290, %mul3A_321 : i32
          %add3A_323 = arith.constant 48 : i32
          %add3A_324 = arith.addi %mul3A_322, %add3A_323 : i32
          %get3A_325 = arith.index_cast %add3A_324 : i32 to index
          %get3A_326 = tpu.vector_load %arg8[%get3A_325] {strides = array<i32>} : memref<18816xi32, #tpu.memory_space<vmem>>, vector<16xi32>,
          %shift_right_logical3A_327 = arith.constant 9 : i32
          %shift_right_logical3A_328 = vector.broadcast %shift_right_logical3A_327 : i32 to vector<16xi32>
          %shift_right_logical3A_329 = arith.shrui %get3A_326, %shift_right_logical3A_328 : vector<16xi32>
          %swap3A_330 = arith.constant 48 : index
          %swap3A_331 = tpu.vector_load %arg9[%swap3A_330] {strides = array<i32>} : memref<64xi32, #tpu.memory_space<vmem>>, vector<16xi32>,
          tpu.vector_store %arg9[%swap3A_330], %shift_right_logical3A_329 {strides = array<i32>} : memref<64xi32, #tpu.memory_space<vmem>>, vector<16xi32>,
          %dma_start3A_332 = arith.constant 0 : i32
          %dma_start3A_333 = arith.constant 0 : i32
          %dma_start3A_334 = tpu.memref_slice %arg4[%dma_start3A_332, %dma_start3A_333] : memref<300000x256xf32, #tpu.memory_space<hbm>> -> memref<300000x256xf32, #tpu.memory_space<hbm>>
          tpu.enqueue_indirect_dma source(%dma_start3A_334 : memref<300000x256xf32, #tpu.memory_space<hbm>>) target(%arg10 : memref<64x256xf32, #tpu.memory_space<vmem>>) offsets(%arg9 : memref<64xi32, #tpu.memory_space<vmem>>) semaphore(%arg14 : memref<!tpu.dma_semaphore, #tpu.memory_space<semaphore_mem>>)
          %dma_wait3A_335 = arith.constant 0 : i32
          %dma_wait3A_336 = arith.constant 0 : i32
          %dma_wait3A_337 = tpu.memref_slice %arg4[%dma_wait3A_335, %dma_wait3A_336] : memref<300000x256xf32, #tpu.memory_space<hbm>> -> memref<300000x256xf32, #tpu.memory_space<hbm>>
          tpu.wait_indirect_dma semaphore(%arg14 : memref<!tpu.dma_semaphore, #tpu.memory_space<semaphore_mem>>) src(%dma_wait3A_337 : memref<300000x256xf32, #tpu.memory_space<hbm>>) dst(%arg10 : memref<64x256xf32, #tpu.memory_space<vmem>>)
          %scan3A_338 = arith.constant 0 : i32
          %scan3A_339 = arith.constant 0 : i32
          %scan3A_340 = arith.constant 4 : i32
          %scan3A_341 = arith.addi %scan3A_339, %scan3A_340 : i32
          %scan3A_342 = arith.constant 1 : i32
          scf.for %scan3A_344 = %scan3A_339 to %scan3A_341 step %scan3A_342  : i32 {
            %mul3A_345 = arith.constant 64 : i32
            %mul3A_346 = arith.muli %min3A_290, %mul3A_345 : i32
            %mul3A_347 = arith.constant 16 : i32
            %mul3A_348 = arith.muli %scan3A_344, %mul3A_347 : i32
            %add3A_349 = arith.addi %mul3A_346, %mul3A_348 : i32
            %get3A_350 = arith.index_cast %add3A_349 : i32 to index
            %get3A_351 = tpu.vector_load %arg8[%get3A_350] {strides = array<i32>} : memref<18816xi32, #tpu.memory_space<vmem>>, vector<16xi32>,
            %and3A_352 = arith.constant 511 : i32
            %and3A_353 = vector.broadcast %and3A_352 : i32 to vector<16xi32>
            %and3A_354 = arith.andi %get3A_351, %and3A_353 : vector<16xi32>
            %mul3A_355 = arith.constant 4 : i32
            %mul3A_356 = arith.muli %while3A_289, %mul3A_355 : i32
            %add3A_357 = arith.addi %mul3A_356, %scan3A_344 : i32
            %lt3A = vector.broadcast %add3A_357 : i32 to vector<16xi32>
            %lt3A_358 = arith.cmpi slt, %lt3A, %scan3A_213 : vector<16xi32>
            %jit3A_359 = arith.constant 304 : i32
            %broadcast_in_dim3A_360 = vector.broadcast %jit3A_359 : i32 to vector<16xi32>
            %select_n3A_361 = arith.select %lt3A_358, %and3A_354, %broadcast_in_dim3A_360 : vector<16xi1>, vector<16xi32>
            %mul3A_362 = arith.constant 16 : i32
            %mul3A_363 = arith.muli %scan3A_344, %mul3A_362 : i32
            %add3A_364 = vector.broadcast %mul3A_363 : i32 to vector<16xi32>
            %add3A_365 = arith.addi %add3A_364, %iota3A : vector<16xi32>
            %scan3A_366 = arith.constant 0 : i32
            %scan3A_367 = arith.constant 0 : i32
            %scan3A_368 = arith.constant 16 : i32
            %scan3A_369 = arith.addi %scan3A_367, %scan3A_368 : i32
            %scan3A_370 = arith.constant 1 : i32
            scf.for %scan3A_372 = %scan3A_367 to %scan3A_369 step %scan3A_370  : i32 {
              %mul3A_373 = arith.constant 16 : i32
              %mul3A_374 = arith.muli %scan3A_372, %mul3A_373 : i32
              %add3A_375 = vector.broadcast %mul3A_374 : i32 to vector<16xi32>
              %add3A_376 = arith.addi %add3A_375, %and3A_5 : vector<16xi32>
              %gather3A = tpu.vector_load_idx %arg10[%add3A_365, %add3A_376] : memref<64x256xf32, #tpu.memory_space<vmem>>[vector<16xi32>, vector<16xi32>], vector<16xf32>,
              tpu.vector_store_idx %arg11[%select_n3A_361, %add3A_376], %gather3A {add = true} : memref<312x256xf32, #tpu.memory_space<vmem>>[vector<16xi32>, vector<16xi32>], vector<16xf32>,
              %mul3A_377 = arith.constant 16 : i32
              %mul3A_378 = arith.muli %scan3A_372, %mul3A_377 : i32
              %add3A_379 = vector.broadcast %mul3A_378 : i32 to vector<16xi32>
              %add3A_380 = arith.addi %add3A_379, %and3A_11 : vector<16xi32>
              %gather3A_381 = tpu.vector_load_idx %arg10[%add3A_365, %add3A_380] : memref<64x256xf32, #tpu.memory_space<vmem>>[vector<16xi32>, vector<16xi32>], vector<16xf32>,
              tpu.vector_store_idx %arg11[%select_n3A_361, %add3A_380], %gather3A_381 {add = true} : memref<312x256xf32, #tpu.memory_space<vmem>>[vector<16xi32>, vector<16xi32>], vector<16xf32>,
              %mul3A_382 = arith.constant 16 : i32
              %mul3A_383 = arith.muli %scan3A_372, %mul3A_382 : i32
              %add3A_384 = vector.broadcast %mul3A_383 : i32 to vector<16xi32>
              %add3A_385 = arith.addi %add3A_384, %and3A_17 : vector<16xi32>
              %gather3A_386 = tpu.vector_load_idx %arg10[%add3A_365, %add3A_385] : memref<64x256xf32, #tpu.memory_space<vmem>>[vector<16xi32>, vector<16xi32>], vector<16xf32>,
              tpu.vector_store_idx %arg11[%select_n3A_361, %add3A_385], %gather3A_386 {add = true} : memref<312x256xf32, #tpu.memory_space<vmem>>[vector<16xi32>, vector<16xi32>], vector<16xf32>,
              %mul3A_387 = arith.constant 16 : i32
              %mul3A_388 = arith.muli %scan3A_372, %mul3A_387 : i32
              %add3A_389 = vector.broadcast %mul3A_388 : i32 to vector<16xi32>
              %add3A_390 = arith.addi %add3A_389, %and3A_23 : vector<16xi32>
              %gather3A_391 = tpu.vector_load_idx %arg10[%add3A_365, %add3A_390] : memref<64x256xf32, #tpu.memory_space<vmem>>[vector<16xi32>, vector<16xi32>], vector<16xf32>,
              tpu.vector_store_idx %arg11[%select_n3A_361, %add3A_390], %gather3A_391 {add = true} : memref<312x256xf32, #tpu.memory_space<vmem>>[vector<16xi32>, vector<16xi32>], vector<16xf32>,
              %mul3A_392 = arith.constant 16 : i32
              %mul3A_393 = arith.muli %scan3A_372, %mul3A_392 : i32
              %add3A_394 = vector.broadcast %mul3A_393 : i32 to vector<16xi32>
              %add3A_395 = arith.addi %add3A_394, %and3A_29 : vector<16xi32>
              %gather3A_396 = tpu.vector_load_idx %arg10[%add3A_365, %add3A_395] : memref<64x256xf32, #tpu.memory_space<vmem>>[vector<16xi32>, vector<16xi32>], vector<16xf32>,
              tpu.vector_store_idx %arg11[%select_n3A_361, %add3A_395], %gather3A_396 {add = true} : memref<312x256xf32, #tpu.memory_space<vmem>>[vector<16xi32>, vector<16xi32>], vector<16xf32>,
              %mul3A_397 = arith.constant 16 : i32
              %mul3A_398 = arith.muli %scan3A_372, %mul3A_397 : i32
              %add3A_399 = vector.broadcast %mul3A_398 : i32 to vector<16xi32>
              %add3A_400 = arith.addi %add3A_399, %and3A_35 : vector<16xi32>
              %gather3A_401 = tpu.vector_load_idx %arg10[%add3A_365, %add3A_400] : memref<64x256xf32, #tpu.memory_space<vmem>>[vector<16xi32>, vector<16xi32>], vector<16xf32>,
              tpu.vector_store_idx %arg11[%select_n3A_361, %add3A_400], %gather3A_401 {add = true} : memref<312x256xf32, #tpu.memory_space<vmem>>[vector<16xi32>, vector<16xi32>], vector<16xf32>,
              %mul3A_402 = arith.constant 16 : i32
              %mul3A_403 = arith.muli %scan3A_372, %mul3A_402 : i32
              %add3A_404 = vector.broadcast %mul3A_403 : i32 to vector<16xi32>
              %add3A_405 = arith.addi %add3A_404, %and3A_41 : vector<16xi32>
              %gather3A_406 = tpu.vector_load_idx %arg10[%add3A_365, %add3A_405] : memref<64x256xf32, #tpu.memory_space<vmem>>[vector<16xi32>, vector<16xi32>], vector<16xf32>,
              tpu.vector_store_idx %arg11[%select_n3A_361, %add3A_405], %gather3A_406 {add = true} : memref<312x256xf32, #tpu.memory_space<vmem>>[vector<16xi32>, vector<16xi32>], vector<16xf32>,
              %mul3A_407 = arith.constant 16 : i32
              %mul3A_408 = arith.muli %scan3A_372, %mul3A_407 : i32
              %add3A_409 = vector.broadcast %mul3A_408 : i32 to vector<16xi32>
              %add3A_410 = arith.addi %add3A_409, %and3A_47 : vector<16xi32>
              %gather3A_411 = tpu.vector_load_idx %arg10[%add3A_365, %add3A_410] : memref<64x256xf32, #tpu.memory_space<vmem>>[vector<16xi32>, vector<16xi32>], vector<16xf32>,
              tpu.vector_store_idx %arg11[%select_n3A_361, %add3A_410], %gather3A_411 {add = true} : memref<312x256xf32, #tpu.memory_space<vmem>>[vector<16xi32>, vector<16xi32>], vector<16xf32>,
              %mul3A_412 = arith.constant 16 : i32
              %mul3A_413 = arith.muli %scan3A_372, %mul3A_412 : i32
              %add3A_414 = vector.broadcast %mul3A_413 : i32 to vector<16xi32>
              %add3A_415 = arith.addi %add3A_414, %and3A_53 : vector<16xi32>
              %gather3A_416 = tpu.vector_load_idx %arg10[%add3A_365, %add3A_415] : memref<64x256xf32, #tpu.memory_space<vmem>>[vector<16xi32>, vector<16xi32>], vector<16xf32>,
              tpu.vector_store_idx %arg11[%select_n3A_361, %add3A_415], %gather3A_416 {add = true} : memref<312x256xf32, #tpu.memory_space<vmem>>[vector<16xi32>, vector<16xi32>], vector<16xf32>,
              %mul3A_417 = arith.constant 16 : i32
              %mul3A_418 = arith.muli %scan3A_372, %mul3A_417 : i32
              %add3A_419 = vector.broadcast %mul3A_418 : i32 to vector<16xi32>
              %add3A_420 = arith.addi %add3A_419, %and3A_59 : vector<16xi32>
              %gather3A_421 = tpu.vector_load_idx %arg10[%add3A_365, %add3A_420] : memref<64x256xf32, #tpu.memory_space<vmem>>[vector<16xi32>, vector<16xi32>], vector<16xf32>,
              tpu.vector_store_idx %arg11[%select_n3A_361, %add3A_420], %gather3A_421 {add = true} : memref<312x256xf32, #tpu.memory_space<vmem>>[vector<16xi32>, vector<16xi32>], vector<16xf32>,
              %mul3A_422 = arith.constant 16 : i32
              %mul3A_423 = arith.muli %scan3A_372, %mul3A_422 : i32
              %add3A_424 = vector.broadcast %mul3A_423 : i32 to vector<16xi32>
              %add3A_425 = arith.addi %add3A_424, %and3A_65 : vector<16xi32>
              %gather3A_426 = tpu.vector_load_idx %arg10[%add3A_365, %add3A_425] : memref<64x256xf32, #tpu.memory_space<vmem>>[vector<16xi32>, vector<16xi32>], vector<16xf32>,
              tpu.vector_store_idx %arg11[%select_n3A_361, %add3A_425], %gather3A_426 {add = true} : memref<312x256xf32, #tpu.memory_space<vmem>>[vector<16xi32>, vector<16xi32>], vector<16xf32>,
              %mul3A_427 = arith.constant 16 : i32
              %mul3A_428 = arith.muli %scan3A_372, %mul3A_427 : i32
              %add3A_429 = vector.broadcast %mul3A_428 : i32 to vector<16xi32>
              %add3A_430 = arith.addi %add3A_429, %and3A_71 : vector<16xi32>
              %gather3A_431 = tpu.vector_load_idx %arg10[%add3A_365, %add3A_430] : memref<64x256xf32, #tpu.memory_space<vmem>>[vector<16xi32>, vector<16xi32>], vector<16xf32>,
              tpu.vector_store_idx %arg11[%select_n3A_361, %add3A_430], %gather3A_431 {add = true} : memref<312x256xf32, #tpu.memory_space<vmem>>[vector<16xi32>, vector<16xi32>], vector<16xf32>,
              %mul3A_432 = arith.constant 16 : i32
              %mul3A_433 = arith.muli %scan3A_372, %mul3A_432 : i32
              %add3A_434 = vector.broadcast %mul3A_433 : i32 to vector<16xi32>
              %add3A_435 = arith.addi %add3A_434, %and3A_77 : vector<16xi32>
              %gather3A_436 = tpu.vector_load_idx %arg10[%add3A_365, %add3A_435] : memref<64x256xf32, #tpu.memory_space<vmem>>[vector<16xi32>, vector<16xi32>], vector<16xf32>,
              tpu.vector_store_idx %arg11[%select_n3A_361, %add3A_435], %gather3A_436 {add = true} : memref<312x256xf32, #tpu.memory_space<vmem>>[vector<16xi32>, vector<16xi32>], vector<16xf32>,
              %mul3A_437 = arith.constant 16 : i32
              %mul3A_438 = arith.muli %scan3A_372, %mul3A_437 : i32
              %add3A_439 = vector.broadcast %mul3A_438 : i32 to vector<16xi32>
              %add3A_440 = arith.addi %add3A_439, %and3A_83 : vector<16xi32>
              %gather3A_441 = tpu.vector_load_idx %arg10[%add3A_365, %add3A_440] : memref<64x256xf32, #tpu.memory_space<vmem>>[vector<16xi32>, vector<16xi32>], vector<16xf32>,
              tpu.vector_store_idx %arg11[%select_n3A_361, %add3A_440], %gather3A_441 {add = true} : memref<312x256xf32, #tpu.memory_space<vmem>>[vector<16xi32>, vector<16xi32>], vector<16xf32>,
              %mul3A_442 = arith.constant 16 : i32
              %mul3A_443 = arith.muli %scan3A_372, %mul3A_442 : i32
              %add3A_444 = vector.broadcast %mul3A_443 : i32 to vector<16xi32>
              %add3A_445 = arith.addi %add3A_444, %and3A_89 : vector<16xi32>
              %gather3A_446 = tpu.vector_load_idx %arg10[%add3A_365, %add3A_445] : memref<64x256xf32, #tpu.memory_space<vmem>>[vector<16xi32>, vector<16xi32>], vector<16xf32>,
              tpu.vector_store_idx %arg11[%select_n3A_361, %add3A_445], %gather3A_446 {add = true} : memref<312x256xf32, #tpu.memory_space<vmem>>[vector<16xi32>, vector<16xi32>], vector<16xf32>,
              %mul3A_447 = arith.constant 16 : i32
              %mul3A_448 = arith.muli %scan3A_372, %mul3A_447 : i32
              %add3A_449 = vector.broadcast %mul3A_448 : i32 to vector<16xi32>
              %add3A_450 = arith.addi %add3A_449, %and3A_95 : vector<16xi32>
              %gather3A_451 = tpu.vector_load_idx %arg10[%add3A_365, %add3A_450] : memref<64x256xf32, #tpu.memory_space<vmem>>[vector<16xi32>, vector<16xi32>], vector<16xf32>,
              tpu.vector_store_idx %arg11[%select_n3A_361, %add3A_450], %gather3A_451 {add = true} : memref<312x256xf32, #tpu.memory_space<vmem>>[vector<16xi32>, vector<16xi32>], vector<16xf32>,
            }
            %scan3A_371 = arith.constant 16 : i32
          }
          %scan3A_343 = arith.constant 4 : i32
        }
        %while3A_288 = arith.constant 1 : i32
        scf.for %while3A_289 = %while3A_286 to %while3A_282 step %while3A_288  : i32 {
          %min3A = arith.constant 293 : i32
          %min3A_290 = arith.minsi %while3A_289, %min3A : i32
          %mul3A_291 = arith.constant 64 : i32
          %mul3A_292 = arith.muli %min3A_290, %mul3A_291 : i32
          %add3A_293 = arith.constant 0 : i32
          %add3A_294 = arith.addi %mul3A_292, %add3A_293 : i32
          %get3A = arith.index_cast %add3A_294 : i32 to index
          %get3A_295 = tpu.vector_load %arg8[%get3A] {strides = array<i32>} : memref<18816xi32, #tpu.memory_space<vmem>>, vector<16xi32>,
          %shift_right_logical3A = arith.constant 9 : i32
          %shift_right_logical3A_296 = vector.broadcast %shift_right_logical3A : i32 to vector<16xi32>
          %shift_right_logical3A_297 = arith.shrui %get3A_295, %shift_right_logical3A_296 : vector<16xi32>
          %swap3A = arith.constant 0 : index
          %swap3A_298 = tpu.vector_load %arg9[%swap3A] {strides = array<i32>} : memref<64xi32, #tpu.memory_space<vmem>>, vector<16xi32>,
          tpu.vector_store %arg9[%swap3A], %shift_right_logical3A_297 {strides = array<i32>} : memref<64xi32, #tpu.memory_space<vmem>>, vector<16xi32>,
          %mul3A_299 = arith.constant 64 : i32
          %mul3A_300 = arith.muli %min3A_290, %mul3A_299 : i32
          %add3A_301 = arith.constant 16 : i32
          %add3A_302 = arith.addi %mul3A_300, %add3A_301 : i32
          %get3A_303 = arith.index_cast %add3A_302 : i32 to index
          %get3A_304 = tpu.vector_load %arg8[%get3A_303] {strides = array<i32>} : memref<18816xi32, #tpu.memory_space<vmem>>, vector<16xi32>,
          %shift_right_logical3A_305 = arith.constant 9 : i32
          %shift_right_logical3A_306 = vector.broadcast %shift_right_logical3A_305 : i32 to vector<16xi32>
          %shift_right_logical3A_307 = arith.shrui %get3A_304, %shift_right_logical3A_306 : vector<16xi32>
          %swap3A_308 = arith.constant 16 : index
          %swap3A_309 = tpu.vector_load %arg9[%swap3A_308] {strides = array<i32>} : memref<64xi32, #tpu.memory_space<vmem>>, vector<16xi32>,
          tpu.vector_store %arg9[%swap3A_308], %shift_right_logical3A_307 {strides = array<i32>} : memref<64xi32, #tpu.memory_space<vmem>>, vector<16xi32>,
          %mul3A_310 = arith.constant 64 : i32
          %mul3A_311 = arith.muli %min3A_290, %mul3A_310 : i32
          %add3A_312 = arith.constant 32 : i32
          %add3A_313 = arith.addi %mul3A_311, %add3A_312 : i32
          %get3A_314 = arith.index_cast %add3A_313 : i32 to index
          %get3A_315 = tpu.vector_load %arg8[%get3A_314] {strides = array<i32>} : memref<18816xi32, #tpu.memory_space<vmem>>, vector<16xi32>,
          %shift_right_logical3A_316 = arith.constant 9 : i32
          %shift_right_logical3A_317 = vector.broadcast %shift_right_logical3A_316 : i32 to vector<16xi32>
          %shift_right_logical3A_318 = arith.shrui %get3A_315, %shift_right_logical3A_317 : vector<16xi32>
          %swap3A_319 = arith.constant 32 : index
          %swap3A_320 = tpu.vector_load %arg9[%swap3A_319] {strides = array<i32>} : memref<64xi32, #tpu.memory_space<vmem>>, vector<16xi32>,
          tpu.vector_store %arg9[%swap3A_319], %shift_right_logical3A_318 {strides = array<i32>} : memref<64xi32, #tpu.memory_space<vmem>>, vector<16xi32>,
          %mul3A_321 = arith.constant 64 : i32
          %mul3A_322 = arith.muli %min3A_290, %mul3A_321 : i32
          %add3A_323 = arith.constant 48 : i32
          %add3A_324 = arith.addi %mul3A_322, %add3A_323 : i32
          %get3A_325 = arith.index_cast %add3A_324 : i32 to index
          %get3A_326 = tpu.vector_load %arg8[%get3A_325] {strides = array<i32>} : memref<18816xi32, #tpu.memory_space<vmem>>, vector<16xi32>,
          %shift_right_logical3A_327 = arith.constant 9 : i32
          %shift_right_logical3A_328 = vector.broadcast %shift_right_logical3A_327 : i32 to vector<16xi32>
          %shift_right_logical3A_329 = arith.shrui %get3A_326, %shift_right_logical3A_328 : vector<16xi32>
          %swap3A_330 = arith.constant 48 : index
          %swap3A_331 = tpu.vector_load %arg9[%swap3A_330] {strides = array<i32>} : memref<64xi32, #tpu.memory_space<vmem>>, vector<16xi32>,
          tpu.vector_store %arg9[%swap3A_330], %shift_right_logical3A_329 {strides = array<i32>} : memref<64xi32, #tpu.memory_space<vmem>>, vector<16xi32>,
          %dma_start3A_332 = arith.constant 0 : i32
          %dma_start3A_333 = arith.constant 0 : i32
          %dma_start3A_334 = tpu.memref_slice %arg4[%dma_start3A_332, %dma_start3A_333] : memref<300000x256xf32, #tpu.memory_space<hbm>> -> memref<300000x256xf32, #tpu.memory_space<hbm>>
          tpu.enqueue_indirect_dma source(%dma_start3A_334 : memref<300000x256xf32, #tpu.memory_space<hbm>>) target(%arg10 : memref<64x256xf32, #tpu.memory_space<vmem>>) offsets(%arg9 : memref<64xi32, #tpu.memory_space<vmem>>) semaphore(%arg14 : memref<!tpu.dma_semaphore, #tpu.memory_space<semaphore_mem>>)
          %dma_wait3A_335 = arith.constant 0 : i32
          %dma_wait3A_336 = arith.constant 0 : i32
          %dma_wait3A_337 = tpu.memref_slice %arg4[%dma_wait3A_335, %dma_wait3A_336] : memref<300000x256xf32, #tpu.memory_space<hbm>> -> memref<300000x256xf32, #tpu.memory_space<hbm>>
          tpu.wait_indirect_dma semaphore(%arg14 : memref<!tpu.dma_semaphore, #tpu.memory_space<semaphore_mem>>) src(%dma_wait3A_337 : memref<300000x256xf32, #tpu.memory_space<hbm>>) dst(%arg10 : memref<64x256xf32, #tpu.memory_space<vmem>>)
          %scan3A_338 = arith.constant 0 : i32
          %scan3A_339 = arith.constant 0 : i32
          %scan3A_340 = arith.constant 4 : i32
          %scan3A_341 = arith.addi %scan3A_339, %scan3A_340 : i32
          %scan3A_342 = arith.constant 1 : i32
          scf.for %scan3A_344 = %scan3A_339 to %scan3A_341 step %scan3A_342  : i32 {
            %mul3A_345 = arith.constant 64 : i32
            %mul3A_346 = arith.muli %min3A_290, %mul3A_345 : i32
            %mul3A_347 = arith.constant 16 : i32
            %mul3A_348 = arith.muli %scan3A_344, %mul3A_347 : i32
            %add3A_349 = arith.addi %mul3A_346, %mul3A_348 : i32
            %get3A_350 = arith.index_cast %add3A_349 : i32 to index
            %get3A_351 = tpu.vector_load %arg8[%get3A_350] {strides = array<i32>} : memref<18816xi32, #tpu.memory_space<vmem>>, vector<16xi32>,
            %and3A_352 = arith.constant 511 : i32
            %and3A_353 = vector.broadcast %and3A_352 : i32 to vector<16xi32>
            %and3A_354 = arith.andi %get3A_351, %and3A_353 : vector<16xi32>
            %mul3A_355 = arith.constant 4 : i32
            %mul3A_356 = arith.muli %while3A_289, %mul3A_355 : i32
            %add3A_357 = arith.addi %mul3A_356, %scan3A_344 : i32
            %lt3A = vector.broadcast %add3A_357 : i32 to vector<16xi32>
            %lt3A_358 = arith.cmpi slt, %lt3A, %scan3A_213 : vector<16xi32>
            %jit3A_359 = arith.constant 304 : i32
            %broadcast_in_dim3A_360 = vector.broadcast %jit3A_359 : i32 to vector<16xi32>
            %select_n3A_361 = arith.select %lt3A_358, %and3A_354, %broadcast_in_dim3A_360 : vector<16xi1>, vector<16xi32>
            %mul3A_362 = arith.constant 16 : i32
            %mul3A_363 = arith.muli %scan3A_344, %mul3A_362 : i32
            %add3A_364 = vector.broadcast %mul3A_363 : i32 to vector<16xi32>
            %add3A_365 = arith.addi %add3A_364, %iota3A : vector<16xi32>
            %scan3A_366 = arith.constant 0 : i32
            %scan3A_367 = arith.constant 0 : i32
            %scan3A_368 = arith.constant 16 : i32
            %scan3A_369 = arith.addi %scan3A_367, %scan3A_368 : i32
            %scan3A_370 = arith.constant 1 : i32
            scf.for %scan3A_372 = %scan3A_367 to %scan3A_369 step %scan3A_370  : i32 {
              %mul3A_373 = arith.constant 16 : i32
              %mul3A_374 = arith.muli %scan3A_372, %mul3A_373 : i32
              %add3A_375 = vector.broadcast %mul3A_374 : i32 to vector<16xi32>
              %add3A_376 = arith.addi %add3A_375, %and3A_5 : vector<16xi32>
              %gather3A = tpu.vector_load_idx %arg10[%add3A_365, %add3A_376] : memref<64x256xf32, #tpu.memory_space<vmem>>[vector<16xi32>, vector<16xi32>], vector<16xf32>,
              tpu.vector_store_idx %arg11[%select_n3A_361, %add3A_376], %gather3A {add = true} : memref<312x256xf32, #tpu.memory_space<vmem>>[vector<16xi32>, vector<16xi32>], vector<16xf32>,
              %mul3A_377 = arith.constant 16 : i32
              %mul3A_378 = arith.muli %scan3A_372, %mul3A_377 : i32
              %add3A_379 = vector.broadcast %mul3A_378 : i32 to vector<16xi32>
              %add3A_380 = arith.addi %add3A_379, %and3A_11 : vector<16xi32>
              %gather3A_381 = tpu.vector_load_idx %arg10[%add3A_365, %add3A_380] : memref<64x256xf32, #tpu.memory_space<vmem>>[vector<16xi32>, vector<16xi32>], vector<16xf32>,
              tpu.vector_store_idx %arg11[%select_n3A_361, %add3A_380], %gather3A_381 {add = true} : memref<312x256xf32, #tpu.memory_space<vmem>>[vector<16xi32>, vector<16xi32>], vector<16xf32>,
              %mul3A_382 = arith.constant 16 : i32
              %mul3A_383 = arith.muli %scan3A_372, %mul3A_382 : i32
              %add3A_384 = vector.broadcast %mul3A_383 : i32 to vector<16xi32>
              %add3A_385 = arith.addi %add3A_384, %and3A_17 : vector<16xi32>
              %gather3A_386 = tpu.vector_load_idx %arg10[%add3A_365, %add3A_385] : memref<64x256xf32, #tpu.memory_space<vmem>>[vector<16xi32>, vector<16xi32>], vector<16xf32>,
              tpu.vector_store_idx %arg11[%select_n3A_361, %add3A_385], %gather3A_386 {add = true} : memref<312x256xf32, #tpu.memory_space<vmem>>[vector<16xi32>, vector<16xi32>], vector<16xf32>,
              %mul3A_387 = arith.constant 16 : i32
              %mul3A_388 = arith.muli %scan3A_372, %mul3A_387 : i32
              %add3A_389 = vector.broadcast %mul3A_388 : i32 to vector<16xi32>
              %add3A_390 = arith.addi %add3A_389, %and3A_23 : vector<16xi32>
              %gather3A_391 = tpu.vector_load_idx %arg10[%add3A_365, %add3A_390] : memref<64x256xf32, #tpu.memory_space<vmem>>[vector<16xi32>, vector<16xi32>], vector<16xf32>,
              tpu.vector_store_idx %arg11[%select_n3A_361, %add3A_390], %gather3A_391 {add = true} : memref<312x256xf32, #tpu.memory_space<vmem>>[vector<16xi32>, vector<16xi32>], vector<16xf32>,
              %mul3A_392 = arith.constant 16 : i32
              %mul3A_393 = arith.muli %scan3A_372, %mul3A_392 : i32
              %add3A_394 = vector.broadcast %mul3A_393 : i32 to vector<16xi32>
              %add3A_395 = arith.addi %add3A_394, %and3A_29 : vector<16xi32>
              %gather3A_396 = tpu.vector_load_idx %arg10[%add3A_365, %add3A_395] : memref<64x256xf32, #tpu.memory_space<vmem>>[vector<16xi32>, vector<16xi32>], vector<16xf32>,
              tpu.vector_store_idx %arg11[%select_n3A_361, %add3A_395], %gather3A_396 {add = true} : memref<312x256xf32, #tpu.memory_space<vmem>>[vector<16xi32>, vector<16xi32>], vector<16xf32>,
              %mul3A_397 = arith.constant 16 : i32
              %mul3A_398 = arith.muli %scan3A_372, %mul3A_397 : i32
              %add3A_399 = vector.broadcast %mul3A_398 : i32 to vector<16xi32>
              %add3A_400 = arith.addi %add3A_399, %and3A_35 : vector<16xi32>
              %gather3A_401 = tpu.vector_load_idx %arg10[%add3A_365, %add3A_400] : memref<64x256xf32, #tpu.memory_space<vmem>>[vector<16xi32>, vector<16xi32>], vector<16xf32>,
              tpu.vector_store_idx %arg11[%select_n3A_361, %add3A_400], %gather3A_401 {add = true} : memref<312x256xf32, #tpu.memory_space<vmem>>[vector<16xi32>, vector<16xi32>], vector<16xf32>,
              %mul3A_402 = arith.constant 16 : i32
              %mul3A_403 = arith.muli %scan3A_372, %mul3A_402 : i32
              %add3A_404 = vector.broadcast %mul3A_403 : i32 to vector<16xi32>
              %add3A_405 = arith.addi %add3A_404, %and3A_41 : vector<16xi32>
              %gather3A_406 = tpu.vector_load_idx %arg10[%add3A_365, %add3A_405] : memref<64x256xf32, #tpu.memory_space<vmem>>[vector<16xi32>, vector<16xi32>], vector<16xf32>,
              tpu.vector_store_idx %arg11[%select_n3A_361, %add3A_405], %gather3A_406 {add = true} : memref<312x256xf32, #tpu.memory_space<vmem>>[vector<16xi32>, vector<16xi32>], vector<16xf32>,
              %mul3A_407 = arith.constant 16 : i32
              %mul3A_408 = arith.muli %scan3A_372, %mul3A_407 : i32
              %add3A_409 = vector.broadcast %mul3A_408 : i32 to vector<16xi32>
              %add3A_410 = arith.addi %add3A_409, %and3A_47 : vector<16xi32>
              %gather3A_411 = tpu.vector_load_idx %arg10[%add3A_365, %add3A_410] : memref<64x256xf32, #tpu.memory_space<vmem>>[vector<16xi32>, vector<16xi32>], vector<16xf32>,
              tpu.vector_store_idx %arg11[%select_n3A_361, %add3A_410], %gather3A_411 {add = true} : memref<312x256xf32, #tpu.memory_space<vmem>>[vector<16xi32>, vector<16xi32>], vector<16xf32>,
              %mul3A_412 = arith.constant 16 : i32
              %mul3A_413 = arith.muli %scan3A_372, %mul3A_412 : i32
              %add3A_414 = vector.broadcast %mul3A_413 : i32 to vector<16xi32>
              %add3A_415 = arith.addi %add3A_414, %and3A_53 : vector<16xi32>
              %gather3A_416 = tpu.vector_load_idx %arg10[%add3A_365, %add3A_415] : memref<64x256xf32, #tpu.memory_space<vmem>>[vector<16xi32>, vector<16xi32>], vector<16xf32>,
              tpu.vector_store_idx %arg11[%select_n3A_361, %add3A_415], %gather3A_416 {add = true} : memref<312x256xf32, #tpu.memory_space<vmem>>[vector<16xi32>, vector<16xi32>], vector<16xf32>,
              %mul3A_417 = arith.constant 16 : i32
              %mul3A_418 = arith.muli %scan3A_372, %mul3A_417 : i32
              %add3A_419 = vector.broadcast %mul3A_418 : i32 to vector<16xi32>
              %add3A_420 = arith.addi %add3A_419, %and3A_59 : vector<16xi32>
              %gather3A_421 = tpu.vector_load_idx %arg10[%add3A_365, %add3A_420] : memref<64x256xf32, #tpu.memory_space<vmem>>[vector<16xi32>, vector<16xi32>], vector<16xf32>,
              tpu.vector_store_idx %arg11[%select_n3A_361, %add3A_420], %gather3A_421 {add = true} : memref<312x256xf32, #tpu.memory_space<vmem>>[vector<16xi32>, vector<16xi32>], vector<16xf32>,
              %mul3A_422 = arith.constant 16 : i32
              %mul3A_423 = arith.muli %scan3A_372, %mul3A_422 : i32
              %add3A_424 = vector.broadcast %mul3A_423 : i32 to vector<16xi32>
              %add3A_425 = arith.addi %add3A_424, %and3A_65 : vector<16xi32>
              %gather3A_426 = tpu.vector_load_idx %arg10[%add3A_365, %add3A_425] : memref<64x256xf32, #tpu.memory_space<vmem>>[vector<16xi32>, vector<16xi32>], vector<16xf32>,
              tpu.vector_store_idx %arg11[%select_n3A_361, %add3A_425], %gather3A_426 {add = true} : memref<312x256xf32, #tpu.memory_space<vmem>>[vector<16xi32>, vector<16xi32>], vector<16xf32>,
              %mul3A_427 = arith.constant 16 : i32
              %mul3A_428 = arith.muli %scan3A_372, %mul3A_427 : i32
              %add3A_429 = vector.broadcast %mul3A_428 : i32 to vector<16xi32>
              %add3A_430 = arith.addi %add3A_429, %and3A_71 : vector<16xi32>
              %gather3A_431 = tpu.vector_load_idx %arg10[%add3A_365, %add3A_430] : memref<64x256xf32, #tpu.memory_space<vmem>>[vector<16xi32>, vector<16xi32>], vector<16xf32>,
              tpu.vector_store_idx %arg11[%select_n3A_361, %add3A_430], %gather3A_431 {add = true} : memref<312x256xf32, #tpu.memory_space<vmem>>[vector<16xi32>, vector<16xi32>], vector<16xf32>,
              %mul3A_432 = arith.constant 16 : i32
              %mul3A_433 = arith.muli %scan3A_372, %mul3A_432 : i32
              %add3A_434 = vector.broadcast %mul3A_433 : i32 to vector<16xi32>
              %add3A_435 = arith.addi %add3A_434, %and3A_77 : vector<16xi32>
              %gather3A_436 = tpu.vector_load_idx %arg10[%add3A_365, %add3A_435] : memref<64x256xf32, #tpu.memory_space<vmem>>[vector<16xi32>, vector<16xi32>], vector<16xf32>,
              tpu.vector_store_idx %arg11[%select_n3A_361, %add3A_435], %gather3A_436 {add = true} : memref<312x256xf32, #tpu.memory_space<vmem>>[vector<16xi32>, vector<16xi32>], vector<16xf32>,
              %mul3A_437 = arith.constant 16 : i32
              %mul3A_438 = arith.muli %scan3A_372, %mul3A_437 : i32
              %add3A_439 = vector.broadcast %mul3A_438 : i32 to vector<16xi32>
              %add3A_440 = arith.addi %add3A_439, %and3A_83 : vector<16xi32>
              %gather3A_441 = tpu.vector_load_idx %arg10[%add3A_365, %add3A_440] : memref<64x256xf32, #tpu.memory_space<vmem>>[vector<16xi32>, vector<16xi32>], vector<16xf32>,
              tpu.vector_store_idx %arg11[%select_n3A_361, %add3A_440], %gather3A_441 {add = true} : memref<312x256xf32, #tpu.memory_space<vmem>>[vector<16xi32>, vector<16xi32>], vector<16xf32>,
              %mul3A_442 = arith.constant 16 : i32
              %mul3A_443 = arith.muli %scan3A_372, %mul3A_442 : i32
              %add3A_444 = vector.broadcast %mul3A_443 : i32 to vector<16xi32>
              %add3A_445 = arith.addi %add3A_444, %and3A_89 : vector<16xi32>
              %gather3A_446 = tpu.vector_load_idx %arg10[%add3A_365, %add3A_445] : memref<64x256xf32, #tpu.memory_space<vmem>>[vector<16xi32>, vector<16xi32>], vector<16xf32>,
              tpu.vector_store_idx %arg11[%select_n3A_361, %add3A_445], %gather3A_446 {add = true} : memref<312x256xf32, #tpu.memory_space<vmem>>[vector<16xi32>, vector<16xi32>], vector<16xf32>,
              %mul3A_447 = arith.constant 16 : i32
              %mul3A_448 = arith.muli %scan3A_372, %mul3A_447 : i32
              %add3A_449 = vector.broadcast %mul3A_448 : i32 to vector<16xi32>
              %add3A_450 = arith.addi %add3A_449, %and3A_95 : vector<16xi32>
              %gather3A_451 = tpu.vector_load_idx %arg10[%add3A_365, %add3A_450] : memref<64x256xf32, #tpu.memory_space<vmem>>[vector<16xi32>, vector<16xi32>], vector<16xf32>,
              tpu.vector_store_idx %arg11[%select_n3A_361, %add3A_450], %gather3A_451 {add = true} : memref<312x256xf32, #tpu.memory_space<vmem>>[vector<16xi32>, vector<16xi32>], vector<16xf32>,
            }
            %scan3A_371 = arith.constant 16 : i32
          }
          %scan3A_343 = arith.constant 4 : i32
        }
      }
      %scan3A_118 = arith.constant 16 : i32
      "tpu.region"() ({
        %run_scoped3A = tpu.sem_alloc : memref<!tpu.dma_semaphore, #tpu.memory_space<semaphore_mem>>
        %dma_start3A = arith.constant 0 : i32
        %dma_start3A_119 = arith.constant 0 : i32
        %dma_start3A_120 = tpu.memref_slice %arg11[%dma_start3A, %dma_start3A_119] : memref<312x256xf32, #tpu.memory_space<vmem>> -> memref<304x256xf32, #tpu.memory_space<vmem>>
        %dma_start3A_121 = arith.constant 0 : i32
        %dma_start3A_122 = tpu.memref_slice %arg5[%mul3A_112, %dma_start3A_121] : memref<29184x256xf32, #tpu.memory_space<hbm>> -> memref<304x256xf32, #tpu.memory_space<hbm>>
        %dma_start3A_123 = arith.constant 0 : i32
        %dma_start3A_124 = tpu.memref_slice %arg5[%mul3A_112, %dma_start3A_123] : memref<29184x256xf32, #tpu.memory_space<hbm>> -> memref<304x256xf32, #tpu.memory_space<hbm>>
        %dma_start3A_125 = arith.constant 0 : i32
        %dma_start3A_126 = arith.constant 0 : i32
        %dma_start3A_127 = tpu.memref_slice %arg11[%dma_start3A_125, %dma_start3A_126] : memref<312x256xf32, #tpu.memory_space<vmem>> -> memref<304x256xf32, #tpu.memory_space<vmem>>
        tpu.enqueue_dma source(%dma_start3A_127 : memref<304x256xf32, #tpu.memory_space<vmem>>) target(%dma_start3A_124 : memref<304x256xf32, #tpu.memory_space<hbm>>) target_semaphore(%run_scoped3A : memref<!tpu.dma_semaphore, #tpu.memory_space<semaphore_mem>>)
        %dma_wait3A = arith.constant 0 : i32
        %dma_wait3A_128 = arith.constant 0 : i32
        %dma_wait3A_129 = tpu.memref_slice %arg11[%dma_wait3A, %dma_wait3A_128] : memref<312x256xf32, #tpu.memory_space<vmem>> -> memref<304x256xf32, #tpu.memory_space<vmem>>
        %dma_wait3A_130 = arith.constant 0 : i32
        %dma_wait3A_131 = tpu.memref_slice %arg5[%mul3A_112, %dma_wait3A_130] : memref<29184x256xf32, #tpu.memory_space<hbm>> -> memref<304x256xf32, #tpu.memory_space<hbm>>
        %dma_wait3A_132 = arith.constant 0 : i32
        %dma_wait3A_133 = tpu.memref_slice %arg5[%mul3A_112, %dma_wait3A_132] : memref<29184x256xf32, #tpu.memory_space<hbm>> -> memref<304x256xf32, #tpu.memory_space<hbm>>
        %dma_wait3A_134 = arith.constant 0 : i32
        %dma_wait3A_135 = arith.constant 0 : i32
        %dma_wait3A_136 = tpu.memref_slice %arg11[%dma_wait3A_134, %dma_wait3A_135] : memref<312x256xf32, #tpu.memory_space<vmem>> -> memref<304x256xf32, #tpu.memory_space<vmem>>
        tpu.wait_dma2 semaphore(%run_scoped3A : memref<!tpu.dma_semaphore, #tpu.memory_space<semaphore_mem>>) src(%dma_wait3A_136 : memref<304x256xf32, #tpu.memory_space<vmem>>) dst(%dma_wait3A_133 : memref<304x256xf32, #tpu.memory_space<hbm>>)
        tpu.yield
      }) : () -> ()
    }
    %scan3A_106 = arith.constant 3 : i32
    return
  }
}

#map = affine_map<(d0, d1) -> (0, 0)>
#map1 = affine_map<(d0, d1) -> (0)>
module attributes {stable_mosaic.version = 14 : i64} {
  func.func @body(%arg0: i32, %arg1: i32, %arg2: memref<29040x256xf32, #tpu.memory_space<hbm>>, %arg3: memref<29040x256xf32, #tpu.memory_space<hbm>>, %arg4: memref<303104xi32, #tpu.memory_space<hbm>>, %arg5: memref<303104xi32, #tpu.memory_space<hbm>>, %arg6: memref<303104x256xf32, #tpu.memory_space<hbm>>, %arg7: memref<128xi32, #tpu.memory_space<vmem>>, %arg8: memref<128xi32, #tpu.memory_space<vmem>>, %arg9: memref<128x256xf32, #tpu.memory_space<vmem>>, %arg10: memref<128x256xf32, #tpu.memory_space<vmem>>, %arg11: memref<!tpu.dma_semaphore, #tpu.memory_space<semaphore_mem>>, %arg12: memref<!tpu.dma_semaphore, #tpu.memory_space<semaphore_mem>>) attributes {dimension_semantics = [#tpu.dimension_semantics<core_parallel>, #tpu.dimension_semantics<subcore_parallel>], iteration_bounds = array<i64: 2, 16>, scalar_prefetch = 0 : i64, scratch_operands = 6 : i64, tpu.core_type = #tpu.core_type<sc_vector_subcore>, window_params = [{transform_indices = #map}, {transform_indices = #map}, {transform_indices = #map1}, {transform_indices = #map1}, {transform_indices = #map}]} {
    %mul3A = arith.constant 2 : i32
    %mul3A_0 = arith.muli %arg1, %mul3A : i32
    %add3A = arith.addi %mul3A_0, %arg0 : i32
    %mul3A_1 = arith.constant 9472 : i32
    %mul3A_2 = arith.muli %add3A, %mul3A_1 : i32
    %scan3A = arith.constant 0 : i32
    %scan3A_3 = arith.constant 0 : i32
    %scan3A_4 = arith.constant 74 : i32
    %scan3A_5 = arith.addi %scan3A_3, %scan3A_4 : i32
    %scan3A_6 = arith.constant 1 : i32
    scf.for %scan3A_8 = %scan3A_3 to %scan3A_5 step %scan3A_6  : i32 {
      %mul3A_9 = arith.constant 128 : i32
      %mul3A_10 = arith.muli %scan3A_8, %mul3A_9 : i32
      %add3A_11 = arith.addi %mul3A_2, %mul3A_10 : i32
      "tpu.region"() ({
        %run_scoped3A = tpu.sem_alloc : memref<!tpu.dma_semaphore, #tpu.memory_space<semaphore_mem>>
        %dma_start3A_28 = tpu.memref_slice %arg4[%add3A_11] : memref<303104xi32, #tpu.memory_space<hbm>> -> memref<128xi32, #tpu.memory_space<hbm>>
        %dma_start3A_29 = tpu.memref_slice %arg4[%add3A_11] : memref<303104xi32, #tpu.memory_space<hbm>> -> memref<128xi32, #tpu.memory_space<hbm>>
        tpu.enqueue_dma source(%dma_start3A_29 : memref<128xi32, #tpu.memory_space<hbm>>) target(%arg7 : memref<128xi32, #tpu.memory_space<vmem>>) target_semaphore(%run_scoped3A : memref<!tpu.dma_semaphore, #tpu.memory_space<semaphore_mem>>)
        %dma_wait3A_30 = tpu.memref_slice %arg4[%add3A_11] : memref<303104xi32, #tpu.memory_space<hbm>> -> memref<128xi32, #tpu.memory_space<hbm>>
        %dma_wait3A_31 = tpu.memref_slice %arg4[%add3A_11] : memref<303104xi32, #tpu.memory_space<hbm>> -> memref<128xi32, #tpu.memory_space<hbm>>
        tpu.wait_dma2 semaphore(%run_scoped3A : memref<!tpu.dma_semaphore, #tpu.memory_space<semaphore_mem>>) src(%dma_wait3A_31 : memref<128xi32, #tpu.memory_space<hbm>>) dst(%arg7 : memref<128xi32, #tpu.memory_space<vmem>>)
        tpu.yield
      }) : () -> ()
      "tpu.region"() ({
        %run_scoped3A = tpu.sem_alloc : memref<!tpu.dma_semaphore, #tpu.memory_space<semaphore_mem>>
        %dma_start3A_28 = tpu.memref_slice %arg5[%add3A_11] : memref<303104xi32, #tpu.memory_space<hbm>> -> memref<128xi32, #tpu.memory_space<hbm>>
        %dma_start3A_29 = tpu.memref_slice %arg5[%add3A_11] : memref<303104xi32, #tpu.memory_space<hbm>> -> memref<128xi32, #tpu.memory_space<hbm>>
        tpu.enqueue_dma source(%dma_start3A_29 : memref<128xi32, #tpu.memory_space<hbm>>) target(%arg8 : memref<128xi32, #tpu.memory_space<vmem>>) target_semaphore(%run_scoped3A : memref<!tpu.dma_semaphore, #tpu.memory_space<semaphore_mem>>)
        %dma_wait3A_30 = tpu.memref_slice %arg5[%add3A_11] : memref<303104xi32, #tpu.memory_space<hbm>> -> memref<128xi32, #tpu.memory_space<hbm>>
        %dma_wait3A_31 = tpu.memref_slice %arg5[%add3A_11] : memref<303104xi32, #tpu.memory_space<hbm>> -> memref<128xi32, #tpu.memory_space<hbm>>
        tpu.wait_dma2 semaphore(%run_scoped3A : memref<!tpu.dma_semaphore, #tpu.memory_space<semaphore_mem>>) src(%dma_wait3A_31 : memref<128xi32, #tpu.memory_space<hbm>>) dst(%arg8 : memref<128xi32, #tpu.memory_space<vmem>>)
        tpu.yield
      }) : () -> ()
      %dma_start3A = arith.constant 0 : i32
      %dma_start3A_12 = arith.constant 0 : i32
      %dma_start3A_13 = tpu.memref_slice %arg2[%dma_start3A, %dma_start3A_12] : memref<29040x256xf32, #tpu.memory_space<hbm>> -> memref<29040x256xf32, #tpu.memory_space<hbm>>
      tpu.enqueue_indirect_dma source(%dma_start3A_13 : memref<29040x256xf32, #tpu.memory_space<hbm>>) target(%arg9 : memref<128x256xf32, #tpu.memory_space<vmem>>) offsets(%arg7 : memref<128xi32, #tpu.memory_space<vmem>>) semaphore(%arg11 : memref<!tpu.dma_semaphore, #tpu.memory_space<semaphore_mem>>)
      %dma_start3A_14 = arith.constant 0 : i32
      %dma_start3A_15 = arith.constant 0 : i32
      %dma_start3A_16 = tpu.memref_slice %arg3[%dma_start3A_14, %dma_start3A_15] : memref<29040x256xf32, #tpu.memory_space<hbm>> -> memref<29040x256xf32, #tpu.memory_space<hbm>>
      tpu.enqueue_indirect_dma source(%dma_start3A_16 : memref<29040x256xf32, #tpu.memory_space<hbm>>) target(%arg10 : memref<128x256xf32, #tpu.memory_space<vmem>>) offsets(%arg8 : memref<128xi32, #tpu.memory_space<vmem>>) semaphore(%arg12 : memref<!tpu.dma_semaphore, #tpu.memory_space<semaphore_mem>>)
      %dma_wait3A = arith.constant 0 : i32
      %dma_wait3A_17 = arith.constant 0 : i32
      %dma_wait3A_18 = tpu.memref_slice %arg2[%dma_wait3A, %dma_wait3A_17] : memref<29040x256xf32, #tpu.memory_space<hbm>> -> memref<29040x256xf32, #tpu.memory_space<hbm>>
      tpu.wait_indirect_dma semaphore(%arg11 : memref<!tpu.dma_semaphore, #tpu.memory_space<semaphore_mem>>) src(%dma_wait3A_18 : memref<29040x256xf32, #tpu.memory_space<hbm>>) dst(%arg9 : memref<128x256xf32, #tpu.memory_space<vmem>>)
      %dma_wait3A_19 = arith.constant 0 : i32
      %dma_wait3A_20 = arith.constant 0 : i32
      %dma_wait3A_21 = tpu.memref_slice %arg3[%dma_wait3A_19, %dma_wait3A_20] : memref<29040x256xf32, #tpu.memory_space<hbm>> -> memref<29040x256xf32, #tpu.memory_space<hbm>>
      tpu.wait_indirect_dma semaphore(%arg12 : memref<!tpu.dma_semaphore, #tpu.memory_space<semaphore_mem>>) src(%dma_wait3A_21 : memref<29040x256xf32, #tpu.memory_space<hbm>>) dst(%arg10 : memref<128x256xf32, #tpu.memory_space<vmem>>)
      %scan3A_22 = arith.constant 0 : i32
      %scan3A_23 = arith.constant 0 : i32
      %scan3A_24 = arith.constant 128 : i32
      %scan3A_25 = arith.addi %scan3A_23, %scan3A_24 : i32
      %scan3A_26 = arith.constant 1 : i32
      scf.for %scan3A_28 = %scan3A_23 to %scan3A_25 step %scan3A_26  : i32 {
        %get3A = arith.index_cast %scan3A_28 : i32 to index
        %get3A_29 = arith.constant 0 : index
        %get3A_30 = tpu.vector_load %arg9[%get3A, %get3A_29] {strides = array<i32>} : memref<128x256xf32, #tpu.memory_space<vmem>>, vector<1x16xf32>,
        %get3A_31 = vector.shape_cast %get3A_30 : vector<1x16xf32> to vector<16xf32>
        %get3A_32 = arith.index_cast %scan3A_28 : i32 to index
        %get3A_33 = arith.constant 0 : index
        %get3A_34 = tpu.vector_load %arg10[%get3A_32, %get3A_33] {strides = array<i32>} : memref<128x256xf32, #tpu.memory_space<vmem>>, vector<1x16xf32>,
        %get3A_35 = vector.shape_cast %get3A_34 : vector<1x16xf32> to vector<16xf32>
        %add3A_36 = arith.addf %get3A_31, %get3A_35 : vector<16xf32>
        %swap3A = arith.index_cast %scan3A_28 : i32 to index
        %swap3A_37 = arith.constant 0 : index
        %swap3A_38 = tpu.vector_load %arg9[%swap3A, %swap3A_37] {strides = array<i32>} : memref<128x256xf32, #tpu.memory_space<vmem>>, vector<1x16xf32>,
        %swap3A_39 = vector.shape_cast %swap3A_38 : vector<1x16xf32> to vector<16xf32>
        %swap3A_40 = vector.shape_cast %add3A_36 : vector<16xf32> to vector<1x16xf32>
        tpu.vector_store %arg9[%swap3A, %swap3A_37], %swap3A_40 {strides = array<i32>} : memref<128x256xf32, #tpu.memory_space<vmem>>, vector<1x16xf32>,
        %get3A_41 = arith.index_cast %scan3A_28 : i32 to index
        %get3A_42 = arith.constant 16 : index
        %get3A_43 = tpu.vector_load %arg9[%get3A_41, %get3A_42] {strides = array<i32>} : memref<128x256xf32, #tpu.memory_space<vmem>>, vector<1x16xf32>,
        %get3A_44 = vector.shape_cast %get3A_43 : vector<1x16xf32> to vector<16xf32>
        %get3A_45 = arith.index_cast %scan3A_28 : i32 to index
        %get3A_46 = arith.constant 16 : index
        %get3A_47 = tpu.vector_load %arg10[%get3A_45, %get3A_46] {strides = array<i32>} : memref<128x256xf32, #tpu.memory_space<vmem>>, vector<1x16xf32>,
        %get3A_48 = vector.shape_cast %get3A_47 : vector<1x16xf32> to vector<16xf32>
        %add3A_49 = arith.addf %get3A_44, %get3A_48 : vector<16xf32>
        %swap3A_50 = arith.index_cast %scan3A_28 : i32 to index
        %swap3A_51 = arith.constant 16 : index
        %swap3A_52 = tpu.vector_load %arg9[%swap3A_50, %swap3A_51] {strides = array<i32>} : memref<128x256xf32, #tpu.memory_space<vmem>>, vector<1x16xf32>,
        %swap3A_53 = vector.shape_cast %swap3A_52 : vector<1x16xf32> to vector<16xf32>
        %swap3A_54 = vector.shape_cast %add3A_49 : vector<16xf32> to vector<1x16xf32>
        tpu.vector_store %arg9[%swap3A_50, %swap3A_51], %swap3A_54 {strides = array<i32>} : memref<128x256xf32, #tpu.memory_space<vmem>>, vector<1x16xf32>,
        %get3A_55 = arith.index_cast %scan3A_28 : i32 to index
        %get3A_56 = arith.constant 32 : index
        %get3A_57 = tpu.vector_load %arg9[%get3A_55, %get3A_56] {strides = array<i32>} : memref<128x256xf32, #tpu.memory_space<vmem>>, vector<1x16xf32>,
        %get3A_58 = vector.shape_cast %get3A_57 : vector<1x16xf32> to vector<16xf32>
        %get3A_59 = arith.index_cast %scan3A_28 : i32 to index
        %get3A_60 = arith.constant 32 : index
        %get3A_61 = tpu.vector_load %arg10[%get3A_59, %get3A_60] {strides = array<i32>} : memref<128x256xf32, #tpu.memory_space<vmem>>, vector<1x16xf32>,
        %get3A_62 = vector.shape_cast %get3A_61 : vector<1x16xf32> to vector<16xf32>
        %add3A_63 = arith.addf %get3A_58, %get3A_62 : vector<16xf32>
        %swap3A_64 = arith.index_cast %scan3A_28 : i32 to index
        %swap3A_65 = arith.constant 32 : index
        %swap3A_66 = tpu.vector_load %arg9[%swap3A_64, %swap3A_65] {strides = array<i32>} : memref<128x256xf32, #tpu.memory_space<vmem>>, vector<1x16xf32>,
        %swap3A_67 = vector.shape_cast %swap3A_66 : vector<1x16xf32> to vector<16xf32>
        %swap3A_68 = vector.shape_cast %add3A_63 : vector<16xf32> to vector<1x16xf32>
        tpu.vector_store %arg9[%swap3A_64, %swap3A_65], %swap3A_68 {strides = array<i32>} : memref<128x256xf32, #tpu.memory_space<vmem>>, vector<1x16xf32>,
        %get3A_69 = arith.index_cast %scan3A_28 : i32 to index
        %get3A_70 = arith.constant 48 : index
        %get3A_71 = tpu.vector_load %arg9[%get3A_69, %get3A_70] {strides = array<i32>} : memref<128x256xf32, #tpu.memory_space<vmem>>, vector<1x16xf32>,
        %get3A_72 = vector.shape_cast %get3A_71 : vector<1x16xf32> to vector<16xf32>
        %get3A_73 = arith.index_cast %scan3A_28 : i32 to index
        %get3A_74 = arith.constant 48 : index
        %get3A_75 = tpu.vector_load %arg10[%get3A_73, %get3A_74] {strides = array<i32>} : memref<128x256xf32, #tpu.memory_space<vmem>>, vector<1x16xf32>,
        %get3A_76 = vector.shape_cast %get3A_75 : vector<1x16xf32> to vector<16xf32>
        %add3A_77 = arith.addf %get3A_72, %get3A_76 : vector<16xf32>
        %swap3A_78 = arith.index_cast %scan3A_28 : i32 to index
        %swap3A_79 = arith.constant 48 : index
        %swap3A_80 = tpu.vector_load %arg9[%swap3A_78, %swap3A_79] {strides = array<i32>} : memref<128x256xf32, #tpu.memory_space<vmem>>, vector<1x16xf32>,
        %swap3A_81 = vector.shape_cast %swap3A_80 : vector<1x16xf32> to vector<16xf32>
        %swap3A_82 = vector.shape_cast %add3A_77 : vector<16xf32> to vector<1x16xf32>
        tpu.vector_store %arg9[%swap3A_78, %swap3A_79], %swap3A_82 {strides = array<i32>} : memref<128x256xf32, #tpu.memory_space<vmem>>, vector<1x16xf32>,
        %get3A_83 = arith.index_cast %scan3A_28 : i32 to index
        %get3A_84 = arith.constant 64 : index
        %get3A_85 = tpu.vector_load %arg9[%get3A_83, %get3A_84] {strides = array<i32>} : memref<128x256xf32, #tpu.memory_space<vmem>>, vector<1x16xf32>,
        %get3A_86 = vector.shape_cast %get3A_85 : vector<1x16xf32> to vector<16xf32>
        %get3A_87 = arith.index_cast %scan3A_28 : i32 to index
        %get3A_88 = arith.constant 64 : index
        %get3A_89 = tpu.vector_load %arg10[%get3A_87, %get3A_88] {strides = array<i32>} : memref<128x256xf32, #tpu.memory_space<vmem>>, vector<1x16xf32>,
        %get3A_90 = vector.shape_cast %get3A_89 : vector<1x16xf32> to vector<16xf32>
        %add3A_91 = arith.addf %get3A_86, %get3A_90 : vector<16xf32>
        %swap3A_92 = arith.index_cast %scan3A_28 : i32 to index
        %swap3A_93 = arith.constant 64 : index
        %swap3A_94 = tpu.vector_load %arg9[%swap3A_92, %swap3A_93] {strides = array<i32>} : memref<128x256xf32, #tpu.memory_space<vmem>>, vector<1x16xf32>,
        %swap3A_95 = vector.shape_cast %swap3A_94 : vector<1x16xf32> to vector<16xf32>
        %swap3A_96 = vector.shape_cast %add3A_91 : vector<16xf32> to vector<1x16xf32>
        tpu.vector_store %arg9[%swap3A_92, %swap3A_93], %swap3A_96 {strides = array<i32>} : memref<128x256xf32, #tpu.memory_space<vmem>>, vector<1x16xf32>,
        %get3A_97 = arith.index_cast %scan3A_28 : i32 to index
        %get3A_98 = arith.constant 80 : index
        %get3A_99 = tpu.vector_load %arg9[%get3A_97, %get3A_98] {strides = array<i32>} : memref<128x256xf32, #tpu.memory_space<vmem>>, vector<1x16xf32>,
        %get3A_100 = vector.shape_cast %get3A_99 : vector<1x16xf32> to vector<16xf32>
        %get3A_101 = arith.index_cast %scan3A_28 : i32 to index
        %get3A_102 = arith.constant 80 : index
        %get3A_103 = tpu.vector_load %arg10[%get3A_101, %get3A_102] {strides = array<i32>} : memref<128x256xf32, #tpu.memory_space<vmem>>, vector<1x16xf32>,
        %get3A_104 = vector.shape_cast %get3A_103 : vector<1x16xf32> to vector<16xf32>
        %add3A_105 = arith.addf %get3A_100, %get3A_104 : vector<16xf32>
        %swap3A_106 = arith.index_cast %scan3A_28 : i32 to index
        %swap3A_107 = arith.constant 80 : index
        %swap3A_108 = tpu.vector_load %arg9[%swap3A_106, %swap3A_107] {strides = array<i32>} : memref<128x256xf32, #tpu.memory_space<vmem>>, vector<1x16xf32>,
        %swap3A_109 = vector.shape_cast %swap3A_108 : vector<1x16xf32> to vector<16xf32>
        %swap3A_110 = vector.shape_cast %add3A_105 : vector<16xf32> to vector<1x16xf32>
        tpu.vector_store %arg9[%swap3A_106, %swap3A_107], %swap3A_110 {strides = array<i32>} : memref<128x256xf32, #tpu.memory_space<vmem>>, vector<1x16xf32>,
        %get3A_111 = arith.index_cast %scan3A_28 : i32 to index
        %get3A_112 = arith.constant 96 : index
        %get3A_113 = tpu.vector_load %arg9[%get3A_111, %get3A_112] {strides = array<i32>} : memref<128x256xf32, #tpu.memory_space<vmem>>, vector<1x16xf32>,
        %get3A_114 = vector.shape_cast %get3A_113 : vector<1x16xf32> to vector<16xf32>
        %get3A_115 = arith.index_cast %scan3A_28 : i32 to index
        %get3A_116 = arith.constant 96 : index
        %get3A_117 = tpu.vector_load %arg10[%get3A_115, %get3A_116] {strides = array<i32>} : memref<128x256xf32, #tpu.memory_space<vmem>>, vector<1x16xf32>,
        %get3A_118 = vector.shape_cast %get3A_117 : vector<1x16xf32> to vector<16xf32>
        %add3A_119 = arith.addf %get3A_114, %get3A_118 : vector<16xf32>
        %swap3A_120 = arith.index_cast %scan3A_28 : i32 to index
        %swap3A_121 = arith.constant 96 : index
        %swap3A_122 = tpu.vector_load %arg9[%swap3A_120, %swap3A_121] {strides = array<i32>} : memref<128x256xf32, #tpu.memory_space<vmem>>, vector<1x16xf32>,
        %swap3A_123 = vector.shape_cast %swap3A_122 : vector<1x16xf32> to vector<16xf32>
        %swap3A_124 = vector.shape_cast %add3A_119 : vector<16xf32> to vector<1x16xf32>
        tpu.vector_store %arg9[%swap3A_120, %swap3A_121], %swap3A_124 {strides = array<i32>} : memref<128x256xf32, #tpu.memory_space<vmem>>, vector<1x16xf32>,
        %get3A_125 = arith.index_cast %scan3A_28 : i32 to index
        %get3A_126 = arith.constant 112 : index
        %get3A_127 = tpu.vector_load %arg9[%get3A_125, %get3A_126] {strides = array<i32>} : memref<128x256xf32, #tpu.memory_space<vmem>>, vector<1x16xf32>,
        %get3A_128 = vector.shape_cast %get3A_127 : vector<1x16xf32> to vector<16xf32>
        %get3A_129 = arith.index_cast %scan3A_28 : i32 to index
        %get3A_130 = arith.constant 112 : index
        %get3A_131 = tpu.vector_load %arg10[%get3A_129, %get3A_130] {strides = array<i32>} : memref<128x256xf32, #tpu.memory_space<vmem>>, vector<1x16xf32>,
        %get3A_132 = vector.shape_cast %get3A_131 : vector<1x16xf32> to vector<16xf32>
        %add3A_133 = arith.addf %get3A_128, %get3A_132 : vector<16xf32>
        %swap3A_134 = arith.index_cast %scan3A_28 : i32 to index
        %swap3A_135 = arith.constant 112 : index
        %swap3A_136 = tpu.vector_load %arg9[%swap3A_134, %swap3A_135] {strides = array<i32>} : memref<128x256xf32, #tpu.memory_space<vmem>>, vector<1x16xf32>,
        %swap3A_137 = vector.shape_cast %swap3A_136 : vector<1x16xf32> to vector<16xf32>
        %swap3A_138 = vector.shape_cast %add3A_133 : vector<16xf32> to vector<1x16xf32>
        tpu.vector_store %arg9[%swap3A_134, %swap3A_135], %swap3A_138 {strides = array<i32>} : memref<128x256xf32, #tpu.memory_space<vmem>>, vector<1x16xf32>,
        %get3A_139 = arith.index_cast %scan3A_28 : i32 to index
        %get3A_140 = arith.constant 128 : index
        %get3A_141 = tpu.vector_load %arg9[%get3A_139, %get3A_140] {strides = array<i32>} : memref<128x256xf32, #tpu.memory_space<vmem>>, vector<1x16xf32>,
        %get3A_142 = vector.shape_cast %get3A_141 : vector<1x16xf32> to vector<16xf32>
        %get3A_143 = arith.index_cast %scan3A_28 : i32 to index
        %get3A_144 = arith.constant 128 : index
        %get3A_145 = tpu.vector_load %arg10[%get3A_143, %get3A_144] {strides = array<i32>} : memref<128x256xf32, #tpu.memory_space<vmem>>, vector<1x16xf32>,
        %get3A_146 = vector.shape_cast %get3A_145 : vector<1x16xf32> to vector<16xf32>
        %add3A_147 = arith.addf %get3A_142, %get3A_146 : vector<16xf32>
        %swap3A_148 = arith.index_cast %scan3A_28 : i32 to index
        %swap3A_149 = arith.constant 128 : index
        %swap3A_150 = tpu.vector_load %arg9[%swap3A_148, %swap3A_149] {strides = array<i32>} : memref<128x256xf32, #tpu.memory_space<vmem>>, vector<1x16xf32>,
        %swap3A_151 = vector.shape_cast %swap3A_150 : vector<1x16xf32> to vector<16xf32>
        %swap3A_152 = vector.shape_cast %add3A_147 : vector<16xf32> to vector<1x16xf32>
        tpu.vector_store %arg9[%swap3A_148, %swap3A_149], %swap3A_152 {strides = array<i32>} : memref<128x256xf32, #tpu.memory_space<vmem>>, vector<1x16xf32>,
        %get3A_153 = arith.index_cast %scan3A_28 : i32 to index
        %get3A_154 = arith.constant 144 : index
        %get3A_155 = tpu.vector_load %arg9[%get3A_153, %get3A_154] {strides = array<i32>} : memref<128x256xf32, #tpu.memory_space<vmem>>, vector<1x16xf32>,
        %get3A_156 = vector.shape_cast %get3A_155 : vector<1x16xf32> to vector<16xf32>
        %get3A_157 = arith.index_cast %scan3A_28 : i32 to index
        %get3A_158 = arith.constant 144 : index
        %get3A_159 = tpu.vector_load %arg10[%get3A_157, %get3A_158] {strides = array<i32>} : memref<128x256xf32, #tpu.memory_space<vmem>>, vector<1x16xf32>,
        %get3A_160 = vector.shape_cast %get3A_159 : vector<1x16xf32> to vector<16xf32>
        %add3A_161 = arith.addf %get3A_156, %get3A_160 : vector<16xf32>
        %swap3A_162 = arith.index_cast %scan3A_28 : i32 to index
        %swap3A_163 = arith.constant 144 : index
        %swap3A_164 = tpu.vector_load %arg9[%swap3A_162, %swap3A_163] {strides = array<i32>} : memref<128x256xf32, #tpu.memory_space<vmem>>, vector<1x16xf32>,
        %swap3A_165 = vector.shape_cast %swap3A_164 : vector<1x16xf32> to vector<16xf32>
        %swap3A_166 = vector.shape_cast %add3A_161 : vector<16xf32> to vector<1x16xf32>
        tpu.vector_store %arg9[%swap3A_162, %swap3A_163], %swap3A_166 {strides = array<i32>} : memref<128x256xf32, #tpu.memory_space<vmem>>, vector<1x16xf32>,
        %get3A_167 = arith.index_cast %scan3A_28 : i32 to index
        %get3A_168 = arith.constant 160 : index
        %get3A_169 = tpu.vector_load %arg9[%get3A_167, %get3A_168] {strides = array<i32>} : memref<128x256xf32, #tpu.memory_space<vmem>>, vector<1x16xf32>,
        %get3A_170 = vector.shape_cast %get3A_169 : vector<1x16xf32> to vector<16xf32>
        %get3A_171 = arith.index_cast %scan3A_28 : i32 to index
        %get3A_172 = arith.constant 160 : index
        %get3A_173 = tpu.vector_load %arg10[%get3A_171, %get3A_172] {strides = array<i32>} : memref<128x256xf32, #tpu.memory_space<vmem>>, vector<1x16xf32>,
        %get3A_174 = vector.shape_cast %get3A_173 : vector<1x16xf32> to vector<16xf32>
        %add3A_175 = arith.addf %get3A_170, %get3A_174 : vector<16xf32>
        %swap3A_176 = arith.index_cast %scan3A_28 : i32 to index
        %swap3A_177 = arith.constant 160 : index
        %swap3A_178 = tpu.vector_load %arg9[%swap3A_176, %swap3A_177] {strides = array<i32>} : memref<128x256xf32, #tpu.memory_space<vmem>>, vector<1x16xf32>,
        %swap3A_179 = vector.shape_cast %swap3A_178 : vector<1x16xf32> to vector<16xf32>
        %swap3A_180 = vector.shape_cast %add3A_175 : vector<16xf32> to vector<1x16xf32>
        tpu.vector_store %arg9[%swap3A_176, %swap3A_177], %swap3A_180 {strides = array<i32>} : memref<128x256xf32, #tpu.memory_space<vmem>>, vector<1x16xf32>,
        %get3A_181 = arith.index_cast %scan3A_28 : i32 to index
        %get3A_182 = arith.constant 176 : index
        %get3A_183 = tpu.vector_load %arg9[%get3A_181, %get3A_182] {strides = array<i32>} : memref<128x256xf32, #tpu.memory_space<vmem>>, vector<1x16xf32>,
        %get3A_184 = vector.shape_cast %get3A_183 : vector<1x16xf32> to vector<16xf32>
        %get3A_185 = arith.index_cast %scan3A_28 : i32 to index
        %get3A_186 = arith.constant 176 : index
        %get3A_187 = tpu.vector_load %arg10[%get3A_185, %get3A_186] {strides = array<i32>} : memref<128x256xf32, #tpu.memory_space<vmem>>, vector<1x16xf32>,
        %get3A_188 = vector.shape_cast %get3A_187 : vector<1x16xf32> to vector<16xf32>
        %add3A_189 = arith.addf %get3A_184, %get3A_188 : vector<16xf32>
        %swap3A_190 = arith.index_cast %scan3A_28 : i32 to index
        %swap3A_191 = arith.constant 176 : index
        %swap3A_192 = tpu.vector_load %arg9[%swap3A_190, %swap3A_191] {strides = array<i32>} : memref<128x256xf32, #tpu.memory_space<vmem>>, vector<1x16xf32>,
        %swap3A_193 = vector.shape_cast %swap3A_192 : vector<1x16xf32> to vector<16xf32>
        %swap3A_194 = vector.shape_cast %add3A_189 : vector<16xf32> to vector<1x16xf32>
        tpu.vector_store %arg9[%swap3A_190, %swap3A_191], %swap3A_194 {strides = array<i32>} : memref<128x256xf32, #tpu.memory_space<vmem>>, vector<1x16xf32>,
        %get3A_195 = arith.index_cast %scan3A_28 : i32 to index
        %get3A_196 = arith.constant 192 : index
        %get3A_197 = tpu.vector_load %arg9[%get3A_195, %get3A_196] {strides = array<i32>} : memref<128x256xf32, #tpu.memory_space<vmem>>, vector<1x16xf32>,
        %get3A_198 = vector.shape_cast %get3A_197 : vector<1x16xf32> to vector<16xf32>
        %get3A_199 = arith.index_cast %scan3A_28 : i32 to index
        %get3A_200 = arith.constant 192 : index
        %get3A_201 = tpu.vector_load %arg10[%get3A_199, %get3A_200] {strides = array<i32>} : memref<128x256xf32, #tpu.memory_space<vmem>>, vector<1x16xf32>,
        %get3A_202 = vector.shape_cast %get3A_201 : vector<1x16xf32> to vector<16xf32>
        %add3A_203 = arith.addf %get3A_198, %get3A_202 : vector<16xf32>
        %swap3A_204 = arith.index_cast %scan3A_28 : i32 to index
        %swap3A_205 = arith.constant 192 : index
        %swap3A_206 = tpu.vector_load %arg9[%swap3A_204, %swap3A_205] {strides = array<i32>} : memref<128x256xf32, #tpu.memory_space<vmem>>, vector<1x16xf32>,
        %swap3A_207 = vector.shape_cast %swap3A_206 : vector<1x16xf32> to vector<16xf32>
        %swap3A_208 = vector.shape_cast %add3A_203 : vector<16xf32> to vector<1x16xf32>
        tpu.vector_store %arg9[%swap3A_204, %swap3A_205], %swap3A_208 {strides = array<i32>} : memref<128x256xf32, #tpu.memory_space<vmem>>, vector<1x16xf32>,
        %get3A_209 = arith.index_cast %scan3A_28 : i32 to index
        %get3A_210 = arith.constant 208 : index
        %get3A_211 = tpu.vector_load %arg9[%get3A_209, %get3A_210] {strides = array<i32>} : memref<128x256xf32, #tpu.memory_space<vmem>>, vector<1x16xf32>,
        %get3A_212 = vector.shape_cast %get3A_211 : vector<1x16xf32> to vector<16xf32>
        %get3A_213 = arith.index_cast %scan3A_28 : i32 to index
        %get3A_214 = arith.constant 208 : index
        %get3A_215 = tpu.vector_load %arg10[%get3A_213, %get3A_214] {strides = array<i32>} : memref<128x256xf32, #tpu.memory_space<vmem>>, vector<1x16xf32>,
        %get3A_216 = vector.shape_cast %get3A_215 : vector<1x16xf32> to vector<16xf32>
        %add3A_217 = arith.addf %get3A_212, %get3A_216 : vector<16xf32>
        %swap3A_218 = arith.index_cast %scan3A_28 : i32 to index
        %swap3A_219 = arith.constant 208 : index
        %swap3A_220 = tpu.vector_load %arg9[%swap3A_218, %swap3A_219] {strides = array<i32>} : memref<128x256xf32, #tpu.memory_space<vmem>>, vector<1x16xf32>,
        %swap3A_221 = vector.shape_cast %swap3A_220 : vector<1x16xf32> to vector<16xf32>
        %swap3A_222 = vector.shape_cast %add3A_217 : vector<16xf32> to vector<1x16xf32>
        tpu.vector_store %arg9[%swap3A_218, %swap3A_219], %swap3A_222 {strides = array<i32>} : memref<128x256xf32, #tpu.memory_space<vmem>>, vector<1x16xf32>,
        %get3A_223 = arith.index_cast %scan3A_28 : i32 to index
        %get3A_224 = arith.constant 224 : index
        %get3A_225 = tpu.vector_load %arg9[%get3A_223, %get3A_224] {strides = array<i32>} : memref<128x256xf32, #tpu.memory_space<vmem>>, vector<1x16xf32>,
        %get3A_226 = vector.shape_cast %get3A_225 : vector<1x16xf32> to vector<16xf32>
        %get3A_227 = arith.index_cast %scan3A_28 : i32 to index
        %get3A_228 = arith.constant 224 : index
        %get3A_229 = tpu.vector_load %arg10[%get3A_227, %get3A_228] {strides = array<i32>} : memref<128x256xf32, #tpu.memory_space<vmem>>, vector<1x16xf32>,
        %get3A_230 = vector.shape_cast %get3A_229 : vector<1x16xf32> to vector<16xf32>
        %add3A_231 = arith.addf %get3A_226, %get3A_230 : vector<16xf32>
        %swap3A_232 = arith.index_cast %scan3A_28 : i32 to index
        %swap3A_233 = arith.constant 224 : index
        %swap3A_234 = tpu.vector_load %arg9[%swap3A_232, %swap3A_233] {strides = array<i32>} : memref<128x256xf32, #tpu.memory_space<vmem>>, vector<1x16xf32>,
        %swap3A_235 = vector.shape_cast %swap3A_234 : vector<1x16xf32> to vector<16xf32>
        %swap3A_236 = vector.shape_cast %add3A_231 : vector<16xf32> to vector<1x16xf32>
        tpu.vector_store %arg9[%swap3A_232, %swap3A_233], %swap3A_236 {strides = array<i32>} : memref<128x256xf32, #tpu.memory_space<vmem>>, vector<1x16xf32>,
        %get3A_237 = arith.index_cast %scan3A_28 : i32 to index
        %get3A_238 = arith.constant 240 : index
        %get3A_239 = tpu.vector_load %arg9[%get3A_237, %get3A_238] {strides = array<i32>} : memref<128x256xf32, #tpu.memory_space<vmem>>, vector<1x16xf32>,
        %get3A_240 = vector.shape_cast %get3A_239 : vector<1x16xf32> to vector<16xf32>
        %get3A_241 = arith.index_cast %scan3A_28 : i32 to index
        %get3A_242 = arith.constant 240 : index
        %get3A_243 = tpu.vector_load %arg10[%get3A_241, %get3A_242] {strides = array<i32>} : memref<128x256xf32, #tpu.memory_space<vmem>>, vector<1x16xf32>,
        %get3A_244 = vector.shape_cast %get3A_243 : vector<1x16xf32> to vector<16xf32>
        %add3A_245 = arith.addf %get3A_240, %get3A_244 : vector<16xf32>
        %swap3A_246 = arith.index_cast %scan3A_28 : i32 to index
        %swap3A_247 = arith.constant 240 : index
        %swap3A_248 = tpu.vector_load %arg9[%swap3A_246, %swap3A_247] {strides = array<i32>} : memref<128x256xf32, #tpu.memory_space<vmem>>, vector<1x16xf32>,
        %swap3A_249 = vector.shape_cast %swap3A_248 : vector<1x16xf32> to vector<16xf32>
        %swap3A_250 = vector.shape_cast %add3A_245 : vector<16xf32> to vector<1x16xf32>
        tpu.vector_store %arg9[%swap3A_246, %swap3A_247], %swap3A_250 {strides = array<i32>} : memref<128x256xf32, #tpu.memory_space<vmem>>, vector<1x16xf32>,
      }
      %scan3A_27 = arith.constant 128 : i32
      "tpu.region"() ({
        %run_scoped3A = tpu.sem_alloc : memref<!tpu.dma_semaphore, #tpu.memory_space<semaphore_mem>>
        %dma_start3A_28 = arith.constant 0 : i32
        %dma_start3A_29 = tpu.memref_slice %arg6[%add3A_11, %dma_start3A_28] : memref<303104x256xf32, #tpu.memory_space<hbm>> -> memref<128x256xf32, #tpu.memory_space<hbm>>
        %dma_start3A_30 = arith.constant 0 : i32
        %dma_start3A_31 = tpu.memref_slice %arg6[%add3A_11, %dma_start3A_30] : memref<303104x256xf32, #tpu.memory_space<hbm>> -> memref<128x256xf32, #tpu.memory_space<hbm>>
        tpu.enqueue_dma source(%arg9 : memref<128x256xf32, #tpu.memory_space<vmem>>) target(%dma_start3A_31 : memref<128x256xf32, #tpu.memory_space<hbm>>) target_semaphore(%run_scoped3A : memref<!tpu.dma_semaphore, #tpu.memory_space<semaphore_mem>>)
        %dma_wait3A_32 = arith.constant 0 : i32
        %dma_wait3A_33 = tpu.memref_slice %arg6[%add3A_11, %dma_wait3A_32] : memref<303104x256xf32, #tpu.memory_space<hbm>> -> memref<128x256xf32, #tpu.memory_space<hbm>>
        %dma_wait3A_34 = arith.constant 0 : i32
        %dma_wait3A_35 = tpu.memref_slice %arg6[%add3A_11, %dma_wait3A_34] : memref<303104x256xf32, #tpu.memory_space<hbm>> -> memref<128x256xf32, #tpu.memory_space<hbm>>
        tpu.wait_dma2 semaphore(%run_scoped3A : memref<!tpu.dma_semaphore, #tpu.memory_space<semaphore_mem>>) src(%arg9 : memref<128x256xf32, #tpu.memory_space<vmem>>) dst(%dma_wait3A_35 : memref<128x256xf32, #tpu.memory_space<hbm>>)
        tpu.yield
      }) : () -> ()
    }
    %scan3A_7 = arith.constant 74 : i32
    return
  }
}

module attributes {stable_mosaic.version = 14 : i64} {
  func.func @_edge_body(%arg0: i32, %arg1: memref<2000x256xf32, #tpu.memory_space<vmem>>, %arg2: memref<2000x16xf32, #tpu.memory_space<vmem>>, %arg3: memref<16x256xf32, #tpu.memory_space<vmem>>, %arg4: memref<1x256xf32, #tpu.memory_space<vmem>>, %arg5: memref<256x256xf32, #tpu.memory_space<vmem>>, %arg6: memref<1x256xf32, #tpu.memory_space<vmem>>, %arg7: memref<1x256xf32, #tpu.memory_space<vmem>>, %arg8: memref<1x256xf32, #tpu.memory_space<vmem>>, %arg9: memref<2000x256xf32, #tpu.memory_space<vmem>>) attributes {dimension_semantics = [#tpu.dimension_semantics<arbitrary>], iteration_bounds = array<i64: 150>, scalar_prefetch = 0 : i64, scratch_operands = 0 : i64, tpu.core_type = #tpu.core_type<tc>, window_params = [{transform_indices = @transform_0, window_bounds = array<i64: 2000, 256>}, {transform_indices = @transform_1, window_bounds = array<i64: 2000, 16>}, {pipeline_mode = #tpu.pipeline_mode<synchronous>, transform_indices = @transform_2, window_bounds = array<i64: 16, 256>}, {pipeline_mode = #tpu.pipeline_mode<synchronous>, transform_indices = @transform_3, window_bounds = array<i64: 1, 256>}, {pipeline_mode = #tpu.pipeline_mode<synchronous>, transform_indices = @transform_4, window_bounds = array<i64: 256, 256>}, {pipeline_mode = #tpu.pipeline_mode<synchronous>, transform_indices = @transform_5, window_bounds = array<i64: 1, 256>}, {pipeline_mode = #tpu.pipeline_mode<synchronous>, transform_indices = @transform_6, window_bounds = array<i64: 1, 256>}, {pipeline_mode = #tpu.pipeline_mode<synchronous>, transform_indices = @transform_7, window_bounds = array<i64: 1, 256>}, {transform_indices = @transform_8, window_bounds = array<i64: 2000, 256>}]} {
    %get3A = arith.constant 0 : index
    %get3A_0 = arith.constant 0 : index
    %get3A_1 = vector.load %arg1[%get3A, %get3A_0] : memref<2000x256xf32, #tpu.memory_space<vmem>>, vector<2000x256xf32>
    %get3A_2 = arith.constant 0 : index
    %get3A_3 = arith.constant 0 : index
    %get3A_4 = vector.load %arg2[%get3A_2, %get3A_3] : memref<2000x16xf32, #tpu.memory_space<vmem>>, vector<2000x16xf32>
    %get3A_5 = arith.constant 0 : index
    %get3A_6 = arith.constant 0 : index
    %get3A_7 = vector.load %arg3[%get3A_5, %get3A_6] : memref<16x256xf32, #tpu.memory_space<vmem>>, vector<16x256xf32>
    %dot_general3A = arith.constant dense<0.000000e+00> : vector<2000x256xf32>
    %dot_general3A_8 = tpu.matmul %get3A_4, %get3A_7, %dot_general3A {dimension_numbers = #tpu.dot_dimension_numbers<[1], [0], [0], [1], [0, 0, 1, 1], [], []>, transpose_lhs_hint = false} : vector<2000x16xf32>, vector<16x256xf32>, vector<2000x256xf32> -> vector<2000x256xf32>
    %add3A = arith.addf %get3A_1, %dot_general3A_8 : vector<2000x256xf32>
    %get3A_9 = arith.constant 0 : index
    %get3A_10 = arith.constant 0 : index
    %get3A_11 = vector.load %arg4[%get3A_9, %get3A_10] : memref<1x256xf32, #tpu.memory_space<vmem>>, vector<1x256xf32>
    %add3A_12 = vector.broadcast %get3A_11 : vector<1x256xf32> to vector<2000x256xf32>
    %add3A_13 = arith.addf %add3A, %add3A_12 : vector<2000x256xf32>
    %max3A = arith.constant 0.000000e+00 : f32
    %max3A_14 = vector.broadcast %max3A : f32 to vector<2000x256xf32>
    %max3A_15 = arith.maximumf %add3A_13, %max3A_14 : vector<2000x256xf32>
    %convert_element_type3A = arith.truncf %max3A_15 : vector<2000x256xf32> to vector<2000x256xbf16>
    %get3A_16 = arith.constant 0 : index
    %get3A_17 = arith.constant 0 : index
    %get3A_18 = vector.load %arg5[%get3A_16, %get3A_17] : memref<256x256xf32, #tpu.memory_space<vmem>>, vector<256x256xf32>
    %convert_element_type3A_19 = arith.truncf %get3A_18 : vector<256x256xf32> to vector<256x256xbf16>
    %dot_general3A_20 = arith.constant dense<0.000000e+00> : vector<2000x256xf32>
    %dot_general3A_21 = tpu.matmul %convert_element_type3A, %convert_element_type3A_19, %dot_general3A_20 {dimension_numbers = #tpu.dot_dimension_numbers<[1], [0], [0], [1], [0, 0, 1, 1], [], []>, transpose_lhs_hint = false} : vector<2000x256xbf16>, vector<256x256xbf16>, vector<2000x256xf32> -> vector<2000x256xf32>
    %get3A_22 = arith.constant 0 : index
    %get3A_23 = arith.constant 0 : index
    %get3A_24 = vector.load %arg6[%get3A_22, %get3A_23] : memref<1x256xf32, #tpu.memory_space<vmem>>, vector<1x256xf32>
    %add3A_25 = vector.broadcast %get3A_24 : vector<1x256xf32> to vector<2000x256xf32>
    %add3A_26 = arith.addf %dot_general3A_21, %add3A_25 : vector<2000x256xf32>
    %max3A_27 = arith.constant 0.000000e+00 : f32
    %max3A_28 = vector.broadcast %max3A_27 : f32 to vector<2000x256xf32>
    %max3A_29 = arith.maximumf %add3A_26, %max3A_28 : vector<2000x256xf32>
    %reduce_sum3A = arith.constant dense<0.000000e+00> : vector<2000xf32>
    %reduce_sum3A_30 = vector.multi_reduction <add>, %max3A_29, %reduce_sum3A [1] : vector<2000x256xf32> to vector<2000xf32>
    %broadcast_in_dim3A = vector.shape_cast %reduce_sum3A_30 : vector<2000xf32> to vector<2000x1xf32>
    %div3A = arith.constant 2.560000e+02 : f32
    %div3A_31 = vector.broadcast %div3A : f32 to vector<2000x1xf32>
    %div3A_32 = arith.divf %broadcast_in_dim3A, %div3A_31 : vector<2000x1xf32>
    %sub3A = vector.broadcast %div3A_32 : vector<2000x1xf32> to vector<2000x256xf32>
    %sub3A_33 = arith.subf %max3A_29, %sub3A : vector<2000x256xf32>
    %mul3A = arith.mulf %sub3A_33, %sub3A_33 : vector<2000x256xf32>
    %reduce_sum3A_34 = arith.constant dense<0.000000e+00> : vector<2000xf32>
    %reduce_sum3A_35 = vector.multi_reduction <add>, %mul3A, %reduce_sum3A_34 [1] : vector<2000x256xf32> to vector<2000xf32>
    %broadcast_in_dim3A_36 = vector.shape_cast %reduce_sum3A_35 : vector<2000xf32> to vector<2000x1xf32>
    %div3A_37 = arith.constant 2.560000e+02 : f32
    %div3A_38 = vector.broadcast %div3A_37 : f32 to vector<2000x1xf32>
    %div3A_39 = arith.divf %broadcast_in_dim3A_36, %div3A_38 : vector<2000x1xf32>
    %add3A_40 = arith.constant 9.99999974E-6 : f32
    %add3A_41 = vector.broadcast %add3A_40 : f32 to vector<2000x1xf32>
    %add3A_42 = arith.addf %div3A_39, %add3A_41 : vector<2000x1xf32>
    %rsqrt3A = math.rsqrt %add3A_42 : vector<2000x1xf32>
    %mul3A_43 = vector.broadcast %rsqrt3A : vector<2000x1xf32> to vector<2000x256xf32>
    %mul3A_44 = arith.mulf %sub3A_33, %mul3A_43 : vector<2000x256xf32>
    %get3A_45 = arith.constant 0 : index
    %get3A_46 = arith.constant 0 : index
    %get3A_47 = vector.load %arg7[%get3A_45, %get3A_46] : memref<1x256xf32, #tpu.memory_space<vmem>>, vector<1x256xf32>
    %mul3A_48 = vector.broadcast %get3A_47 : vector<1x256xf32> to vector<2000x256xf32>
    %mul3A_49 = arith.mulf %mul3A_44, %mul3A_48 : vector<2000x256xf32>
    %get3A_50 = arith.constant 0 : index
    %get3A_51 = arith.constant 0 : index
    %get3A_52 = vector.load %arg8[%get3A_50, %get3A_51] : memref<1x256xf32, #tpu.memory_space<vmem>>, vector<1x256xf32>
    %add3A_53 = vector.broadcast %get3A_52 : vector<1x256xf32> to vector<2000x256xf32>
    %add3A_54 = arith.addf %mul3A_49, %add3A_53 : vector<2000x256xf32>
    %swap3A = arith.constant 0 : index
    %swap3A_55 = arith.constant 0 : index
    %swap3A_56 = vector.load %arg9[%swap3A, %swap3A_55] : memref<2000x256xf32, #tpu.memory_space<vmem>>, vector<2000x256xf32>
    tpu.vector_store %arg9[%swap3A, %swap3A_55], %add3A_54 {strides = array<i32>} : memref<2000x256xf32, #tpu.memory_space<vmem>>, vector<2000x256xf32>,
    return
  }
  func.func @transform_0(%arg0: i32) -> (i32, i32) {
    %c0_i32 = arith.constant 0 : i32
    %c0_i32_0 = arith.constant 0 : i32
    return %arg0, %c0_i32 : i32, i32
  }
  func.func @transform_1(%arg0: i32) -> (i32, i32) {
    %c0_i32 = arith.constant 0 : i32
    %c0_i32_0 = arith.constant 0 : i32
    return %arg0, %c0_i32 : i32, i32
  }
  func.func @transform_2(%arg0: i32) -> (i32, i32) {
    %c0_i32 = arith.constant 0 : i32
    %c0_i32_0 = arith.constant 0 : i32
    %c0_i32_1 = arith.constant 0 : i32
    return %c0_i32, %c0_i32_0 : i32, i32
  }
  func.func @transform_3(%arg0: i32) -> (i32, i32) {
    %c0_i32 = arith.constant 0 : i32
    %c0_i32_0 = arith.constant 0 : i32
    %c0_i32_1 = arith.constant 0 : i32
    return %c0_i32, %c0_i32_0 : i32, i32
  }
  func.func @transform_4(%arg0: i32) -> (i32, i32) {
    %c0_i32 = arith.constant 0 : i32
    %c0_i32_0 = arith.constant 0 : i32
    %c0_i32_1 = arith.constant 0 : i32
    return %c0_i32, %c0_i32_0 : i32, i32
  }
  func.func @transform_5(%arg0: i32) -> (i32, i32) {
    %c0_i32 = arith.constant 0 : i32
    %c0_i32_0 = arith.constant 0 : i32
    %c0_i32_1 = arith.constant 0 : i32
    return %c0_i32, %c0_i32_0 : i32, i32
  }
  func.func @transform_6(%arg0: i32) -> (i32, i32) {
    %c0_i32 = arith.constant 0 : i32
    %c0_i32_0 = arith.constant 0 : i32
    %c0_i32_1 = arith.constant 0 : i32
    return %c0_i32, %c0_i32_0 : i32, i32
  }
  func.func @transform_7(%arg0: i32) -> (i32, i32) {
    %c0_i32 = arith.constant 0 : i32
    %c0_i32_0 = arith.constant 0 : i32
    %c0_i32_1 = arith.constant 0 : i32
    return %c0_i32, %c0_i32_0 : i32, i32
  }
  func.func @transform_8(%arg0: i32) -> (i32, i32) {
    %c0_i32 = arith.constant 0 : i32
    %c0_i32_0 = arith.constant 0 : i32
    return %arg0, %c0_i32 : i32, i32
  }
}

module attributes {stable_mosaic.version = 14 : i64} {
  func.func @_xsxt_body(%arg0: i32, %arg1: memref<240x256xf32, #tpu.memory_space<vmem>>, %arg2: memref<256x256xf32, #tpu.memory_space<vmem>>, %arg3: memref<256x256xf32, #tpu.memory_space<vmem>>, %arg4: memref<240x256xf32, #tpu.memory_space<vmem>>, %arg5: memref<240x256xf32, #tpu.memory_space<vmem>>) attributes {dimension_semantics = [#tpu.dimension_semantics<arbitrary>], iteration_bounds = array<i64: 121>, scalar_prefetch = 0 : i64, scratch_operands = 0 : i64, tpu.core_type = #tpu.core_type<tc>, window_params = [{transform_indices = @transform_0, window_bounds = array<i64: 240, 256>}, {pipeline_mode = #tpu.pipeline_mode<synchronous>, transform_indices = @transform_1, window_bounds = array<i64: 256, 256>}, {pipeline_mode = #tpu.pipeline_mode<synchronous>, transform_indices = @transform_2, window_bounds = array<i64: 256, 256>}, {transform_indices = @transform_3, window_bounds = array<i64: 240, 256>}, {transform_indices = @transform_4, window_bounds = array<i64: 240, 256>}]} {
    %get3A = arith.constant 0 : index
    %get3A_0 = arith.constant 0 : index
    %get3A_1 = vector.load %arg1[%get3A, %get3A_0] : memref<240x256xf32, #tpu.memory_space<vmem>>, vector<240x256xf32>
    %get3A_2 = arith.constant 0 : index
    %get3A_3 = arith.constant 0 : index
    %get3A_4 = vector.load %arg2[%get3A_2, %get3A_3] : memref<256x256xf32, #tpu.memory_space<vmem>>, vector<256x256xf32>
    %dot_general3A = arith.constant dense<0.000000e+00> : vector<240x256xf32>
    %dot_general3A_5 = tpu.matmul %get3A_1, %get3A_4, %dot_general3A {dimension_numbers = #tpu.dot_dimension_numbers<[1], [0], [0], [1], [0, 0, 1, 1], [], []>, transpose_lhs_hint = false} : vector<240x256xf32>, vector<256x256xf32>, vector<240x256xf32> -> vector<240x256xf32>
    %swap3A = arith.constant 0 : index
    %swap3A_6 = arith.constant 0 : index
    %swap3A_7 = vector.load %arg4[%swap3A, %swap3A_6] : memref<240x256xf32, #tpu.memory_space<vmem>>, vector<240x256xf32>
    tpu.vector_store %arg4[%swap3A, %swap3A_6], %dot_general3A_5 {strides = array<i32>} : memref<240x256xf32, #tpu.memory_space<vmem>>, vector<240x256xf32>,
    %get3A_8 = arith.constant 0 : index
    %get3A_9 = arith.constant 0 : index
    %get3A_10 = vector.load %arg1[%get3A_8, %get3A_9] : memref<240x256xf32, #tpu.memory_space<vmem>>, vector<240x256xf32>
    %get3A_11 = arith.constant 0 : index
    %get3A_12 = arith.constant 0 : index
    %get3A_13 = vector.load %arg3[%get3A_11, %get3A_12] : memref<256x256xf32, #tpu.memory_space<vmem>>, vector<256x256xf32>
    %dot_general3A_14 = arith.constant dense<0.000000e+00> : vector<240x256xf32>
    %dot_general3A_15 = tpu.matmul %get3A_10, %get3A_13, %dot_general3A_14 {dimension_numbers = #tpu.dot_dimension_numbers<[1], [0], [0], [1], [0, 0, 1, 1], [], []>, transpose_lhs_hint = false} : vector<240x256xf32>, vector<256x256xf32>, vector<240x256xf32> -> vector<240x256xf32>
    %swap3A_16 = arith.constant 0 : index
    %swap3A_17 = arith.constant 0 : index
    %swap3A_18 = vector.load %arg5[%swap3A_16, %swap3A_17] : memref<240x256xf32, #tpu.memory_space<vmem>>, vector<240x256xf32>
    tpu.vector_store %arg5[%swap3A_16, %swap3A_17], %dot_general3A_15 {strides = array<i32>} : memref<240x256xf32, #tpu.memory_space<vmem>>, vector<240x256xf32>,
    return
  }
  func.func @transform_0(%arg0: i32) -> (i32, i32) {
    %c0_i32 = arith.constant 0 : i32
    %c0_i32_0 = arith.constant 0 : i32
    return %arg0, %c0_i32 : i32, i32
  }
  func.func @transform_1(%arg0: i32) -> (i32, i32) {
    %c0_i32 = arith.constant 0 : i32
    %c0_i32_0 = arith.constant 0 : i32
    %c0_i32_1 = arith.constant 0 : i32
    return %c0_i32, %c0_i32_0 : i32, i32
  }
  func.func @transform_2(%arg0: i32) -> (i32, i32) {
    %c0_i32 = arith.constant 0 : i32
    %c0_i32_0 = arith.constant 0 : i32
    %c0_i32_1 = arith.constant 0 : i32
    return %c0_i32, %c0_i32_0 : i32, i32
  }
  func.func @transform_3(%arg0: i32) -> (i32, i32) {
    %c0_i32 = arith.constant 0 : i32
    %c0_i32_0 = arith.constant 0 : i32
    return %arg0, %c0_i32 : i32, i32
  }
  func.func @transform_4(%arg0: i32) -> (i32, i32) {
    %c0_i32 = arith.constant 0 : i32
    %c0_i32_0 = arith.constant 0 : i32
    return %arg0, %c0_i32 : i32, i32
  }
}

module attributes {stable_mosaic.version = 14 : i64} {
  func.func @_node_body(%arg0: i32, %arg1: memref<240x256xf32, #tpu.memory_space<vmem>>, %arg2: memref<240x256xf32, #tpu.memory_space<vmem>>, %arg3: memref<256x256xf32, #tpu.memory_space<vmem>>, %arg4: memref<256x256xf32, #tpu.memory_space<vmem>>, %arg5: memref<256x256xf32, #tpu.memory_space<vmem>>, %arg6: memref<1x256xf32, #tpu.memory_space<vmem>>, %arg7: memref<256x256xf32, #tpu.memory_space<vmem>>, %arg8: memref<1x256xf32, #tpu.memory_space<vmem>>, %arg9: memref<240x256xf32, #tpu.memory_space<vmem>>) attributes {dimension_semantics = [#tpu.dimension_semantics<arbitrary>], iteration_bounds = array<i64: 121>, scalar_prefetch = 0 : i64, scratch_operands = 0 : i64, tpu.core_type = #tpu.core_type<tc>, window_params = [{transform_indices = @transform_0, window_bounds = array<i64: 240, 256>}, {transform_indices = @transform_1, window_bounds = array<i64: 240, 256>}, {pipeline_mode = #tpu.pipeline_mode<synchronous>, transform_indices = @transform_2, window_bounds = array<i64: 256, 256>}, {pipeline_mode = #tpu.pipeline_mode<synchronous>, transform_indices = @transform_3, window_bounds = array<i64: 256, 256>}, {pipeline_mode = #tpu.pipeline_mode<synchronous>, transform_indices = @transform_4, window_bounds = array<i64: 256, 256>}, {pipeline_mode = #tpu.pipeline_mode<synchronous>, transform_indices = @transform_5, window_bounds = array<i64: 1, 256>}, {pipeline_mode = #tpu.pipeline_mode<synchronous>, transform_indices = @transform_6, window_bounds = array<i64: 256, 256>}, {pipeline_mode = #tpu.pipeline_mode<synchronous>, transform_indices = @transform_7, window_bounds = array<i64: 1, 256>}, {transform_indices = @transform_8, window_bounds = array<i64: 240, 256>}]} {
    %get3A = arith.constant 0 : index
    %get3A_0 = arith.constant 0 : index
    %get3A_1 = vector.load %arg2[%get3A, %get3A_0] : memref<240x256xf32, #tpu.memory_space<vmem>>, vector<240x256xf32>
    %get3A_2 = arith.constant 0 : index
    %get3A_3 = arith.constant 0 : index
    %get3A_4 = vector.load %arg1[%get3A_2, %get3A_3] : memref<240x256xf32, #tpu.memory_space<vmem>>, vector<240x256xf32>
    %reduce_sum3A = arith.constant dense<0.000000e+00> : vector<256xf32>
    %reduce_sum3A_5 = vector.multi_reduction <add>, %get3A_1, %reduce_sum3A [0] : vector<240x256xf32> to vector<256xf32>
    %broadcast_in_dim3A = vector.shape_cast %reduce_sum3A_5 : vector<256xf32> to vector<1x256xf32>
    %div3A = arith.constant 2.400000e+02 : f32
    %div3A_6 = vector.broadcast %div3A : f32 to vector<1x256xf32>
    %div3A_7 = arith.divf %broadcast_in_dim3A, %div3A_6 : vector<1x256xf32>
    %get3A_8 = arith.constant 0 : index
    %get3A_9 = arith.constant 0 : index
    %get3A_10 = vector.load %arg3[%get3A_8, %get3A_9] : memref<256x256xf32, #tpu.memory_space<vmem>>, vector<256x256xf32>
    %dot_general3A = arith.constant dense<0.000000e+00> : vector<240x256xf32>
    %dot_general3A_11 = tpu.matmul %get3A_4, %get3A_10, %dot_general3A {dimension_numbers = #tpu.dot_dimension_numbers<[1], [0], [0], [1], [0, 0, 1, 1], [], []>, transpose_lhs_hint = false} : vector<240x256xf32>, vector<256x256xf32>, vector<240x256xf32> -> vector<240x256xf32>
    %get3A_12 = arith.constant 0 : index
    %get3A_13 = arith.constant 0 : index
    %get3A_14 = vector.load %arg4[%get3A_12, %get3A_13] : memref<256x256xf32, #tpu.memory_space<vmem>>, vector<256x256xf32>
    %dot_general3A_15 = arith.constant dense<0.000000e+00> : vector<240x256xf32>
    %dot_general3A_16 = tpu.matmul %get3A_1, %get3A_14, %dot_general3A_15 {dimension_numbers = #tpu.dot_dimension_numbers<[1], [0], [0], [1], [0, 0, 1, 1], [], []>, transpose_lhs_hint = false} : vector<240x256xf32>, vector<256x256xf32>, vector<240x256xf32> -> vector<240x256xf32>
    %add3A = arith.addf %dot_general3A_11, %dot_general3A_16 : vector<240x256xf32>
    %get3A_17 = arith.constant 0 : index
    %get3A_18 = arith.constant 0 : index
    %get3A_19 = vector.load %arg5[%get3A_17, %get3A_18] : memref<256x256xf32, #tpu.memory_space<vmem>>, vector<256x256xf32>
    %dot_general3A_20 = arith.constant dense<0.000000e+00> : vector<1x256xf32>
    %dot_general3A_21 = tpu.matmul %div3A_7, %get3A_19, %dot_general3A_20 {dimension_numbers = #tpu.dot_dimension_numbers<[1], [0], [0], [1], [0, 0, 1, 1], [], []>, transpose_lhs_hint = false} : vector<1x256xf32>, vector<256x256xf32>, vector<1x256xf32> -> vector<1x256xf32>
    %add3A_22 = vector.broadcast %dot_general3A_21 : vector<1x256xf32> to vector<240x256xf32>
    %add3A_23 = arith.addf %add3A, %add3A_22 : vector<240x256xf32>
    %get3A_24 = arith.constant 0 : index
    %get3A_25 = arith.constant 0 : index
    %get3A_26 = vector.load %arg6[%get3A_24, %get3A_25] : memref<1x256xf32, #tpu.memory_space<vmem>>, vector<1x256xf32>
    %add3A_27 = vector.broadcast %get3A_26 : vector<1x256xf32> to vector<240x256xf32>
    %add3A_28 = arith.addf %add3A_23, %add3A_27 : vector<240x256xf32>
    %max3A = arith.constant 0.000000e+00 : f32
    %max3A_29 = vector.broadcast %max3A : f32 to vector<240x256xf32>
    %max3A_30 = arith.maximumf %add3A_28, %max3A_29 : vector<240x256xf32>
    %get3A_31 = arith.constant 0 : index
    %get3A_32 = arith.constant 0 : index
    %get3A_33 = vector.load %arg7[%get3A_31, %get3A_32] : memref<256x256xf32, #tpu.memory_space<vmem>>, vector<256x256xf32>
    %dot_general3A_34 = arith.constant dense<0.000000e+00> : vector<240x256xf32>
    %dot_general3A_35 = tpu.matmul %max3A_30, %get3A_33, %dot_general3A_34 {dimension_numbers = #tpu.dot_dimension_numbers<[1], [0], [0], [1], [0, 0, 1, 1], [], []>, transpose_lhs_hint = false} : vector<240x256xf32>, vector<256x256xf32>, vector<240x256xf32> -> vector<240x256xf32>
    %get3A_36 = arith.constant 0 : index
    %get3A_37 = arith.constant 0 : index
    %get3A_38 = vector.load %arg8[%get3A_36, %get3A_37] : memref<1x256xf32, #tpu.memory_space<vmem>>, vector<1x256xf32>
    %add3A_39 = vector.broadcast %get3A_38 : vector<1x256xf32> to vector<240x256xf32>
    %add3A_40 = arith.addf %dot_general3A_35, %add3A_39 : vector<240x256xf32>
    %add3A_41 = arith.addf %add3A_40, %get3A_4 : vector<240x256xf32>
    %swap3A = arith.constant 0 : index
    %swap3A_42 = arith.constant 0 : index
    %swap3A_43 = vector.load %arg9[%swap3A, %swap3A_42] : memref<240x256xf32, #tpu.memory_space<vmem>>, vector<240x256xf32>
    tpu.vector_store %arg9[%swap3A, %swap3A_42], %add3A_41 {strides = array<i32>} : memref<240x256xf32, #tpu.memory_space<vmem>>, vector<240x256xf32>,
    return
  }
  func.func @transform_0(%arg0: i32) -> (i32, i32) {
    %c0_i32 = arith.constant 0 : i32
    %c0_i32_0 = arith.constant 0 : i32
    return %arg0, %c0_i32 : i32, i32
  }
  func.func @transform_1(%arg0: i32) -> (i32, i32) {
    %c0_i32 = arith.constant 0 : i32
    %c0_i32_0 = arith.constant 0 : i32
    return %arg0, %c0_i32 : i32, i32
  }
  func.func @transform_2(%arg0: i32) -> (i32, i32) {
    %c0_i32 = arith.constant 0 : i32
    %c0_i32_0 = arith.constant 0 : i32
    %c0_i32_1 = arith.constant 0 : i32
    return %c0_i32, %c0_i32_0 : i32, i32
  }
  func.func @transform_3(%arg0: i32) -> (i32, i32) {
    %c0_i32 = arith.constant 0 : i32
    %c0_i32_0 = arith.constant 0 : i32
    %c0_i32_1 = arith.constant 0 : i32
    return %c0_i32, %c0_i32_0 : i32, i32
  }
  func.func @transform_4(%arg0: i32) -> (i32, i32) {
    %c0_i32 = arith.constant 0 : i32
    %c0_i32_0 = arith.constant 0 : i32
    %c0_i32_1 = arith.constant 0 : i32
    return %c0_i32, %c0_i32_0 : i32, i32
  }
  func.func @transform_5(%arg0: i32) -> (i32, i32) {
    %c0_i32 = arith.constant 0 : i32
    %c0_i32_0 = arith.constant 0 : i32
    %c0_i32_1 = arith.constant 0 : i32
    return %c0_i32, %c0_i32_0 : i32, i32
  }
  func.func @transform_6(%arg0: i32) -> (i32, i32) {
    %c0_i32 = arith.constant 0 : i32
    %c0_i32_0 = arith.constant 0 : i32
    %c0_i32_1 = arith.constant 0 : i32
    return %c0_i32, %c0_i32_0 : i32, i32
  }
  func.func @transform_7(%arg0: i32) -> (i32, i32) {
    %c0_i32 = arith.constant 0 : i32
    %c0_i32_0 = arith.constant 0 : i32
    %c0_i32_1 = arith.constant 0 : i32
    return %c0_i32, %c0_i32_0 : i32, i32
  }
  func.func @transform_8(%arg0: i32) -> (i32, i32) {
    %c0_i32 = arith.constant 0 : i32
    %c0_i32_0 = arith.constant 0 : i32
    return %arg0, %c0_i32 : i32, i32
  }
}

</mosaic_0001>

<sc_bundles>
// kernel: kernel.10.cloned.1.call-start
scs
__scs_entry_jumppad:
0x0: {  	(pc) =	sbr.rel $0x88, $3  }
0x1: {  	(tag) =	ssettag $0x0;
	lr =	simm.s32 $0x1  }
0x2: {  	[smem:$0x3F94] =	sst lr;
	_ =	strace $0xD0000000  }
0x3: {  	_ = 	snop  }
0x4: {  	_ = 	snop  }
0x5: {  	_ = 	snop  }
0x6: {  	_ = 	snop  }
0x7: {  	_ = 	snop  }
__scs_overlays_trampoline_lowered:
0x8: {  	[smem:$0x3FA3] =	sst s0  }
0x9: {  	[smem:$0x3FA4] =	sst s1  }
0xa: {  	[smem:$0x3FA5] =	sst s2  }
0xb: {  	[smem:$0x3FA6] =	sst s3  }
0xc: {  	[smem:$0x3FA7] =	sst s4  }
0xd: {  	[smem:$0x3FA8] =	sst s5  }
0xe: {  	[smem:$0x3FA9] =	sst s6  }
0xf: {  	[smem:$0x3FAA] =	sst s7  }
0x10: {  	[smem:$0x3FAB] =	sst s8  }
0x11: {  	[smem:$0x3FAC] =	sst s9;
	s0 =	simm.s32 @!p0 $0x0  }
0x12: {  	s1 =	sld [smem:$0x3F92];
	s0 =	simm.s32 @p0 $0x1  }
0x13: {  	[smem:$0x3FAD] =	sst s0;
	s0 =	simm.s32 @!p1 $0x0  }
0x14: {  	s2 =	sld [smem:$0x3F91];
	s0 =	simm.s32 @p1 $0x1  }
0x15: {  	[smem:$0x3FAE] =	sst s0;
	s0 =	simm.s32 @!p2 $0x0  }
0x16: {  	s3 =	sld [smem:$0x3FDB];
	s0 =	simm.s32 @p2 $0x1  }
0x17: {  	s4 =	simm.s32 $0x1BF5;
	[smem:$0x3FB0] =	sst s0  }
0x18: {  	s0 =	sld [smem:$0x3F93];
	_ =	swait.ge [sflag:s4], $0x0  }
0x19: {  	s7 =	sld [smem:$0x3F94]  }
0x1a: {  	s8 =	sadd.s32 $0xFFFFE003, lr  }
0x1b: {  	s9 =	sadd.s32 $0xFFFFFEF7, lr;
	s5 =	simm.s32 $0xFFFFFFFF;
	p2 =	slt.u32 s8, $0xFFFFF086  }
0x1c: {  	p1 =	slt.u32 s9, $0xF7A;
	s5 =	simm.s32 @!p2 $0x0  }
0x1d: {  	s5 =	simm.s32 @p1 $0x1;
	p0 =	seq.s32 s7, s2  }
0x1e: {  	s7 =	smul.u32 @!p0 $0xF7A, s2;
	p2 =	seq.s32 @!p0 s5, $0x0  }
0x1f: {  	s9 =	smul.u32 $0xF7A, s1;
	s8 =	simm.s32 @!p0 $0x1BF5;
	p2 =	por !p2, p0  }
0x20: {  	[sflag:s8] =	ssyncset.s32 @!p0 $0xFFFFF086;
	s6 =	sadd.s32 @!p0 s3, s7;
	s7 =	simm.s32 @!p0 $0x108  }
0x21: {  	s3 =	sadd.s32 s3, s9;
	s6 =	sadd.s32 @!p0 $0x88, s6;
	s7 =	simm.s32 @p2 $0x1082  }
0x22: {  	[simem:s7], [sflag:s8] =	dma.local @!p0 [hbm:s6], $0xF7A  }
0x23: {  	s9 =	sor.u32 $0xD0000000, s2;
	s6 =	simm.s32 $0x108;
	_ =	swait.ge @!p0 [sflag:s8], $0x0  }
0x24: {  	s3 =	sadd.s32 $0x88, s3;
	s6 =	simm.s32 @!p1 $0x1082;
	[sflag:s4] =	ssyncset.s32 $0xFFFFF086  }
0x25: {  	[simem:s6], [sflag:s4] =	dma.local [hbm:s3], $0xF7A  }
0x26: {  	[smem:$0x3F94] =	sst s1;
	(tag) =	ssettag s2;
	_ =	strace s9  }
0x27: {  	s1 =	sld [smem:$0x3FA4]  }
0x28: {  	s2 =	sld [smem:$0x3FA5]  }
0x29: {  	s4 =	sld [smem:$0x3FA7]  }
0x2a: {  	p0 =	seq.s32 s5, $0x0;
	s5 =	sld [smem:$0x3FA8]  }
0x2b: {  	s6 =	sld [smem:$0x3FA9]  }
0x2c: {  	s7 =	sld [smem:$0x3FAA]  }
0x2d: {  	s3 =	simm.s32 $0x108;
	s8 =	sld [smem:$0x3FAB]  }
0x2e: {  	s3 =	simm.s32 @!p0 $0x1082;
	s9 =	sld [smem:$0x3FAC]  }
0x2f: {  	lr =	sadd.s32 s0, s3;
	s0 =	sld [smem:$0x3FA3]  }
0x30: {  	s3 =	sld [smem:$0x3FA6]  }
0x31: {  	[smem:$0x3FAF] =	sst s10  }
0x32: {  	s10 =	sld [smem:$0x3FAD];
	_ =	sdelay $0x3  }
0x33: {  	p0 =	seq.s32 s10, $0x1;
	s10 =	sld [smem:$0x3FAF];
	_ =	sdelay $0x3  }
0x34: {  	[smem:$0x3FAF] =	sst s10  }
0x35: {  	s10 =	sld [smem:$0x3FAE];
	_ =	sdelay $0x3  }
0x36: {  	p1 =	seq.s32 s10, $0x1;
	s10 =	sld [smem:$0x3FAF];
	_ =	sdelay $0x3  }
0x37: {  	[smem:$0x3FAF] =	sst s10  }
0x38: {  	s10 =	sld [smem:$0x3FB0]  }
0x39: {  	_ = 	snop;
	(pc) =	sbr.ind lr, $3  }
0x3a: {  	_ = 	snop  }
0x3b: {  	_ = 	snop  }
0x3c: {  	p2 =	seq.s32 s10, $0x1;
	s10 =	sld [smem:$0x3FAF]  }
0x3d: {  	_ =	shalt  }
0x3e: {  	_ =	shalt  }
0x3f: {  	_ =	shalt  }
0x40: {  	_ =	shalt  }
0x41: {  	_ =	shalt  }
0x42: {  	_ =	shalt  }
0x43: {  	_ =	shalt  }
0x44: {  	_ =	shalt  }
0x45: {  	_ =	shalt  }
0x46: {  	_ =	shalt  }
0x47: {  	_ =	shalt  }
0x48: {  	_ =	shalt  }
0x49: {  	_ =	shalt  }
0x4a: {  	_ =	shalt  }
0x4b: {  	_ =	shalt  }
0x4c: {  	_ =	shalt  }
0x4d: {  	_ =	shalt  }
0x4e: {  	_ =	shalt  }
0x4f: {  	_ =	shalt  }
0x50: {  	_ =	shalt  }
0x51: {  	_ =	shalt  }
0x52: {  	_ =	shalt  }
0x53: {  	_ =	shalt  }
0x54: {  	_ =	shalt  }
0x55: {  	_ =	shalt  }
0x56: {  	_ =	shalt  }
0x57: {  	_ =	shalt  }
0x58: {  	_ =	shalt  }
0x59: {  	_ =	shalt  }
0x5a: {  	_ =	shalt  }
0x5b: {  	_ =	shalt  }
0x5c: {  	_ =	shalt  }
0x5d: {  	_ =	shalt  }
0x5e: {  	_ =	shalt  }
0x5f: {  	_ =	shalt  }
0x60: {  	_ =	shalt  }
0x61: {  	_ =	shalt  }
0x62: {  	_ =	shalt  }
0x63: {  	_ =	shalt  }
0x64: {  	_ =	shalt  }
0x65: {  	_ =	shalt  }
0x66: {  	_ =	shalt  }
0x67: {  	_ =	shalt  }
0x68: {  	_ =	shalt  }
0x69: {  	_ =	shalt  }
0x6a: {  	_ =	shalt  }
0x6b: {  	_ =	shalt  }
0x6c: {  	_ =	shalt  }
0x6d: {  	_ =	shalt  }
0x6e: {  	_ =	shalt  }
0x6f: {  	_ =	shalt  }
0x70: {  	_ =	shalt  }
0x71: {  	_ =	shalt  }
0x72: {  	_ =	shalt  }
0x73: {  	_ =	shalt  }
0x74: {  	_ =	shalt  }
0x75: {  	_ =	shalt  }
0x76: {  	_ =	shalt  }
0x77: {  	_ =	shalt  }
0x78: {  	_ =	shalt  }
0x79: {  	_ =	shalt  }
0x7a: {  	_ =	shalt  }
0x7b: {  	_ =	shalt  }
0x7c: {  	_ =	shalt  }
0x7d: {  	_ =	shalt  }
0x7e: {  	_ =	shalt  }
0x7f: {  	_ =	shalt  }
0x80: {  	_ =	shalt  }
0x81: {  	_ =	shalt  }
0x82: {  	_ =	shalt  }
0x83: {  	_ =	shalt  }
0x84: {  	_ =	shalt  }
0x85: {  	_ =	shalt  }
0x86: {  	_ =	shalt  }
0x87: {  	_ =	shalt  }
.Lfunc_end0:
.L_simem_size_0:
called_computation.1_lowered:
.L_overlay_start_0:
0x88: {  	s2 =	sld [smem:$0x3FD9]  }
0x89: {  	s3 =	sld [smem:$0x3FFE];
	_ =	sdelay $0x1  }
0x8a: {  	s1 =	srdreg.scid  }
0x8b: {  	s0 =	sand.u32 $0x1, s1  }
0x8c: {  	s14 =	sshll.u32 s0, $0xA;
	s2 =	sadd.s32 s3, s2  }
0x8d: {  	s2 =	sadd.s32 s2, s14  }
0x8e: {  	[smem:$0x3FBB] =	sst s2  }
0x8f: {  	_ = 	snop  }
0x90: {  	s2 =	sld [smem:$0x3FD0];
	_ =	sdelay $0x2  }
0x91: {  	s15 =	simm.s32 $0xA;
	s4 =	simm.s32 $0x10  }
0x92: {  	[smem:s4], [sflag:s15] =	dma.local [hbm:s2], $0x1  }
0x93: {  	_ =	swait.eq [sflag:s15], $0x1  }
0x94: {  	[sflag:s15] =	ssyncset.done $0x0  }
0x95: {  	s16 =	sld [smem:$0x10];
	[sflag:s15] =	ssyncadd.s32 $0xFFFFFFFF  }
0x96: {  	s17 =	sld [smem:$0x11];
	(tm) =	ssettm $0x1  }
0x97: {  	s18 =	sld [smem:$0x3FFB];
	_ =	sdelay $0x3  }
0x98: {  	_ =	strace s18  }
0x99: {  	s4 =	sld [smem:$0x3FFC];
	_ =	sdelay $0x3  }
0x9a: {  	_ =	strace s4  }
0x9b: {  	s4 =	sld [smem:$0x3FFD];
	_ =	sdelay $0x3  }
0x9c: {  	_ =	strace s4  }
0x9d: {  	_ =	strace $0x8FFFFFFF  }
0x9e: {  	s19 =	sld [smem:$0x3FDB];
	_ =	sdelay $0x1  }
0x9f: {  	s5 =	simm.s32 $_scs_section_size  }
0xa0: {  	s6 =	simm.s32 $_size__tile_overlayer_lowered;
	s7 =	simm.s32 $_tile_overlayer_lowered  }
0xa1: {  	s22 =	simm.s32 $0x1BFF;
	s21 =	sshll.u32 s7, $0x1;
	s4 =	sadd.s32 s5, s19  }
0xa2: {  	s8 =	simm.s32 $0x0;
	s20 =	sshll.u32 s6, $0x1;
	s6 =	sadd.s32 s21, s4  }
0xa3: {  	[timem:s8], [sflag:s22] =	dma.local [hbm:s6], s20  }
0xa4: {  	_ =	swait.ge [sflag:s22], s20  }
0xa5: {  	s5 =	ssub.s32 $0x0, s20;
	[sflag:s22] =	ssyncset.done $0x0  }
0xa6: {  	[sflag:s22] =	ssyncadd.s32 s5;
	_ =	sdelay $0x1  }
0xa7: {  	s23 =	simm.s32 $0x1B8B  }
0xa8: {  	_ =	swait.ge [sflag:s23], $0x1  }
0xa9: {  	[sflag:s23] =	ssyncset.done $0x0  }
0xaa: {  	s25 =	simm.s32 $0x1B8E;
	s24 =	sld [smem:$0x3FFE];
	[sflag:s23] =	ssyncadd.s32 $0xFFFFFFFF  }
0xab: {  	s26 =	simm.s32 $execute0_lowered;
	[smem:$0x3FD2] =	sst s25  }
0xac: {  	s6 =	sshll.u32 s26, $0x1;
	_ =	strace $0x80000049;
	[dreg:$0x1] =	wrdreg $0xFFFFFFFF  }
0xad: {  	s28 =	simm.s32 $_size_execute0_lowered;
	s4 =	sadd.s32 s4, s6;
	[dreg:$0x0] =	wrdreg $0x0  }
0xae: {  	s6 =	sshll.u32 s28, $0x1;
	[dreg:$0x2] =	wrdreg s4  }
0xaf: {  	[dreg:$0x3] =	wrdreg s6  }
0xb0: {  	[dreg:$0x4] =	wrdreg $0xC0  }
0xb1: {  	_ =	task [dreg:s8], $0x5FFFF  }
0xb2: {  	[dreg:$0x1] =	wrdreg $0xFFFFFFFF  }
0xb3: {  	[dreg:$0x0] =	wrdreg $0x60  }
0xb4: {  	[dreg:$0x2] =	wrdreg s16  }
0xb5: {  	[dreg:$0x3] =	wrdreg s24  }
0xb6: {  	[dreg:$0x4] =	wrdreg s17  }
0xb7: {  	[dreg:$0x5] =	wrdreg $0x9  }
0xb8: {  	_ =	task.clear_ibuf [dreg:s8], $0x6FFFF;
	_ =	strace $0x90000049  }
0xb9: {  	s29 =	simm.s32 $0x9;
	_ =	strace $0x8000004B  }
0xba: {  	_ =	swait.ge [sflag:s29], $0x1  }
0xbb: {  	[sflag:s29] =	ssyncadd.s32 $0xFFFFFFFF  }
0xbc: {  	_ =	strace $0x9000004B  }
0xbd: {  	_ =	sfence  }
0xbe: {  	s30 =	sld [smem:$0x0];
	_ =	sdelay $0x2  }
0xbf: {  	s31 =	sshll.u32 s1, $0xD;
	s1 =	sshrl.u32 s1, $0x2  }
0xc0: {  	s3 =	sand.u32 $0x4000, s31;
	s1 =	sadd.s32 s1, s30  }
0xc1: {  	s0 =	sor.u32 s3, s0;
	s1 =	sshll.u32 s1, $0x11  }
0xc2: {  	s0 =	sor.u32 s1, s0  }
0xc3: {  	s0 =	sadd.s32 $0x8F2B, s0  }
0xc4: {  	[sflag:s0] =	ssyncadd.remote.s32 $0x1  }
0xc5: {  	_ =	sfence.sel $0xFFFF  }
0xc6: {  	[dreg:$0x0] =	wrdreg $0xFFFFFFFF;
	(pc) =	sbr.abs _section_cstart, $3  }
0xc7: {  	[dreg:$0x1] =	wrdreg $0xFFFFFFFF  }
0xc8: {  	_ =	task.clear_ibuf [dreg:s8], $0x2FFFF;
	_ =	strace $0x9FFFFFFF  }
0xc9: {  	(tm) =	ssettm $0x7FFFFFFF  }
tec
execute0_lowered:
.L_overlay_start_1:
0x0: {  	(tag) =	ssettag $0x1  }
0x1: {  	v0 =	vimm.s32 $0x0;
	v1 =	vlaneseq.u32  }
0x2: {  	v3 =	vimm.s32 $0xFEDCBA9;
	v6 =	vimm.s32 $0x10FEDCBA;
	v10 =	vimm.s32 $0xA9876543  }
0x3: {  	vm0 =	vmmov $0xffff;
	v17 =	vimm.s32 $0x3210FEDC;
	v18 =	vimm.s32 $0xBA987654  }
0x4: {  	v19 =	vimm.s32 $0x43210FED;
	v20 =	vimm.s32 $0xCBA98765;
	v21 =	vimm.s32 $0x543210FE  }
0x5: {  	v22 =	vimm.s32 $0xDCBA9876;
	v23 =	vimm.s32 $0x6543210F;
	v24 =	vimm.s32 $0xEDCBA987  }
0x6: {  	v25 =	vimm.s32 $0xFEDCBA98;
	v26 =	vimm.s32 $0x76543210;
	v2 =	vmul.u32 $0x200, v1  }
0x7: {  	v4 =	vshrl.u32 v1, $0x3;
	v5 =	vunpack.c.l.s4.s8 v3;
	v3 =	vimm.s32 $0x87654321  }
0x8: {  	v8 =	vunpack.c.l.s4.s8 v6;
	v6 =	vimm.s32 $0x98765432;
	v12 =	vunpack.c.l.s4.s8 v10  }
0x9: {  	v10 =	vmul.u32 $0x100, v1;
	v17 =	vunpack.c.l.s4.s8 v17;
	v18 =	vunpack.c.l.s4.s8 v18  }
0xa: {  	v19 =	vunpack.c.l.s4.s8 v19;
	v20 =	vunpack.c.l.s4.s8 v20;
	v21 =	vunpack.c.l.s4.s8 v21  }
0xb: {  	v22 =	vunpack.c.l.s4.s8 v22;
	v23 =	vunpack.c.l.s4.s8 v23;
	v24 =	vunpack.c.l.s4.s8 v24  }
0xc: {  	v25 =	vunpack.c.l.s4.s8 v25;
	v26 =	vunpack.c.l.s4.s8 v26;
	v7 =	vunpack.c.l.s4.s8 v3  }
0xd: {  	s0 =	rddreg [dreg:$0x1];
	v3 =	vand.u32 $0x7, v1;
	v4 =	vmul.u32 $0x8, v4;
	v9 =	vunpack.c.l.s4.s8 v6  }
0xe: {  	s2 =	rddreg [dreg:$0x2];
	s3 =	simm.s32 $0x0;
	s1 =	srdreg.scid;
	v5 =	vunpack.c.0.s8.s32 v5;
	v12 =	vunpack.c.0.s8.s32 v12;
	v13 =	vmul.u32 $0x80, v3  }
0xf: {  	s4 =	stileid.u32;
	s10 =	simm.s32 $0x9D00;
	s12 =	simm.s32 $0x980;
	v17 =	vunpack.c.0.s8.s32 v17;
	v18 =	vunpack.c.0.s8.s32 v18;
	v19 =	vunpack.c.0.s8.s32 v19  }
0x10: {  	s13 =	simm.s32 $0x1;
	s14 =	simm.s32 $0x1300;
	s15 =	simm.s32 $0x2;
	v20 =	vunpack.c.0.s8.s32 v20;
	v21 =	vunpack.c.0.s8.s32 v21;
	v22 =	vunpack.c.0.s8.s32 v22  }
0x11: {  	s16 =	simm.s32 $0x5D00;
	s17 =	simm.s32 $0x6500;
	s18 =	simm.s32 $0x6D00;
	v23 =	vunpack.c.0.s8.s32 v23;
	v24 =	vunpack.c.0.s8.s32 v24;
	v6 =	vunpack.c.0.s8.s32 v7  }
0x12: {  	s19 =	simm.s32 $0x7500;
	s20 =	simm.s32 $0x7D00;
	s21 =	simm.s32 $0x8500;
	v7 =	vunpack.c.0.s8.s32 v8;
	v8 =	vunpack.c.0.s8.s32 v9;
	v9 =	vimm.s32 $0x210FEDCB  }
0x13: {  	s22 =	simm.s32 $0x8D00;
	s23 =	simm.s32 $0x9500;
	[smem:$0x7FF] =	sst s3;
	v29 =	vunpack.c.0.s8.s32 v25;
	v32 =	vunpack.c.0.s8.s32 v26;
	v11 =	vunpack.c.l.s4.s8 v9  }
0x14: {  	s1 =	sand.u32 $0x1, s1;
	s28 =	sadd.s32 $0xDF2200, s0;
	_ =	strace $0x8000004A;
	v9 =	vor.u32 $0x8, v1;
	v27 =	vcombine.low v18, v17;
	v28 =	vcombine.low v20, v19  }
.Ltmp0:
0x15: {  	[dreg:$0x4] =	wrdreg s1;
	s1 =	ssub.s32 $0x2, s1;
	v30 =	vcombine.low v22, v21;
	v31 =	vcombine.low v24, v23;
	v11 =	vunpack.c.0.s8.s32 v11;
	(pc) =	sbr.rel .LBB2_1-.Ltmp0, $4  }
0x16: {  	s0 =	sadd.s32 $0x2800, s0;
	[dreg:$0x5] =	wrdreg s28;
	s29 =	sshrl.u32 s1, $0x1;
	v29 =	vand.u32 $0xF, v29;
	v14 =	vcombine.low v6, v5;
	v15 =	vcombine.low v8, v7  }
0x17: {  	s31 =	sshll.u32 s4, $0x1;
	[dreg:$0x6] =	wrdreg s0;
	s30 =	ssub.s32 s1, s29;
	v29 =	vcombine.low v29, v32;
	v25 =	vand.u32 $0xF, v27;
	v16 =	vcombine.low v12, v11  }
0x18: {  	s24 =	simm.s32 $0x3;
	[dreg:$0x7] =	wrdreg s31;
	s0 =	smax.u32 s30, $0x1;
	v26 =	vand.u32 $0xF, v28;
	v27 =	vand.u32 $0xF, v30;
	v28 =	vand.u32 $0xF, v31  }
0x19: {  	s3 =	simm.s32 $0x4;
	s1 =	simm.s32 $0x0;
	[dreg:$0x8] =	wrdreg s0;
	v14 =	vand.u32 $0xF, v14;
	v15 =	vand.u32 $0xF, v15;
	v16 =	vand.u32 $0xF, v16  }
.LBB2_29:
0x1a: {  	s1 =	rddreg [dreg:$0x9]  }
0x1b: {  	s0 =	rddreg [dreg:$0x8];
	s1 =	sadd.s32 $0x1, s1  }
0x1c: {  	p0 =	sne.s32 s1, s0  }
.Ltmp1:
0x1d: {  	_ = 	snop;
	(pc) =	sbr.rel @!p0 .LBB2_30-.Ltmp1, $1  }
0x1e: {  	_ =	sdelay $0x3  }
.LBB2_1:
0x1f: {  	[dreg:$0x9] =	wrdreg s1;
	s0 =	simm.s32 $0x40;
	s1 =	simm.s32 $0x0  }
.LBB2_2:
0x20: {  	p0 =	sne.s32 s0, $0x125C0;
	[tilespmem:s1+$0x1300] =	vst v0;
	s1 =	smov.u32 s0;
	s0 =	sadd.s32 $0x40, s0  }
.Ltmp2:
0x21: {  	(pc) =	sbr.rel @p0 .LBB2_2-.Ltmp2, $2  }
0x22: {  	_ =	sdelay $0x2  }
0x23: {  	s1 =	sshra.s32 s1, $0x2  }
.Ltmp3:
0x24: {  	(pc) =	sbr.rel .LBB2_4-.Ltmp3, $2  }
0x25: {  	_ =	sdelay $0x2  }
0x26: {  	[tilespmem:s1+$0x1300] =	vst v0;
	s0 =	simm.s32 $0x0  }
.LBB2_28:
0x27: {  	s0 =	rddreg [dreg:$0xb]  }
0x28: {  	s0 =	smul.u32 $0x2600, s0  }
0x29: {  	s1 =	rddreg [dreg:$0x6]  }
0x2a: {  	s30 =	simm.s32 $0x0;
	s3 =	simm.s32 $0x4;
	s0 =	sadd.s32 s1, s0  }
0x2b: {  	[hbm4b:s0+s30] =	stream.linear.scatter [tilespmem:s10], [sflag:$0x4], $0x13000, $0x38;
	[tilespmem:$0x1D500] =	vst v63  }
0x2c: {  	_ =	swait.ge [sflag:s3], $0x13000  }
0x2d: {  	s31 =	rddreg [dreg:$0xa]  }
0x2e: {  	s0 =	sadd.s32 $0x1, s31  }
0x2f: {  	p0 =	sne.s32 s0, $0x3  }
.Ltmp4:
0x30: {  	_ = 	snop;
	(pc) =	sbr.rel @!p0 .LBB2_29-.Ltmp4, $3  }
0x31: {  	_ =	sdelay $0x1  }
0x32: {  	[sflag:s3] =	ssyncset.done $0x0  }
0x33: {  	[sflag:s3] =	ssyncadd.s32 $0xFFFED000  }
.LBB2_4:
0x34: {  	[dreg:$0xa] =	wrdreg s0  }
0x35: {  	s1 =	rddreg [dreg:$0x7]  }
0x36: {  	s11 =	rddreg [dreg:$0x4]  }
0x37: {  	s9 =	sshll.u32 s0, $0x5;
	s25 =	rddreg [dreg:$0x0];
	s26 =	simm.s32 $0x0  }
0x38: {  	s30 =	simm.s32 $0x930;
	s31 =	simm.s32 $0x1260;
	s0 =	sor.u32 s9, s1  }
0x39: {  	[tilespmem:s10], [sflag:$0x4] =	stream.linear.gather [hbm4b:s25+s26], $0x13000, $0x38;
	[tilespmem:$0x1D500] =	vst v63  }
.Ltmp5:
0x3a: {  	s6 =	simm.s32 $0x24C0;
	s4 =	sor.u32 s11, s0;
	(pc) =	sbr.rel .LBB2_5-.Ltmp5, $4  }
0x3b: {  	s1 =	simm.s32 $0x1B90;
	[dreg:$0xb] =	wrdreg s4;
	s28 =	smul.u32 $0x130, s4  }
0x3c: {  	s9 =	simm.s32 $0x2DF0;
	s25 =	simm.s32 $0x3720;
	_ =	swait.ge [sflag:s3], $0x13000  }
0x3d: {  	s26 =	simm.s32 $0x0;
	[sflag:s3] =	ssyncset.done $0x0;
	s29 =	sadd.s32 $0x130, s28  }
0x3e: {  	s0 =	simm.s32 $0x4050;
	v30 =	vmov s28;
	[sflag:s3] =	ssyncadd.s32 $0xFFFED000;
	v31 =	vmov s29;
	s3 =	simm.s32 $0x0  }
.LBB2_27:
0x3f: {  	s26 =	sadd.s32 $0x1, s26  }
0x40: {  	p0 =	sne.s32 s26, $0x10  }
.Ltmp6:
0x41: {  	_ = 	snop;
	(pc) =	sbr.rel @!p0 .LBB2_28-.Ltmp6, $4  }
0x42: {  	_ = 	snop  }
0x43: {  	s3 =	sadd.s32 $0x4980, s3;
	s30 =	sadd.s32 $0x4980, s30  }
0x44: {  	s31 =	sadd.s32 $0x4980, s31;
	s1 =	sadd.s32 $0x4980, s1;
	s6 =	sadd.s32 $0x4980, s6  }
0x45: {  	s9 =	sadd.s32 $0x4980, s9;
	s25 =	sadd.s32 $0x4980, s25;
	s0 =	sadd.s32 $0x4980, s0  }
.LBB2_5:
0x46: {  	s4 =	smul.u32 $0x4980, s26;
	_ =	sdelay $0x1  }
0x47: {  	s5 =	rddreg [dreg:$0x5];
	s4 =	sshrl.u32 s4, $0x3  }
0x48: {  	s28 =	simm.s32 $0x0;
	s4 =	sadd.s32 s5, s4  }
0x49: {  	[tilespmem:s28], [sflag:$0x1] =	stream.linear.gather [hbm4b:s4+s28], $0x930, $0x38;
	[tilespmem:$0x1D500] =	vst v63  }
0x4a: {  	s7 =	sadd.s32 $0x126, s4  }
0x4b: {  	[tilespmem:s12], [sflag:$0x2] =	stream.linear.gather [hbm4b:s7+s28], $0x930, $0x38;
	[tilespmem:$0x1D500] =	vst v63  }
0x4c: {  	_ =	swait.ge [sflag:s13], $0x930  }
0x4d: {  	[sflag:s13] =	ssyncset.done $0x0  }
0x4e: {  	s29 =	simm.s32 $0x0;
	[sflag:s13] =	ssyncadd.s32 $0xFFFFF6D0  }
0x4f: {  	v32 =	vld [tilespmem:s29+$0x0];
	_ =	sdelay $0x4  }
0x50: {  	v33 =	vimm.s32 $0x0;
	vm1 =	vge.s32 v32, v30;
	vm2 =	vlt.s32 v32, v31  }
0x51: {  	v34 =	vshll.u32 v33, $0x4;
	vm1 =	vmand vm1, vm2  }
0x52: {  	v35 =	vmov s3;
	v34 =	vor.u32 v1, v34  }
0x53: {  	v35 =	vshll.u32 v35, $0x9  }
0x54: {  	v35 =	vor.u32 v2, v35  }
0x55: {  	v35 =	vsub.s32 v35, v30  }
0x56: {  	v35 =	vadd.s32 v32, v35;
	v63 =	vsel vm1, $0x1, v0  }
0x57: {  	s8 =	simm.s32 $0x10;
	s5 =	smov.u32 s3;
	s7 =	simm.s32 $0x80;
	v32 =	vadd.s32 v63, v33;
	[tilespmem:v34+s14+$0x0] =	vst.idx.msk vm1, v35  }
.LBB2_6:
0x58: {  	p0 =	sne.s32 s7, $0x2480;
	v33 =	vld [tilespmem:s8+$0x0];
	s5 =	sadd.s32 $0x10, s5  }
0x59: {  	v34 =	vmov s5  }
0x5a: {  	v34 =	vshll.u32 v34, $0x9  }
0x5b: {  	v34 =	vor.u32 v2, v34  }
0x5c: {  	v34 =	vsub.s32 v34, v30  }
0x5d: {  	vm1 =	vge.s32 v33, v30;
	vm2 =	vlt.s32 v33, v31;
	v33 =	vadd.s32 v33, v34  }
0x5e: {  	v34 =	vshll.u32 v32, $0x4;
	vm1 =	vmand vm1, vm2  }
0x5f: {  	v34 =	vor.u32 v1, v34;
	v35 =	vsel vm1, $0x1, v0  }
.Ltmp7:
0x60: {  	v32 =	vadd.s32 v35, v32;
	(pc) =	sbr.rel @p0 .LBB2_6-.Ltmp7, $2  }
0x61: {  	_ =	sdelay $0x2  }
0x62: {  	s8 =	sshra.s32 s7, $0x2;
	s7 =	sadd.s32 $0x40, s7;
	[tilespmem:v34+s14+$0x0] =	vst.idx.msk vm1, v33  }
0x63: {  	v33 =	vld [tilespmem:s8+$0x0];
	_ =	sdelay $0x4  }
0x64: {  	vm1 =	vge.s32 v33, v30;
	vm2 =	vlt.s32 v33, v31  }
0x65: {  	s5 =	sadd.s32 $0x10, s5;
	v34 =	vshll.u32 v32, $0x4;
	vm1 =	vmand vm1, vm2  }
0x66: {  	v35 =	vmov s5;
	v34 =	vor.u32 v1, v34  }
0x67: {  	v35 =	vshll.u32 v35, $0x9  }
0x68: {  	v35 =	vor.u32 v2, v35  }
0x69: {  	v35 =	vsub.s32 v35, v30  }
0x6a: {  	v33 =	vadd.s32 v33, v35  }
0x6b: {  	s28 =	sadd.s32 $0x24C, s4;
	s7 =	simm.s32 $0x0;
	[tilespmem:v34+s14+$0x0] =	vst.idx.msk vm1, v33  }
0x6c: {  	[tilespmem:s7], [sflag:$0x1] =	stream.linear.gather [hbm4b:s28+s7], $0x930, $0x38;
	[tilespmem:$0x1D500] =	vst v63  }
0x6d: {  	_ =	swait.ge [sflag:s15], $0x930  }
0x6e: {  	[sflag:s15] =	ssyncset.done $0x0  }
0x6f: {  	s29 =	simm.s32 $0x0;
	[sflag:s15] =	ssyncadd.s32 $0xFFFFF6D0  }
0x70: {  	v59 =	vld [tilespmem:s29+$0x980];
	_ =	sdelay $0x3  }
0x71: {  	v60 =	vsel vm1, $0x1, v0  }
0x72: {  	v61 =	vadd.s32 v60, v32;
	vm1 =	vge.s32 v59, v30;
	vm2 =	vlt.s32 v59, v31  }
0x73: {  	v34 =	vshll.u32 v61, $0x4;
	vm1 =	vmand vm1, vm2  }
0x74: {  	v62 =	vmov s30;
	v34 =	vor.u32 v1, v34  }
0x75: {  	v35 =	vshll.u32 v62, $0x9  }
0x76: {  	v35 =	vor.u32 v2, v35  }
0x77: {  	v35 =	vsub.s32 v35, v30  }
0x78: {  	v33 =	vadd.s32 v59, v35;
	v63 =	vsel vm1, $0x1, v0  }
0x79: {  	s8 =	simm.s32 $0x10;
	s5 =	smov.u32 s30;
	s7 =	simm.s32 $0x80;
	v32 =	vadd.s32 v63, v61;
	[tilespmem:v34+s14+$0x0] =	vst.idx.msk vm1, v33  }
.LBB2_8:
0x7a: {  	p0 =	sne.s32 s7, $0x2480;
	v33 =	vld [tilespmem:s8+$0x980];
	s5 =	sadd.s32 $0x10, s5  }
0x7b: {  	v34 =	vmov s5  }
0x7c: {  	v34 =	vshll.u32 v34, $0x9  }
0x7d: {  	v34 =	vor.u32 v2, v34  }
0x7e: {  	v34 =	vsub.s32 v34, v30  }
0x7f: {  	vm1 =	vge.s32 v33, v30;
	vm2 =	vlt.s32 v33, v31;
	v33 =	vadd.s32 v33, v34  }
0x80: {  	v34 =	vshll.u32 v32, $0x4;
	vm1 =	vmand vm1, vm2  }
0x81: {  	v34 =	vor.u32 v1, v34;
	v35 =	vsel vm1, $0x1, v0  }
.Ltmp8:
0x82: {  	v32 =	vadd.s32 v35, v32;
	(pc) =	sbr.rel @p0 .LBB2_8-.Ltmp8, $2  }
0x83: {  	_ =	sdelay $0x2  }
0x84: {  	s8 =	sshra.s32 s7, $0x2;
	s7 =	sadd.s32 $0x40, s7;
	[tilespmem:v34+s14+$0x0] =	vst.idx.msk vm1, v33  }
0x85: {  	v33 =	vld [tilespmem:s8+$0x980];
	_ =	sdelay $0x4  }
0x86: {  	vm1 =	vge.s32 v33, v30;
	vm2 =	vlt.s32 v33, v31  }
0x87: {  	s5 =	sadd.s32 $0x10, s5;
	v34 =	vshll.u32 v32, $0x4;
	vm1 =	vmand vm1, vm2  }
0x88: {  	v35 =	vmov s5;
	v34 =	vor.u32 v1, v34  }
0x89: {  	v35 =	vshll.u32 v35, $0x9  }
0x8a: {  	v35 =	vor.u32 v2, v35  }
0x8b: {  	v35 =	vsub.s32 v35, v30  }
0x8c: {  	v33 =	vadd.s32 v33, v35  }
0x8d: {  	s28 =	sadd.s32 $0x372, s4;
	s7 =	simm.s32 $0x0;
	[tilespmem:v34+s14+$0x0] =	vst.idx.msk vm1, v33  }
0x8e: {  	[tilespmem:s12], [sflag:$0x2] =	stream.linear.gather [hbm4b:s28+s7], $0x930, $0x38;
	[tilespmem:$0x1D500] =	vst v63  }
0x8f: {  	_ =	swait.ge [sflag:s13], $0x930  }
0x90: {  	[sflag:s13] =	ssyncset.done $0x0  }
0x91: {  	s29 =	simm.s32 $0x0;
	[sflag:s13] =	ssyncadd.s32 $0xFFFFF6D0  }
0x92: {  	v59 =	vld [tilespmem:s29+$0x0];
	_ =	sdelay $0x3  }
0x93: {  	v60 =	vsel vm1, $0x1, v0  }
0x94: {  	v61 =	vadd.s32 v60, v32;
	vm1 =	vge.s32 v59, v30;
	vm2 =	vlt.s32 v59, v31  }
0x95: {  	v34 =	vshll.u32 v61, $0x4;
	vm1 =	vmand vm1, vm2  }
0x96: {  	v62 =	vmov s31;
	v34 =	vor.u32 v1, v34  }
0x97: {  	v35 =	vshll.u32 v62, $0x9  }
0x98: {  	v35 =	vor.u32 v2, v35  }
0x99: {  	v35 =	vsub.s32 v35, v30  }
0x9a: {  	v33 =	vadd.s32 v59, v35;
	v63 =	vsel vm1, $0x1, v0  }
0x9b: {  	s8 =	simm.s32 $0x10;
	s5 =	smov.u32 s31;
	s7 =	simm.s32 $0x80;
	v32 =	vadd.s32 v63, v61;
	[tilespmem:v34+s14+$0x0] =	vst.idx.msk vm1, v33  }
.LBB2_10:
0x9c: {  	p0 =	sne.s32 s7, $0x2480;
	v33 =	vld [tilespmem:s8+$0x0];
	s5 =	sadd.s32 $0x10, s5  }
0x9d: {  	v34 =	vmov s5  }
0x9e: {  	v34 =	vshll.u32 v34, $0x9  }
0x9f: {  	v34 =	vor.u32 v2, v34  }
0xa0: {  	v34 =	vsub.s32 v34, v30  }
0xa1: {  	vm1 =	vge.s32 v33, v30;
	vm2 =	vlt.s32 v33, v31;
	v33 =	vadd.s32 v33, v34  }
0xa2: {  	v34 =	vshll.u32 v32, $0x4;
	vm1 =	vmand vm1, vm2  }
0xa3: {  	v34 =	vor.u32 v1, v34;
	v35 =	vsel vm1, $0x1, v0  }
.Ltmp9:
0xa4: {  	v32 =	vadd.s32 v35, v32;
	(pc) =	sbr.rel @p0 .LBB2_10-.Ltmp9, $2  }
0xa5: {  	_ =	sdelay $0x2  }
0xa6: {  	s8 =	sshra.s32 s7, $0x2;
	s7 =	sadd.s32 $0x40, s7;
	[tilespmem:v34+s14+$0x0] =	vst.idx.msk vm1, v33  }
0xa7: {  	v33 =	vld [tilespmem:s8+$0x0];
	_ =	sdelay $0x4  }
0xa8: {  	vm1 =	vge.s32 v33, v30;
	vm2 =	vlt.s32 v33, v31  }
0xa9: {  	s5 =	sadd.s32 $0x10, s5;
	v34 =	vshll.u32 v32, $0x4;
	vm1 =	vmand vm1, vm2  }
0xaa: {  	v35 =	vmov s5;
	v34 =	vor.u32 v1, v34  }
0xab: {  	v35 =	vshll.u32 v35, $0x9  }
0xac: {  	v35 =	vor.u32 v2, v35  }
0xad: {  	v35 =	vsub.s32 v35, v30  }
0xae: {  	v33 =	vadd.s32 v33, v35  }
0xaf: {  	s28 =	sadd.s32 $0x498, s4;
	s7 =	simm.s32 $0x0;
	[tilespmem:v34+s14+$0x0] =	vst.idx.msk vm1, v33  }
0xb0: {  	[tilespmem:s7], [sflag:$0x1] =	stream.linear.gather [hbm4b:s28+s7], $0x930, $0x38;
	[tilespmem:$0x1D500] =	vst v63  }
0xb1: {  	_ =	swait.ge [sflag:s15], $0x930  }
0xb2: {  	[sflag:s15] =	ssyncset.done $0x0  }
0xb3: {  	s29 =	simm.s32 $0x0;
	[sflag:s15] =	ssyncadd.s32 $0xFFFFF6D0  }
0xb4: {  	v59 =	vld [tilespmem:s29+$0x980];
	_ =	sdelay $0x3  }
0xb5: {  	v60 =	vsel vm1, $0x1, v0  }
0xb6: {  	v61 =	vadd.s32 v60, v32;
	vm1 =	vge.s32 v59, v30;
	vm2 =	vlt.s32 v59, v31  }
0xb7: {  	v34 =	vshll.u32 v61, $0x4;
	vm1 =	vmand vm1, vm2  }
0xb8: {  	v62 =	vmov s1;
	v34 =	vor.u32 v1, v34  }
0xb9: {  	v35 =	vshll.u32 v62, $0x9  }
0xba: {  	v35 =	vor.u32 v2, v35  }
0xbb: {  	v35 =	vsub.s32 v35, v30  }
0xbc: {  	v33 =	vadd.s32 v59, v35;
	v63 =	vsel vm1, $0x1, v0  }
0xbd: {  	s8 =	simm.s32 $0x10;
	s5 =	smov.u32 s1;
	s7 =	simm.s32 $0x80;
	v32 =	vadd.s32 v63, v61;
	[tilespmem:v34+s14+$0x0] =	vst.idx.msk vm1, v33  }
.LBB2_12:
0xbe: {  	p0 =	sne.s32 s7, $0x2480;
	v33 =	vld [tilespmem:s8+$0x980];
	s5 =	sadd.s32 $0x10, s5  }
0xbf: {  	v34 =	vmov s5  }
0xc0: {  	v34 =	vshll.u32 v34, $0x9  }
0xc1: {  	v34 =	vor.u32 v2, v34  }
0xc2: {  	v34 =	vsub.s32 v34, v30  }
0xc3: {  	vm1 =	vge.s32 v33, v30;
	vm2 =	vlt.s32 v33, v31;
	v33 =	vadd.s32 v33, v34  }
0xc4: {  	v34 =	vshll.u32 v32, $0x4;
	vm1 =	vmand vm1, vm2  }
0xc5: {  	v34 =	vor.u32 v1, v34;
	v35 =	vsel vm1, $0x1, v0  }
.Ltmp10:
0xc6: {  	v32 =	vadd.s32 v35, v32;
	(pc) =	sbr.rel @p0 .LBB2_12-.Ltmp10, $2  }
0xc7: {  	_ =	sdelay $0x2  }
0xc8: {  	s8 =	sshra.s32 s7, $0x2;
	s7 =	sadd.s32 $0x40, s7;
	[tilespmem:v34+s14+$0x0] =	vst.idx.msk vm1, v33  }
0xc9: {  	v33 =	vld [tilespmem:s8+$0x980];
	_ =	sdelay $0x4  }
0xca: {  	vm1 =	vge.s32 v33, v30;
	vm2 =	vlt.s32 v33, v31  }
0xcb: {  	s5 =	sadd.s32 $0x10, s5;
	v34 =	vshll.u32 v32, $0x4;
	vm1 =	vmand vm1, vm2  }
0xcc: {  	v35 =	vmov s5;
	v34 =	vor.u32 v1, v34  }
0xcd: {  	v35 =	vshll.u32 v35, $0x9  }
0xce: {  	v35 =	vor.u32 v2, v35  }
0xcf: {  	v35 =	vsub.s32 v35, v30  }
0xd0: {  	v33 =	vadd.s32 v33, v35  }
0xd1: {  	s28 =	sadd.s32 $0x5BE, s4;
	s7 =	simm.s32 $0x0;
	[tilespmem:v34+s14+$0x0] =	vst.idx.msk vm1, v33  }
0xd2: {  	[tilespmem:s12], [sflag:$0x2] =	stream.linear.gather [hbm4b:s28+s7], $0x930, $0x38;
	[tilespmem:$0x1D500] =	vst v63  }
0xd3: {  	_ =	swait.ge [sflag:s13], $0x930  }
0xd4: {  	[sflag:s13] =	ssyncset.done $0x0  }
0xd5: {  	s29 =	simm.s32 $0x0;
	[sflag:s13] =	ssyncadd.s32 $0xFFFFF6D0  }
0xd6: {  	v59 =	vld [tilespmem:s29+$0x0];
	_ =	sdelay $0x3  }
0xd7: {  	v60 =	vsel vm1, $0x1, v0  }
0xd8: {  	v61 =	vadd.s32 v60, v32;
	vm1 =	vge.s32 v59, v30;
	vm2 =	vlt.s32 v59, v31  }
0xd9: {  	v34 =	vshll.u32 v61, $0x4;
	vm1 =	vmand vm1, vm2  }
0xda: {  	v62 =	vmov s6;
	v34 =	vor.u32 v1, v34  }
0xdb: {  	v35 =	vshll.u32 v62, $0x9  }
0xdc: {  	v35 =	vor.u32 v2, v35  }
0xdd: {  	v35 =	vsub.s32 v35, v30  }
0xde: {  	v33 =	vadd.s32 v59, v35;
	v63 =	vsel vm1, $0x1, v0  }
0xdf: {  	s8 =	simm.s32 $0x10;
	s5 =	smov.u32 s6;
	s7 =	simm.s32 $0x80;
	v32 =	vadd.s32 v63, v61;
	[tilespmem:v34+s14+$0x0] =	vst.idx.msk vm1, v33  }
.LBB2_14:
0xe0: {  	p0 =	sne.s32 s7, $0x2480;
	v33 =	vld [tilespmem:s8+$0x0];
	s5 =	sadd.s32 $0x10, s5  }
0xe1: {  	v34 =	vmov s5  }
0xe2: {  	v34 =	vshll.u32 v34, $0x9  }
0xe3: {  	v34 =	vor.u32 v2, v34  }
0xe4: {  	v34 =	vsub.s32 v34, v30  }
0xe5: {  	vm1 =	vge.s32 v33, v30;
	vm2 =	vlt.s32 v33, v31;
	v33 =	vadd.s32 v33, v34  }
0xe6: {  	v34 =	vshll.u32 v32, $0x4;
	vm1 =	vmand vm1, vm2  }
0xe7: {  	v34 =	vor.u32 v1, v34;
	v35 =	vsel vm1, $0x1, v0  }
.Ltmp11:
0xe8: {  	v32 =	vadd.s32 v35, v32;
	(pc) =	sbr.rel @p0 .LBB2_14-.Ltmp11, $2  }
0xe9: {  	_ =	sdelay $0x2  }
0xea: {  	s8 =	sshra.s32 s7, $0x2;
	s7 =	sadd.s32 $0x40, s7;
	[tilespmem:v34+s14+$0x0] =	vst.idx.msk vm1, v33  }
0xeb: {  	v33 =	vld [tilespmem:s8+$0x0];
	_ =	sdelay $0x4  }
0xec: {  	vm1 =	vge.s32 v33, v30;
	vm2 =	vlt.s32 v33, v31  }
0xed: {  	s5 =	sadd.s32 $0x10, s5;
	v34 =	vshll.u32 v32, $0x4;
	vm1 =	vmand vm1, vm2  }
0xee: {  	v35 =	vmov s5;
	v34 =	vor.u32 v1, v34  }
0xef: {  	v35 =	vshll.u32 v35, $0x9  }
0xf0: {  	v35 =	vor.u32 v2, v35  }
0xf1: {  	v35 =	vsub.s32 v35, v30  }
0xf2: {  	v33 =	vadd.s32 v33, v35  }
0xf3: {  	s28 =	sadd.s32 $0x6E4, s4;
	s7 =	simm.s32 $0x0;
	[tilespmem:v34+s14+$0x0] =	vst.idx.msk vm1, v33  }
0xf4: {  	[tilespmem:s7], [sflag:$0x1] =	stream.linear.gather [hbm4b:s28+s7], $0x930, $0x38;
	[tilespmem:$0x1D500] =	vst v63  }
0xf5: {  	_ =	swait.ge [sflag:s15], $0x930  }
0xf6: {  	[sflag:s15] =	ssyncset.done $0x0  }
0xf7: {  	s29 =	simm.s32 $0x0;
	[sflag:s15] =	ssyncadd.s32 $0xFFFFF6D0  }
0xf8: {  	v59 =	vld [tilespmem:s29+$0x980];
	_ =	sdelay $0x3  }
0xf9: {  	v60 =	vsel vm1, $0x1, v0  }
0xfa: {  	v61 =	vadd.s32 v60, v32;
	vm1 =	vge.s32 v59, v30;
	vm2 =	vlt.s32 v59, v31  }
0xfb: {  	v34 =	vshll.u32 v61, $0x4;
	vm1 =	vmand vm1, vm2  }
0xfc: {  	v62 =	vmov s9;
	v34 =	vor.u32 v1, v34  }
0xfd: {  	v35 =	vshll.u32 v62, $0x9  }
0xfe: {  	v35 =	vor.u32 v2, v35  }
0xff: {  	v35 =	vsub.s32 v35, v30  }
0x100: {  	v33 =	vadd.s32 v59, v35;
	v63 =	vsel vm1, $0x1, v0  }
0x101: {  	s8 =	simm.s32 $0x10;
	s5 =	smov.u32 s9;
	s7 =	simm.s32 $0x80;
	v32 =	vadd.s32 v63, v61;
	[tilespmem:v34+s14+$0x0] =	vst.idx.msk vm1, v33  }
.LBB2_16:
0x102: {  	p0 =	sne.s32 s7, $0x2480;
	v33 =	vld [tilespmem:s8+$0x980];
	s5 =	sadd.s32 $0x10, s5  }
0x103: {  	v34 =	vmov s5  }
0x104: {  	v34 =	vshll.u32 v34, $0x9  }
0x105: {  	v34 =	vor.u32 v2, v34  }
0x106: {  	v34 =	vsub.s32 v34, v30  }
0x107: {  	vm1 =	vge.s32 v33, v30;
	vm2 =	vlt.s32 v33, v31;
	v33 =	vadd.s32 v33, v34  }
0x108: {  	v34 =	vshll.u32 v32, $0x4;
	vm1 =	vmand vm1, vm2  }
0x109: {  	v34 =	vor.u32 v1, v34;
	v35 =	vsel vm1, $0x1, v0  }
.Ltmp12:
0x10a: {  	v32 =	vadd.s32 v35, v32;
	(pc) =	sbr.rel @p0 .LBB2_16-.Ltmp12, $2  }
0x10b: {  	_ =	sdelay $0x2  }
0x10c: {  	s8 =	sshra.s32 s7, $0x2;
	s7 =	sadd.s32 $0x40, s7;
	[tilespmem:v34+s14+$0x0] =	vst.idx.msk vm1, v33  }
0x10d: {  	v33 =	vld [tilespmem:s8+$0x980];
	_ =	sdelay $0x4  }
0x10e: {  	vm1 =	vge.s32 v33, v30;
	vm2 =	vlt.s32 v33, v31  }
0x10f: {  	s5 =	sadd.s32 $0x10, s5;
	v34 =	vshll.u32 v32, $0x4;
	vm1 =	vmand vm1, vm2  }
0x110: {  	v35 =	vmov s5;
	v34 =	vor.u32 v1, v34  }
0x111: {  	v35 =	vshll.u32 v35, $0x9  }
0x112: {  	v35 =	vor.u32 v2, v35  }
0x113: {  	v35 =	vsub.s32 v35, v30  }
0x114: {  	v33 =	vadd.s32 v33, v35  }
0x115: {  	s4 =	sadd.s32 $0x80A, s4;
	s28 =	simm.s32 $0x0;
	[tilespmem:v34+s14+$0x0] =	vst.idx.msk vm1, v33  }
0x116: {  	[tilespmem:s12], [sflag:$0x2] =	stream.linear.gather [hbm4b:s4+s28], $0x930, $0x38;
	[tilespmem:$0x1D500] =	vst v63  }
0x117: {  	_ =	swait.ge [sflag:s13], $0x930  }
0x118: {  	[sflag:s13] =	ssyncset.done $0x0  }
0x119: {  	s29 =	simm.s32 $0x0;
	[sflag:s13] =	ssyncadd.s32 $0xFFFFF6D0  }
0x11a: {  	v59 =	vld [tilespmem:s29+$0x0];
	_ =	sdelay $0x3  }
0x11b: {  	v60 =	vsel vm1, $0x1, v0  }
0x11c: {  	v61 =	vadd.s32 v60, v32;
	vm1 =	vge.s32 v59, v30;
	vm2 =	vlt.s32 v59, v31  }
0x11d: {  	v34 =	vshll.u32 v61, $0x4;
	vm1 =	vmand vm1, vm2  }
0x11e: {  	v62 =	vmov s25;
	v34 =	vor.u32 v1, v34  }
0x11f: {  	v35 =	vshll.u32 v62, $0x9  }
0x120: {  	v35 =	vor.u32 v2, v35  }
0x121: {  	v35 =	vsub.s32 v35, v30  }
0x122: {  	v33 =	vadd.s32 v59, v35;
	v63 =	vsel vm1, $0x1, v0  }
0x123: {  	s7 =	simm.s32 $0x10;
	s5 =	simm.s32 $0x80;
	s4 =	smov.u32 s25;
	v32 =	vadd.s32 v63, v61;
	[tilespmem:v34+s14+$0x0] =	vst.idx.msk vm1, v33  }
.LBB2_18:
0x124: {  	p0 =	sne.s32 s5, $0x2480;
	v33 =	vld [tilespmem:s7+$0x0];
	s4 =	sadd.s32 $0x10, s4  }
0x125: {  	v34 =	vmov s4  }
0x126: {  	v34 =	vshll.u32 v34, $0x9  }
0x127: {  	v34 =	vor.u32 v2, v34  }
0x128: {  	v34 =	vsub.s32 v34, v30  }
0x129: {  	vm1 =	vge.s32 v33, v30;
	vm2 =	vlt.s32 v33, v31;
	v33 =	vadd.s32 v33, v34  }
0x12a: {  	v34 =	vshll.u32 v32, $0x4;
	vm1 =	vmand vm1, vm2  }
0x12b: {  	v34 =	vor.u32 v1, v34;
	v35 =	vsel vm1, $0x1, v0  }
.Ltmp13:
0x12c: {  	v32 =	vadd.s32 v35, v32;
	(pc) =	sbr.rel @p0 .LBB2_18-.Ltmp13, $2  }
0x12d: {  	_ =	sdelay $0x2  }
0x12e: {  	s7 =	sshra.s32 s5, $0x2;
	s5 =	sadd.s32 $0x40, s5;
	[tilespmem:v34+s14+$0x0] =	vst.idx.msk vm1, v33  }
0x12f: {  	v33 =	vld [tilespmem:s7+$0x0];
	_ =	sdelay $0x4  }
0x130: {  	vm1 =	vge.s32 v33, v30;
	vm2 =	vlt.s32 v33, v31  }
0x131: {  	s4 =	sadd.s32 $0x10, s4;
	v34 =	vshll.u32 v32, $0x4;
	vm1 =	vmand vm1, vm2  }
0x132: {  	v35 =	vmov s4;
	v34 =	vor.u32 v1, v34  }
0x133: {  	v35 =	vshll.u32 v35, $0x9  }
0x134: {  	v35 =	vor.u32 v2, v35  }
0x135: {  	v35 =	vsub.s32 v35, v30  }
0x136: {  	v33 =	vadd.s32 v33, v35  }
0x137: {  	[tilespmem:v34+s14+$0x0] =	vst.idx.msk vm1, v33  }
0x138: {  	_ =	swait.ge [sflag:s15], $0x930  }
0x139: {  	[sflag:s15] =	ssyncset.done $0x0  }
0x13a: {  	s29 =	simm.s32 $0x0;
	[sflag:s15] =	ssyncadd.s32 $0xFFFFF6D0  }
0x13b: {  	v59 =	vld [tilespmem:s29+$0x980];
	_ =	sdelay $0x3  }
0x13c: {  	v60 =	vsel vm1, $0x1, v0  }
0x13d: {  	v61 =	vadd.s32 v60, v32;
	vm1 =	vge.s32 v59, v30;
	vm2 =	vlt.s32 v59, v31  }
0x13e: {  	v34 =	vshll.u32 v61, $0x4;
	vm1 =	vmand vm1, vm2  }
0x13f: {  	v62 =	vmov s0;
	v34 =	vor.u32 v1, v34  }
0x140: {  	v35 =	vshll.u32 v62, $0x9  }
0x141: {  	v35 =	vor.u32 v2, v35  }
0x142: {  	v35 =	vsub.s32 v35, v30  }
0x143: {  	v35 =	vadd.s32 v59, v35;
	v63 =	vsel vm1, $0x1, v0  }
0x144: {  	s7 =	simm.s32 $0x10;
	s5 =	simm.s32 $0x80;
	s4 =	smov.u32 s0;
	v33 =	vadd.s32 v63, v61;
	[tilespmem:v34+s14+$0x0] =	vst.idx.msk vm1, v35  }
.LBB2_20:
0x145: {  	p0 =	sne.s32 s5, $0x2480;
	v32 =	vld [tilespmem:s7+$0x980];
	s4 =	sadd.s32 $0x10, s4  }
0x146: {  	v34 =	vmov s4  }
0x147: {  	v34 =	vshll.u32 v34, $0x9  }
0x148: {  	v34 =	vor.u32 v2, v34  }
0x149: {  	v34 =	vsub.s32 v34, v30  }
0x14a: {  	vm1 =	vge.s32 v32, v30;
	vm2 =	vlt.s32 v32, v31;
	v32 =	vadd.s32 v32, v34  }
0x14b: {  	v34 =	vshll.u32 v33, $0x4;
	vm1 =	vmand vm1, vm2  }
0x14c: {  	v34 =	vor.u32 v1, v34;
	v35 =	vsel vm1, $0x1, v0  }
.Ltmp14:
0x14d: {  	v33 =	vadd.s32 v35, v33;
	(pc) =	sbr.rel @p0 .LBB2_20-.Ltmp14, $2  }
0x14e: {  	_ =	sdelay $0x2  }
0x14f: {  	s7 =	sshra.s32 s5, $0x2;
	s5 =	sadd.s32 $0x40, s5;
	[tilespmem:v34+s14+$0x0] =	vst.idx.msk vm1, v32  }
0x150: {  	v34 =	vld [tilespmem:s7+$0x980];
	_ =	sdelay $0x4  }
0x151: {  	vm1 =	vge.s32 v34, v30;
	vm2 =	vlt.s32 v34, v31  }
0x152: {  	vm1 =	vmand vm1, vm2  }
0x153: {  	v32 =	vsel vm1, $0x1, v0  }
0x154: {  	v32 =	vadd.s32 v32, v33  }
0x155: {  	(v2sf) =	vpush v32, $0x0  }
0x156: {  	(v2sf) =	vpush v32, $0x1;
	_ =	sdelay $0x1  }
0x157: {  	(v2sf) =	vpush v32, $0x2;
	_ =	sdelay $0x1  }
0x158: {  	(v2sf) =	vpush v32, $0x3;
	_ =	sdelay $0x1  }
0x159: {  	(v2sf) =	vpush v32, $0x4;
	_ =	sdelay $0x1  }
0x15a: {  	(v2sf) =	vpush v32, $0x5;
	_ =	sdelay $0x1  }
0x15b: {  	(v2sf) =	vpush v32, $0x6;
	_ =	sdelay $0x1  }
0x15c: {  	(v2sf) =	vpush v32, $0x7;
	_ =	sdelay $0x1  }
0x15d: {  	s5 =	spop (v2sf);
	(v2sf) =	vpush v32, $0x8  }
0x15e: {  	s7 =	spop (v2sf)  }
0x15f: {  	(v2sf) =	vpush v32, $0x9;
	p0 =	sgt.s32 s5, s7  }
0x160: {  	s7 =	smov.u32 @p0 s5;
	s5 =	spop (v2sf)  }
0x161: {  	(v2sf) =	vpush v32, $0xA;
	p0 =	sgt.s32 s7, s5  }
0x162: {  	s5 =	smov.u32 @p0 s7;
	s7 =	spop (v2sf)  }
0x163: {  	(v2sf) =	vpush v32, $0xB;
	p0 =	sgt.s32 s5, s7  }
0x164: {  	s7 =	smov.u32 @p0 s5;
	s5 =	spop (v2sf)  }
0x165: {  	(v2sf) =	vpush v32, $0xC;
	p0 =	sgt.s32 s7, s5  }
0x166: {  	s5 =	smov.u32 @p0 s7;
	s7 =	spop (v2sf)  }
0x167: {  	(v2sf) =	vpush v32, $0xD;
	p0 =	sgt.s32 s5, s7  }
0x168: {  	s7 =	smov.u32 @p0 s5;
	s5 =	spop (v2sf)  }
0x169: {  	(v2sf) =	vpush v32, $0xE;
	p0 =	sgt.s32 s7, s5  }
0x16a: {  	s5 =	smov.u32 @p0 s7;
	s7 =	spop (v2sf)  }
0x16b: {  	(v2sf) =	vpush v32, $0xF;
	p0 =	sgt.s32 s5, s7  }
0x16c: {  	s7 =	smov.u32 @p0 s5;
	s5 =	spop (v2sf)  }
0x16d: {  	p0 =	sgt.s32 s7, s5  }
0x16e: {  	s5 =	smov.u32 @p0 s7;
	s7 =	spop (v2sf)  }
0x16f: {  	p0 =	sgt.s32 s5, s7  }
0x170: {  	s7 =	smov.u32 @p0 s5;
	s5 =	spop (v2sf)  }
0x171: {  	p0 =	sgt.s32 s7, s5  }
0x172: {  	s5 =	smov.u32 @p0 s7;
	s7 =	spop (v2sf)  }
0x173: {  	p0 =	sgt.s32 s5, s7  }
0x174: {  	s7 =	smov.u32 @p0 s5;
	s5 =	spop (v2sf)  }
0x175: {  	p0 =	sgt.s32 s7, s5  }
0x176: {  	s5 =	smov.u32 @p0 s7;
	s7 =	spop (v2sf)  }
0x177: {  	p0 =	sgt.s32 s5, s7  }
0x178: {  	s7 =	smov.u32 @p0 s5;
	s5 =	spop (v2sf)  }
0x179: {  	p0 =	sgt.s32 s7, s5  }
0x17a: {  	s5 =	smov.u32 @p0 s7;
	s7 =	spop (v2sf)  }
0x17b: {  	p0 =	sgt.s32 s5, s7  }
0x17c: {  	s7 =	smov.u32 @p0 s5  }
0x17d: {  	s5 =	sadd.s32 $0x3, s7  }
0x17e: {  	s7 =	sand.u32 $0x3, s5  }
0x17f: {  	s28 =	sshra.s32 s5, $0x1F;
	p1 =	slt.s32 s5, $0x1;
	p6 =	sne.s32 s7, $0x0  }
0x180: {  	s4 =	sadd.s32 $0x10, s4;
	s29 =	sshrl.u32 s28, $0x1E;
	p0 =	por !p1, !p6  }
0x181: {  	v35 =	vmov s4;
	s4 =	sadd.s32 s29, s5;
	s5 =	simm.s32 $0x1;
	p0 =	por !p0, !p0  }
0x182: {  	s4 =	sshra.s32 s4, $0x2;
	s5 =	simm.s32 @!p0 $0x0  }
0x183: {  	v63 =	vshll.u32 v33, $0x4;
	s4 =	ssub.s32 s4, s5  }
0x184: {  	v33 =	vor.u32 v1, v63;
	p0 =	slt.s32 s4, $0x1  }
.Ltmp15:
0x185: {  	v35 =	vshll.u32 v35, $0x9;
	(pc) =	sbr.rel @p0 .LBB2_27-.Ltmp15, $4  }
0x186: {  	v35 =	vor.u32 v2, v35  }
0x187: {  	v35 =	vsub.s32 v35, v30  }
0x188: {  	v34 =	vadd.s32 v34, v35  }
0x189: {  	s8 =	simm.s32 $0x0;
	[tilespmem:v33+s14+$0x0] =	vst.idx.msk vm1, v34;
	s7 =	simm.s32 $0x0  }
.LBB2_22:
0x18a: {  	p0 =	slt.s32 s8, $0x125;
	s5 =	smov.u32 s8  }
0x18b: {  	s5 =	simm.s32 @!p0 $0x125  }
0x18c: {  	s5 =	sshll.u32 s5, $0x6  }
0x18d: {  	s5 =	sand.u32 $0x3FFFFFC0, s5  }
0x18e: {  	v33 =	vld [tilespmem:s5+$0x1300];
	_ =	sdelay $0x4  }
0x18f: {  	v34 =	vshrl.u32 v33, $0x9  }
0x190: {  	[tilespmem:$0x5C80] =	vst v34  }
0x191: {  	v35 =	vld [tilespmem:s5+$0x1310];
	_ =	sdelay $0x4  }
0x192: {  	v35 =	vshrl.u32 v35, $0x9  }
0x193: {  	[tilespmem:$0x5C90] =	vst v35  }
0x194: {  	v35 =	vld [tilespmem:s5+$0x1320];
	_ =	sdelay $0x3  }
0x195: {  	v33 =	vshrl.u32 v33, $0x8  }
0x196: {  	v34 =	vand.u32 $0x7, v34;
	v33 =	vand.u32 $0xFFFFF0, v33;
	v35 =	vshrl.u32 v35, $0x9  }
0x197: {  	v33 =	vor.u32 v34, v33;
	[tilespmem:$0x5CA0] =	vst v35  }
0x198: {  	v60 =	vperm.xlane v33, v3;
	v59 =	vld [tilespmem:s5+$0x1330];
	_ =	sdelay $0x1  }
0x199: {  	v33 =	vperm.xlane v33, v9;
	v35 =	vadd.s32 v4, v60;
	_ =	sdelay $0x1  }
0x19a: {  	v33 =	vadd.s32 v4, v33  }
0x19b: {  	v34 =	vshrl.u32 v59, $0x9  }
0x19c: {  	[tilespmem:$0x5CB0] =	vst v34  }
0x19d: {  	[tilespmem:s16], [sflag:$0x3] =	stream.indirect_vreg.gather [hbm4b:s2+s7], $0x80, v35, vm0, $0xb8;
	[tilespmem:$0x1D500] =	vst v63  }
0x19e: {  	_ = 	snop  }
0x19f: {  	[tilespmem:s17], [sflag:$0x3] =	stream.indirect_vreg.gather [hbm4b:s2+s7], $0x80, v33, vm0, $0xb8;
	[tilespmem:$0x1D500] =	vst v63  }
0x1a0: {  	v33 =	vld [tilespmem:$0x5C90];
	_ =	sdelay $0x4  }
0x1a1: {  	v61 =	vshll.u32 v33, $0x1  }
0x1a2: {  	v33 =	vand.u32 $0x7, v33;
	v34 =	vand.u32 $0xFFFFFFF0, v61  }
0x1a3: {  	v33 =	vor.u32 v33, v34  }
0x1a4: {  	v34 =	vperm.xlane v33, v3;
	_ =	sdelay $0x1  }
0x1a5: {  	v33 =	vperm.xlane v33, v9;
	v34 =	vadd.s32 v4, v34;
	_ =	sdelay $0x1  }
0x1a6: {  	v33 =	vadd.s32 v4, v33;
	_ =	sdelay $0x2  }
0x1a7: {  	[tilespmem:s18], [sflag:$0x3] =	stream.indirect_vreg.gather [hbm4b:s2+s7], $0x80, v34, vm0, $0xb8;
	[tilespmem:$0x1D500] =	vst v63  }
0x1a8: {  	_ = 	snop  }
0x1a9: {  	[tilespmem:s19], [sflag:$0x3] =	stream.indirect_vreg.gather [hbm4b:s2+s7], $0x80, v33, vm0, $0xb8;
	[tilespmem:$0x1D500] =	vst v63  }
0x1aa: {  	v33 =	vld [tilespmem:$0x5CA0];
	_ =	sdelay $0x4  }
0x1ab: {  	v62 =	vshll.u32 v33, $0x1  }
0x1ac: {  	v33 =	vand.u32 $0x7, v33;
	v34 =	vand.u32 $0xFFFFFFF0, v62  }
0x1ad: {  	v33 =	vor.u32 v33, v34  }
0x1ae: {  	v34 =	vperm.xlane v33, v3;
	_ =	sdelay $0x1  }
0x1af: {  	v33 =	vperm.xlane v33, v9;
	v34 =	vadd.s32 v4, v34;
	_ =	sdelay $0x1  }
0x1b0: {  	v33 =	vadd.s32 v4, v33;
	_ =	sdelay $0x2  }
0x1b1: {  	[tilespmem:s20], [sflag:$0x3] =	stream.indirect_vreg.gather [hbm4b:s2+s7], $0x80, v34, vm0, $0xb8;
	[tilespmem:$0x1D500] =	vst v63  }
0x1b2: {  	_ = 	snop  }
0x1b3: {  	[tilespmem:s21], [sflag:$0x3] =	stream.indirect_vreg.gather [hbm4b:s2+s7], $0x80, v33, vm0, $0xb8;
	[tilespmem:$0x1D500] =	vst v63  }
0x1b4: {  	v33 =	vld [tilespmem:$0x5CB0];
	_ =	sdelay $0x4  }
0x1b5: {  	v63 =	vshll.u32 v33, $0x1  }
0x1b6: {  	v33 =	vand.u32 $0x7, v33;
	v34 =	vand.u32 $0xFFFFFFF0, v63  }
0x1b7: {  	v33 =	vor.u32 v33, v34  }
0x1b8: {  	v34 =	vperm.xlane v33, v3;
	_ =	sdelay $0x1  }
0x1b9: {  	v33 =	vperm.xlane v33, v9;
	v34 =	vadd.s32 v4, v34;
	_ =	sdelay $0x1  }
0x1ba: {  	v33 =	vadd.s32 v4, v33;
	_ =	sdelay $0x2  }
0x1bb: {  	[tilespmem:s22], [sflag:$0x3] =	stream.indirect_vreg.gather [hbm4b:s2+s7], $0x80, v34, vm0, $0xb8;
	[tilespmem:$0x1D500] =	vst v63  }
0x1bc: {  	_ = 	snop  }
0x1bd: {  	[tilespmem:s23], [sflag:$0x3] =	stream.indirect_vreg.gather [hbm4b:s2+s7], $0x80, v33, vm0, $0xb8;
	[tilespmem:$0x1D500] =	vst v63  }
0x1be: {  	_ =	swait.ge [sflag:s24], $0x4000  }
0x1bf: {  	s5 =	sadd.s32 $0x1300, s5;
	[sflag:s24] =	ssyncset.done $0x0  }
0x1c0: {  	s11 =	sshll.u32 s8, $0x2;
	s29 =	simm.s32 $0x0;
	v33 =	vmov s5;
	[sflag:s24] =	ssyncadd.s32 $0xFFFFC000  }
.LBB2_23:
0x1c1: {  	_ =	sdelay $0x2  }
0x1c2: {  	s5 =	sshll.u32 s29, $0x4  }
0x1c3: {  	v34 =	vld.idx.msk [tilespmem:v33+s5+$0x0 ss:$0x1], $0xffff;
	_ =	sdelay $0x1  }
0x1c4: {  	v35 =	vmov s5  }
0x1c5: {  	s28 =	sadd.s32 s11, s29;
	s5 =	simm.s32 $0x0;
	v35 =	vshll.u32 v35, $0x8  }
0x1c6: {  	v37 =	vmov s28;
	v62 =	vmov s5;
	v61 =	vor.u32 v10, v35  }
0x1c7: {  	v35 =	vshll.u32 v62, $0x3;
	v36 =	vand.u32 $0x1FF, v34;
	v34 =	vand.u32 $0x3800, v61  }
0x1c8: {  	v38 =	vor.u32 s5, v1;
	v39 =	vand.u32 $0x400, v35;
	v34 =	vor.u32 v13, v34  }
0x1c9: {  	vm1 =	vlt.s32 v37, v32;
	v63 =	vand.u32 $0x7F, v38;
	v44 =	vor.u32 v39, v34  }
0x1ca: {  	v45 =	vnsel vm1, $0x130, v36;
	v46 =	vor.u32 v63, v44  }
0x1cb: {  	v47 =	vshll.u32 v45, $0x8;
	v35 =	vshll.u32 v45, $0x7  }
0x1cc: {  	v38 =	vand.u32 $0x1F800, v47;
	v35 =	vand.u32 $0x380, v35  }
0x1cd: {  	v35 =	vor.u32 v35, v38  }
0x1ce: {  	v48 =	vor.u32 s5, v14;
	v43 =	vor.u32 v39, v35  }
0x1cf: {  	v38 =	vand.u32 $0x7F, v48;
	v37 =	vor.u32 v63, v43;
	v36 =	vld.idx.msk [tilespmem:v46+s16+$0x0], $0xffff  }
0x1d0: {  	v49 =	vor.u32 v38, v44;
	_ =	sdelay $0x3  }
0x1d1: {  	v50 =	vor.u32 s5, v15;
	[tilespmem:v37+s10+$0x0] =	vst.idx.add.f32.msk $0xffff, v36  }
0x1d2: {  	v38 =	vor.u32 v38, v43;
	v36 =	vand.u32 $0x7F, v50;
	v37 =	vld.idx.msk [tilespmem:v49+s16+$0x0], $0xffff  }
0x1d3: {  	v51 =	vor.u32 v36, v44;
	_ =	sdelay $0x3  }
0x1d4: {  	v52 =	vor.u32 s5, v16;
	[tilespmem:v38+s10+$0x0] =	vst.idx.add.f32.msk $0xffff, v37  }
0x1d5: {  	v36 =	vor.u32 v36, v43;
	v37 =	vand.u32 $0x7F, v52;
	v38 =	vld.idx.msk [tilespmem:v51+s16+$0x0], $0xffff  }
0x1d6: {  	v53 =	vor.u32 v37, v44;
	_ =	sdelay $0x3  }
0x1d7: {  	v54 =	vor.u32 s5, v25;
	[tilespmem:v36+s10+$0x0] =	vst.idx.add.f32.msk $0xffff, v38  }
0x1d8: {  	v37 =	vor.u32 v37, v43;
	v36 =	vand.u32 $0x7F, v54;
	v38 =	vld.idx.msk [tilespmem:v53+s16+$0x0], $0xffff  }
0x1d9: {  	v55 =	vor.u32 v36, v44;
	_ =	sdelay $0x3  }
0x1da: {  	v56 =	vor.u32 s5, v26;
	[tilespmem:v37+s10+$0x0] =	vst.idx.add.f32.msk $0xffff, v38  }
0x1db: {  	v36 =	vor.u32 v36, v43;
	v37 =	vand.u32 $0x7F, v56;
	v38 =	vld.idx.msk [tilespmem:v55+s16+$0x0], $0xffff  }
0x1dc: {  	v57 =	vor.u32 v37, v44;
	_ =	sdelay $0x3  }
0x1dd: {  	v58 =	vor.u32 s5, v27;
	[tilespmem:v36+s10+$0x0] =	vst.idx.add.f32.msk $0xffff, v38  }
0x1de: {  	v37 =	vor.u32 v37, v43;
	v36 =	vand.u32 $0x7F, v58;
	v38 =	vld.idx.msk [tilespmem:v57+s16+$0x0], $0xffff  }
0x1df: {  	v59 =	vor.u32 v36, v44;
	_ =	sdelay $0x3  }
0x1e0: {  	v60 =	vor.u32 s5, v28;
	[tilespmem:v37+s10+$0x0] =	vst.idx.add.f32.msk $0xffff, v38  }
0x1e1: {  	v36 =	vor.u32 v36, v43;
	v37 =	vand.u32 $0x7F, v60;
	v38 =	vld.idx.msk [tilespmem:v59+s16+$0x0], $0xffff  }
0x1e2: {  	v61 =	vor.u32 v37, v44;
	_ =	sdelay $0x3  }
0x1e3: {  	v62 =	vor.u32 s5, v29;
	[tilespmem:v36+s10+$0x0] =	vst.idx.add.f32.msk $0xffff, v38  }
0x1e4: {  	v63 =	vand.u32 $0x7F, v62;
	v37 =	vor.u32 v37, v43;
	v38 =	vld.idx.msk [tilespmem:v61+s16+$0x0], $0xffff  }
0x1e5: {  	v40 =	vor.u32 v63, v44  }
0x1e6: {  	v45 =	vcombine.low v5, v6;
	_ =	sdelay $0x1  }
0x1e7: {  	v36 =	vand.u32 $0xF, v45  }
0x1e8: {  	v46 =	vor.u32 s5, v36;
	[tilespmem:v37+s10+$0x0] =	vst.idx.add.f32.msk $0xffff, v38  }
0x1e9: {  	v39 =	vor.u32 v63, v43;
	v47 =	vand.u32 $0x7F, v46;
	v38 =	vld.idx.msk [tilespmem:v40+s16+$0x0], $0xffff  }
0x1ea: {  	v41 =	vor.u32 v47, v44  }
0x1eb: {  	v48 =	vcombine.low v7, v8;
	_ =	sdelay $0x1  }
0x1ec: {  	v37 =	vand.u32 $0xF, v48  }
0x1ed: {  	v49 =	vor.u32 s5, v37;
	[tilespmem:v39+s10+$0x0] =	vst.idx.add.f32.msk $0xffff, v38  }
0x1ee: {  	v40 =	vor.u32 v47, v43;
	v50 =	vand.u32 $0x7F, v49;
	v39 =	vld.idx.msk [tilespmem:v41+s16+$0x0], $0xffff  }
0x1ef: {  	v42 =	vor.u32 v50, v44  }
0x1f0: {  	v51 =	vcombine.low v11, v12;
	_ =	sdelay $0x1  }
0x1f1: {  	v38 =	vand.u32 $0xF, v51  }
0x1f2: {  	v52 =	vor.u32 s5, v38;
	[tilespmem:v40+s10+$0x0] =	vst.idx.add.f32.msk $0xffff, v39  }
0x1f3: {  	v41 =	vor.u32 v50, v43;
	v53 =	vand.u32 $0x7F, v52;
	v40 =	vld.idx.msk [tilespmem:v42+s16+$0x0], $0xffff  }
0x1f4: {  	v45 =	vor.u32 v53, v44  }
0x1f5: {  	v54 =	vcombine.low v17, v18;
	_ =	sdelay $0x1  }
0x1f6: {  	v39 =	vand.u32 $0xF, v54  }
0x1f7: {  	v55 =	vor.u32 s5, v39;
	[tilespmem:v41+s10+$0x0] =	vst.idx.add.f32.msk $0xffff, v40  }
0x1f8: {  	v42 =	vor.u32 v53, v43;
	v56 =	vand.u32 $0x7F, v55;
	v41 =	vld.idx.msk [tilespmem:v45+s16+$0x0], $0xffff  }
0x1f9: {  	v46 =	vor.u32 v56, v44  }
0x1fa: {  	v57 =	vcombine.low v19, v20;
	_ =	sdelay $0x1  }
0x1fb: {  	v40 =	vand.u32 $0xF, v57  }
0x1fc: {  	v58 =	vor.u32 s5, v40;
	[tilespmem:v42+s10+$0x0] =	vst.idx.add.f32.msk $0xffff, v41  }
0x1fd: {  	v45 =	vor.u32 v56, v43;
	v59 =	vand.u32 $0x7F, v58;
	v42 =	vld.idx.msk [tilespmem:v46+s16+$0x0], $0xffff  }
0x1fe: {  	v47 =	vor.u32 v59, v44  }
0x1ff: {  	v60 =	vcombine.low v21, v22;
	_ =	sdelay $0x1  }
0x200: {  	v41 =	vand.u32 $0xF, v60  }
0x201: {  	v61 =	vor.u32 s5, v41;
	[tilespmem:v45+s10+$0x0] =	vst.idx.add.f32.msk $0xffff, v42  }
0x202: {  	v46 =	vor.u32 v59, v43;
	v62 =	vand.u32 $0x7F, v61;
	v45 =	vld.idx.msk [tilespmem:v47+s16+$0x0], $0xffff  }
0x203: {  	v48 =	vor.u32 v62, v44  }
0x204: {  	v63 =	vcombine.low v23, v24;
	_ =	sdelay $0x1  }
0x205: {  	v42 =	vand.u32 $0xF, v63  }
0x206: {  	v49 =	vor.u32 s5, v42;
	[tilespmem:v46+s10+$0x0] =	vst.idx.add.f32.msk $0xffff, v45  }
0x207: {  	v47 =	vor.u32 v62, v43;
	v45 =	vand.u32 $0x7F, v49;
	v46 =	vld.idx.msk [tilespmem:v48+s16+$0x0], $0xffff  }
0x208: {  	v44 =	vor.u32 v45, v44;
	_ =	sdelay $0x1  }
0x209: {  	s28 =	simm.s32 $0x10  }
0x20a: {  	s5 =	simm.s32 $0x20;
	v48 =	vmov s28  }
.LBB2_24:
0x20b: {  	p0 =	sne.s32 s5, $0xF0;
	v48 =	vshll.u32 v48, $0x3;
	[tilespmem:v47+s10+$0x0] =	vst.idx.add.f32.msk $0xffff, v46  }
0x20c: {  	v46 =	vor.u32 s28, v1;
	v47 =	vand.u32 $0x400, v48;
	v48 =	vld.idx.msk [tilespmem:v44+s16+$0x0], $0xffff  }
0x20d: {  	v43 =	vor.u32 v45, v43;
	v46 =	vand.u32 $0x7F, v46;
	v44 =	vor.u32 v47, v34  }
0x20e: {  	v45 =	vor.u32 v46, v44;
	_ =	sdelay $0x3  }
0x20f: {  	[tilespmem:v43+s10+$0x0] =	vst.idx.add.f32.msk $0xffff, v48  }
0x210: {  	v43 =	vor.u32 v47, v35;
	v47 =	vor.u32 s28, v14;
	v45 =	vld.idx.msk [tilespmem:v45+s16+$0x0], $0xffff  }
0x211: {  	v46 =	vor.u32 v46, v43;
	v47 =	vand.u32 $0x7F, v47  }
0x212: {  	v48 =	vor.u32 v47, v44;
	_ =	sdelay $0x3  }
0x213: {  	[tilespmem:v46+s10+$0x0] =	vst.idx.add.f32.msk $0xffff, v45  }
0x214: {  	v46 =	vor.u32 s28, v15;
	v45 =	vld.idx.msk [tilespmem:v48+s16+$0x0], $0xffff  }
0x215: {  	v47 =	vor.u32 v47, v43;
	v46 =	vand.u32 $0x7F, v46  }
0x216: {  	v48 =	vor.u32 v46, v44;
	_ =	sdelay $0x3  }
0x217: {  	[tilespmem:v47+s10+$0x0] =	vst.idx.add.f32.msk $0xffff, v45  }
0x218: {  	v47 =	vor.u32 s28, v16;
	v45 =	vld.idx.msk [tilespmem:v48+s16+$0x0], $0xffff  }
0x219: {  	v46 =	vor.u32 v46, v43;
	v47 =	vand.u32 $0x7F, v47  }
0x21a: {  	v48 =	vor.u32 v47, v44;
	_ =	sdelay $0x3  }
0x21b: {  	[tilespmem:v46+s10+$0x0] =	vst.idx.add.f32.msk $0xffff, v45  }
0x21c: {  	v46 =	vor.u32 s28, v25;
	v45 =	vld.idx.msk [tilespmem:v48+s16+$0x0], $0xffff  }
0x21d: {  	v47 =	vor.u32 v47, v43;
	v46 =	vand.u32 $0x7F, v46  }
0x21e: {  	v48 =	vor.u32 v46, v44;
	_ =	sdelay $0x3  }
0x21f: {  	[tilespmem:v47+s10+$0x0] =	vst.idx.add.f32.msk $0xffff, v45  }
0x220: {  	v47 =	vor.u32 s28, v26;
	v45 =	vld.idx.msk [tilespmem:v48+s16+$0x0], $0xffff  }
0x221: {  	v46 =	vor.u32 v46, v43;
	v47 =	vand.u32 $0x7F, v47  }
0x222: {  	v48 =	vor.u32 v47, v44;
	_ =	sdelay $0x3  }
0x223: {  	[tilespmem:v46+s10+$0x0] =	vst.idx.add.f32.msk $0xffff, v45  }
0x224: {  	v46 =	vor.u32 s28, v27;
	v45 =	vld.idx.msk [tilespmem:v48+s16+$0x0], $0xffff  }
0x225: {  	v47 =	vor.u32 v47, v43;
	v46 =	vand.u32 $0x7F, v46  }
0x226: {  	v48 =	vor.u32 v46, v44;
	_ =	sdelay $0x3  }
0x227: {  	[tilespmem:v47+s10+$0x0] =	vst.idx.add.f32.msk $0xffff, v45  }
0x228: {  	v47 =	vor.u32 s28, v28;
	v45 =	vld.idx.msk [tilespmem:v48+s16+$0x0], $0xffff  }
0x229: {  	v46 =	vor.u32 v46, v43;
	v47 =	vand.u32 $0x7F, v47  }
0x22a: {  	v48 =	vor.u32 v47, v44;
	_ =	sdelay $0x3  }
0x22b: {  	[tilespmem:v46+s10+$0x0] =	vst.idx.add.f32.msk $0xffff, v45  }
0x22c: {  	v46 =	vor.u32 s28, v29;
	v45 =	vld.idx.msk [tilespmem:v48+s16+$0x0], $0xffff  }
0x22d: {  	v47 =	vor.u32 v47, v43;
	v46 =	vand.u32 $0x7F, v46  }
0x22e: {  	v48 =	vor.u32 v46, v44;
	_ =	sdelay $0x3  }
0x22f: {  	[tilespmem:v47+s10+$0x0] =	vst.idx.add.f32.msk $0xffff, v45  }
0x230: {  	v47 =	vor.u32 s28, v36;
	v45 =	vld.idx.msk [tilespmem:v48+s16+$0x0], $0xffff  }
0x231: {  	v46 =	vor.u32 v46, v43;
	v47 =	vand.u32 $0x7F, v47  }
0x232: {  	v48 =	vor.u32 v47, v44;
	_ =	sdelay $0x3  }
0x233: {  	[tilespmem:v46+s10+$0x0] =	vst.idx.add.f32.msk $0xffff, v45  }
0x234: {  	v46 =	vor.u32 s28, v37;
	v45 =	vld.idx.msk [tilespmem:v48+s16+$0x0], $0xffff  }
0x235: {  	v47 =	vor.u32 v47, v43;
	v46 =	vand.u32 $0x7F, v46  }
0x236: {  	v48 =	vor.u32 v46, v44;
	_ =	sdelay $0x3  }
0x237: {  	[tilespmem:v47+s10+$0x0] =	vst.idx.add.f32.msk $0xffff, v45  }
0x238: {  	v47 =	vor.u32 s28, v38;
	v45 =	vld.idx.msk [tilespmem:v48+s16+$0x0], $0xffff  }
0x239: {  	v46 =	vor.u32 v46, v43;
	v47 =	vand.u32 $0x7F, v47  }
0x23a: {  	v48 =	vor.u32 v47, v44;
	_ =	sdelay $0x3  }
0x23b: {  	[tilespmem:v46+s10+$0x0] =	vst.idx.add.f32.msk $0xffff, v45  }
0x23c: {  	v46 =	vor.u32 s28, v39;
	v45 =	vld.idx.msk [tilespmem:v48+s16+$0x0], $0xffff  }
0x23d: {  	v47 =	vor.u32 v47, v43;
	v46 =	vand.u32 $0x7F, v46  }
0x23e: {  	v48 =	vor.u32 v46, v44;
	_ =	sdelay $0x3  }
0x23f: {  	[tilespmem:v47+s10+$0x0] =	vst.idx.add.f32.msk $0xffff, v45  }
0x240: {  	v47 =	vor.u32 s28, v40;
	v45 =	vld.idx.msk [tilespmem:v48+s16+$0x0], $0xffff  }
0x241: {  	v46 =	vor.u32 v46, v43;
	v47 =	vand.u32 $0x7F, v47  }
0x242: {  	v48 =	vor.u32 v47, v44;
	_ =	sdelay $0x3  }
0x243: {  	[tilespmem:v46+s10+$0x0] =	vst.idx.add.f32.msk $0xffff, v45  }
0x244: {  	v46 =	vor.u32 s28, v41;
	v45 =	vld.idx.msk [tilespmem:v48+s16+$0x0], $0xffff  }
0x245: {  	v47 =	vor.u32 v47, v43;
	v48 =	vand.u32 $0x7F, v46  }
0x246: {  	v46 =	vor.u32 v48, v44;
	_ =	sdelay $0x3  }
0x247: {  	[tilespmem:v47+s10+$0x0] =	vst.idx.add.f32.msk $0xffff, v45  }
0x248: {  	v45 =	vor.u32 s28, v42;
	s28 =	smov.u32 s5;
	v46 =	vld.idx.msk [tilespmem:v46+s16+$0x0], $0xffff  }
.Ltmp16:
0x249: {  	v47 =	vor.u32 v48, v43;
	v45 =	vand.u32 $0x7F, v45;
	(pc) =	sbr.rel @p0 .LBB2_24-.Ltmp16, $2  }
0x24a: {  	v44 =	vor.u32 v45, v44;
	_ =	sdelay $0x2  }
0x24b: {  	s5 =	sadd.s32 $0x10, s5;
	v48 =	vmov s28  }
0x24c: {  	_ =	sdelay $0x2  }
0x24d: {  	v48 =	vshll.u32 v48, $0x3  }
0x24e: {  	[tilespmem:v47+s10+$0x0] =	vst.idx.add.f32.msk $0xffff, v46;
	v63 =	vor.u32 s28, v1;
	v49 =	vand.u32 $0x400, v48  }
0x24f: {  	v43 =	vor.u32 v45, v43;
	v44 =	vld.idx.msk [tilespmem:v44+s16+$0x0], $0xffff;
	v46 =	vand.u32 $0x7F, v63;
	v34 =	vor.u32 v49, v34  }
0x250: {  	v50 =	vor.u32 v46, v34;
	_ =	sdelay $0x3  }
0x251: {  	v51 =	vor.u32 s28, v14;
	v35 =	vor.u32 v49, v35;
	[tilespmem:v43+s10+$0x0] =	vst.idx.add.f32.msk $0xffff, v44  }
0x252: {  	v52 =	vor.u32 v46, v35;
	v43 =	vand.u32 $0x7F, v51;
	v44 =	vld.idx.msk [tilespmem:v50+s16+$0x0], $0xffff  }
0x253: {  	v53 =	vor.u32 v43, v34;
	_ =	sdelay $0x3  }
0x254: {  	v54 =	vor.u32 s28, v15;
	[tilespmem:v52+s10+$0x0] =	vst.idx.add.f32.msk $0xffff, v44  }
0x255: {  	v43 =	vor.u32 v43, v35;
	v44 =	vand.u32 $0x7F, v54;
	v45 =	vld.idx.msk [tilespmem:v53+s16+$0x0], $0xffff  }
0x256: {  	v55 =	vor.u32 v44, v34;
	_ =	sdelay $0x3  }
0x257: {  	v56 =	vor.u32 s28, v16;
	[tilespmem:v43+s10+$0x0] =	vst.idx.add.f32.msk $0xffff, v45  }
0x258: {  	v44 =	vor.u32 v44, v35;
	v43 =	vand.u32 $0x7F, v56;
	v45 =	vld.idx.msk [tilespmem:v55+s16+$0x0], $0xffff  }
0x259: {  	v57 =	vor.u32 v43, v34;
	_ =	sdelay $0x3  }
0x25a: {  	v58 =	vor.u32 s28, v25;
	[tilespmem:v44+s10+$0x0] =	vst.idx.add.f32.msk $0xffff, v45  }
0x25b: {  	v43 =	vor.u32 v43, v35;
	v44 =	vand.u32 $0x7F, v58;
	v45 =	vld.idx.msk [tilespmem:v57+s16+$0x0], $0xffff  }
0x25c: {  	v59 =	vor.u32 v44, v34;
	_ =	sdelay $0x3  }
0x25d: {  	v60 =	vor.u32 s28, v26;
	[tilespmem:v43+s10+$0x0] =	vst.idx.add.f32.msk $0xffff, v45  }
0x25e: {  	v44 =	vor.u32 v44, v35;
	v43 =	vand.u32 $0x7F, v60;
	v45 =	vld.idx.msk [tilespmem:v59+s16+$0x0], $0xffff  }
0x25f: {  	v61 =	vor.u32 v43, v34;
	_ =	sdelay $0x3  }
0x260: {  	v62 =	vor.u32 s28, v27;
	[tilespmem:v44+s10+$0x0] =	vst.idx.add.f32.msk $0xffff, v45  }
0x261: {  	v43 =	vor.u32 v43, v35;
	v44 =	vand.u32 $0x7F, v62;
	v45 =	vld.idx.msk [tilespmem:v61+s16+$0x0], $0xffff  }
0x262: {  	v63 =	vor.u32 v44, v34;
	_ =	sdelay $0x3  }
0x263: {  	v48 =	vor.u32 s28, v28;
	[tilespmem:v43+s10+$0x0] =	vst.idx.add.f32.msk $0xffff, v45  }
0x264: {  	v44 =	vor.u32 v44, v35;
	v43 =	vand.u32 $0x7F, v48;
	v45 =	vld.idx.msk [tilespmem:v63+s16+$0x0], $0xffff  }
0x265: {  	v49 =	vor.u32 v43, v34;
	_ =	sdelay $0x3  }
0x266: {  	v50 =	vor.u32 s28, v29;
	[tilespmem:v44+s10+$0x0] =	vst.idx.add.f32.msk $0xffff, v45  }
0x267: {  	v43 =	vor.u32 v43, v35;
	v44 =	vand.u32 $0x7F, v50;
	v45 =	vld.idx.msk [tilespmem:v49+s16+$0x0], $0xffff  }
0x268: {  	v51 =	vor.u32 v44, v34;
	_ =	sdelay $0x3  }
0x269: {  	v36 =	vor.u32 s28, v36;
	[tilespmem:v43+s10+$0x0] =	vst.idx.add.f32.msk $0xffff, v45  }
0x26a: {  	v36 =	vand.u32 $0x7F, v36;
	v44 =	vor.u32 v44, v35;
	v43 =	vld.idx.msk [tilespmem:v51+s16+$0x0], $0xffff  }
0x26b: {  	v52 =	vor.u32 v36, v34;
	_ =	sdelay $0x3  }
0x26c: {  	v37 =	vor.u32 s28, v37;
	[tilespmem:v44+s10+$0x0] =	vst.idx.add.f32.msk $0xffff, v43  }
0x26d: {  	v37 =	vand.u32 $0x7F, v37;
	v36 =	vor.u32 v36, v35;
	v43 =	vld.idx.msk [tilespmem:v52+s16+$0x0], $0xffff  }
0x26e: {  	v53 =	vor.u32 v37, v34;
	_ =	sdelay $0x3  }
0x26f: {  	v54 =	vor.u32 s28, v38;
	[tilespmem:v36+s10+$0x0] =	vst.idx.add.f32.msk $0xffff, v43  }
0x270: {  	v37 =	vor.u32 v37, v35;
	v36 =	vand.u32 $0x7F, v54;
	v55 =	vld.idx.msk [tilespmem:v53+s16+$0x0], $0xffff  }
0x271: {  	v56 =	vor.u32 v36, v34;
	_ =	sdelay $0x3  }
0x272: {  	v57 =	vor.u32 s28, v39;
	[tilespmem:v37+s10+$0x0] =	vst.idx.add.f32.msk $0xffff, v55  }
0x273: {  	v36 =	vor.u32 v36, v35;
	v37 =	vand.u32 $0x7F, v57;
	v38 =	vld.idx.msk [tilespmem:v56+s16+$0x0], $0xffff  }
0x274: {  	v58 =	vor.u32 v37, v34;
	_ =	sdelay $0x3  }
0x275: {  	v59 =	vor.u32 s28, v40;
	[tilespmem:v36+s10+$0x0] =	vst.idx.add.f32.msk $0xffff, v38  }
0x276: {  	v37 =	vor.u32 v37, v35;
	v36 =	vand.u32 $0x7F, v59;
	v38 =	vld.idx.msk [tilespmem:v58+s16+$0x0], $0xffff  }
0x277: {  	v60 =	vor.u32 v36, v34;
	_ =	sdelay $0x3  }
0x278: {  	v61 =	vor.u32 s28, v41;
	[tilespmem:v37+s10+$0x0] =	vst.idx.add.f32.msk $0xffff, v38  }
0x279: {  	v36 =	vor.u32 v36, v35;
	v37 =	vand.u32 $0x7F, v61;
	v38 =	vld.idx.msk [tilespmem:v60+s16+$0x0], $0xffff  }
0x27a: {  	v62 =	vor.u32 v37, v34;
	_ =	sdelay $0x3  }
0x27b: {  	v63 =	vor.u32 s28, v42;
	[tilespmem:v36+s10+$0x0] =	vst.idx.add.f32.msk $0xffff, v38  }
0x27c: {  	v37 =	vor.u32 v37, v35;
	v36 =	vand.u32 $0x7F, v63;
	v38 =	vld.idx.msk [tilespmem:v62+s16+$0x0], $0xffff  }
0x27d: {  	v34 =	vor.u32 v36, v34;
	_ =	sdelay $0x3  }
0x27e: {  	s29 =	sadd.s32 $0x1, s29;
	[tilespmem:v37+s10+$0x0] =	vst.idx.add.f32.msk $0xffff, v38  }
0x27f: {  	p0 =	sne.s32 s29, $0x4;
	v35 =	vor.u32 v36, v35;
	v34 =	vld.idx.msk [tilespmem:v34+s16+$0x0], $0xffff  }
.Ltmp17:
0x280: {  	_ = 	snop;
	(pc) =	sbr.rel @p0 .LBB2_23-.Ltmp17, $2  }
0x281: {  	_ =	sdelay $0x2  }
0x282: {  	[tilespmem:v35+s10+$0x0] =	vst.idx.add.f32.msk $0xffff, v34  }
0x283: {  	s8 =	sadd.s32 $0x1, s8  }
0x284: {  	p0 =	sne.s32 s8, s4  }
.Ltmp18:
0x285: {  	_ = 	snop;
	(pc) =	sbr.rel @p0 .LBB2_22-.Ltmp18, $4  }
.Ltmp19:
0x286: {  	_ = 	snop;
	(pc) =	sbr.rel @!p0 .LBB2_27-.Ltmp19, $4  }
0x287: {  	_ = 	snop  }
0x288: {  	_ = 	snop  }
0x289: {  	_ = 	snop  }
0x28a: {  	_ = 	snop  }
.LBB2_30:
0x28b: {  	_ =	sfence.sel $0x180000  }
0x28c: {  	[bflag:$0x0] =	sbarrier.arrive $0xFFFF  }
0x28d: {  	_ =	strace $0x9000004A  }
0x28e: {  	s0 =	stileid.u32;
	[bflag:$0x2] =	sbarrier.arrive $0xFFFF  }
0x28f: {  	p0 =	sne.s32 s0, $0x0;
	s0 =	rddreg [dreg:$0x3]  }
0x290: {  	s0 =	sadd.s32 @!p0 $0x100000, s0  }
0x291: {  	[sflag:s0] =	ssyncadd.tile.s32 @!p0 $0x1;
	_ =	shalt  }
.Lfunc_end2:
_tile_overlayer_lowered:
.L_overlay_start_2:
0x292: {  	(tag) =	ssettag $0x2  }
0x293: {  	s0 =	rddreg [dreg:$0x0];
	s2 =	stileid.u32  }
0x294: {  	s1 =	rddreg [dreg:$0x1];
	p0 =	sne.s32 s2, $0x0  }
0x295: {  	s3 =	rddreg [dreg:$0x2];
	[bflag:$0x3] =	sbarrier.arrive $0xFFFF;
	s2 =	simm.s32 @!p0 $0x1C04  }
0x296: {  	[timem:s3], [sflag:s2] =	dma.local @!p0 [hbm:s0], s1  }
0x297: {  	s0 =	simm.s32 @!p0 $0x4  }
0x298: {  	_ =	swait.ge @!p0 [sflag:s0], s1  }
0x299: {  	s1 =	ssub.s32 @!p0 $0x0, s1;
	[sflag:s0] =	ssyncset.done @!p0 $0x0  }
0x29a: {  	[sflag:s0] =	ssyncadd.s32 @!p0 s1  }
0x29b: {  	[bflag:$0x3] =	sbarrier.arrive $0xFFFF  }
0x29c: {  	_ =	shalt  }

// kernel: kernel.7.cloned.1.call-start
scs
__scs_entry_jumppad:
0x0: {  	(pc) =	sbr.rel $0x88, $3  }
0x1: {  	(tag) =	ssettag $0x0;
	lr =	simm.s32 $0x1  }
0x2: {  	[smem:$0x3F94] =	sst lr;
	_ =	strace $0xD0000000  }
0x3: {  	_ = 	snop  }
0x4: {  	_ = 	snop  }
0x5: {  	_ = 	snop  }
0x6: {  	_ = 	snop  }
0x7: {  	_ = 	snop  }
__scs_overlays_trampoline_lowered:
0x8: {  	[smem:$0x3FA3] =	sst s0  }
0x9: {  	[smem:$0x3FA4] =	sst s1  }
0xa: {  	[smem:$0x3FA5] =	sst s2  }
0xb: {  	[smem:$0x3FA6] =	sst s3  }
0xc: {  	[smem:$0x3FA7] =	sst s4  }
0xd: {  	[smem:$0x3FA8] =	sst s5  }
0xe: {  	[smem:$0x3FA9] =	sst s6  }
0xf: {  	[smem:$0x3FAA] =	sst s7  }
0x10: {  	[smem:$0x3FAB] =	sst s8  }
0x11: {  	[smem:$0x3FAC] =	sst s9;
	s0 =	simm.s32 @!p0 $0x0  }
0x12: {  	s1 =	sld [smem:$0x3F92];
	s0 =	simm.s32 @p0 $0x1  }
0x13: {  	[smem:$0x3FAD] =	sst s0;
	s0 =	simm.s32 @!p1 $0x0  }
0x14: {  	s2 =	sld [smem:$0x3F91];
	s0 =	simm.s32 @p1 $0x1  }
0x15: {  	[smem:$0x3FAE] =	sst s0;
	s0 =	simm.s32 @!p2 $0x0  }
0x16: {  	s3 =	sld [smem:$0x3FDB];
	s0 =	simm.s32 @p2 $0x1  }
0x17: {  	s4 =	simm.s32 $0x1BF5;
	[smem:$0x3FB0] =	sst s0  }
0x18: {  	s0 =	sld [smem:$0x3F93];
	_ =	swait.ge [sflag:s4], $0x0  }
0x19: {  	s7 =	sld [smem:$0x3F94]  }
0x1a: {  	s8 =	sadd.s32 $0xFFFFE003, lr  }
0x1b: {  	s9 =	sadd.s32 $0xFFFFFEF7, lr;
	s5 =	simm.s32 $0xFFFFFFFF;
	p2 =	slt.u32 s8, $0xFFFFF086  }
0x1c: {  	p1 =	slt.u32 s9, $0xF7A;
	s5 =	simm.s32 @!p2 $0x0  }
0x1d: {  	s5 =	simm.s32 @p1 $0x1;
	p0 =	seq.s32 s7, s2  }
0x1e: {  	s7 =	smul.u32 @!p0 $0xF7A, s2;
	p2 =	seq.s32 @!p0 s5, $0x0  }
0x1f: {  	s9 =	smul.u32 $0xF7A, s1;
	s8 =	simm.s32 @!p0 $0x1BF5;
	p2 =	por !p2, p0  }
0x20: {  	[sflag:s8] =	ssyncset.s32 @!p0 $0xFFFFF086;
	s6 =	sadd.s32 @!p0 s3, s7;
	s7 =	simm.s32 @!p0 $0x108  }
0x21: {  	s3 =	sadd.s32 s3, s9;
	s6 =	sadd.s32 @!p0 $0x88, s6;
	s7 =	simm.s32 @p2 $0x1082  }
0x22: {  	[simem:s7], [sflag:s8] =	dma.local @!p0 [hbm:s6], $0xF7A  }
0x23: {  	s9 =	sor.u32 $0xD0000000, s2;
	s6 =	simm.s32 $0x108;
	_ =	swait.ge @!p0 [sflag:s8], $0x0  }
0x24: {  	s3 =	sadd.s32 $0x88, s3;
	s6 =	simm.s32 @!p1 $0x1082;
	[sflag:s4] =	ssyncset.s32 $0xFFFFF086  }
0x25: {  	[simem:s6], [sflag:s4] =	dma.local [hbm:s3], $0xF7A  }
0x26: {  	[smem:$0x3F94] =	sst s1;
	(tag) =	ssettag s2;
	_ =	strace s9  }
0x27: {  	s1 =	sld [smem:$0x3FA4]  }
0x28: {  	s2 =	sld [smem:$0x3FA5]  }
0x29: {  	s4 =	sld [smem:$0x3FA7]  }
0x2a: {  	p0 =	seq.s32 s5, $0x0;
	s5 =	sld [smem:$0x3FA8]  }
0x2b: {  	s6 =	sld [smem:$0x3FA9]  }
0x2c: {  	s7 =	sld [smem:$0x3FAA]  }
0x2d: {  	s3 =	simm.s32 $0x108;
	s8 =	sld [smem:$0x3FAB]  }
0x2e: {  	s3 =	simm.s32 @!p0 $0x1082;
	s9 =	sld [smem:$0x3FAC]  }
0x2f: {  	lr =	sadd.s32 s0, s3;
	s0 =	sld [smem:$0x3FA3]  }
0x30: {  	s3 =	sld [smem:$0x3FA6]  }
0x31: {  	[smem:$0x3FAF] =	sst s10  }
0x32: {  	s10 =	sld [smem:$0x3FAD];
	_ =	sdelay $0x3  }
0x33: {  	p0 =	seq.s32 s10, $0x1;
	s10 =	sld [smem:$0x3FAF];
	_ =	sdelay $0x3  }
0x34: {  	[smem:$0x3FAF] =	sst s10  }
0x35: {  	s10 =	sld [smem:$0x3FAE];
	_ =	sdelay $0x3  }
0x36: {  	p1 =	seq.s32 s10, $0x1;
	s10 =	sld [smem:$0x3FAF];
	_ =	sdelay $0x3  }
0x37: {  	[smem:$0x3FAF] =	sst s10  }
0x38: {  	s10 =	sld [smem:$0x3FB0]  }
0x39: {  	_ = 	snop;
	(pc) =	sbr.ind lr, $3  }
0x3a: {  	_ = 	snop  }
0x3b: {  	_ = 	snop  }
0x3c: {  	p2 =	seq.s32 s10, $0x1;
	s10 =	sld [smem:$0x3FAF]  }
0x3d: {  	_ =	shalt  }
0x3e: {  	_ =	shalt  }
0x3f: {  	_ =	shalt  }
0x40: {  	_ =	shalt  }
0x41: {  	_ =	shalt  }
0x42: {  	_ =	shalt  }
0x43: {  	_ =	shalt  }
0x44: {  	_ =	shalt  }
0x45: {  	_ =	shalt  }
0x46: {  	_ =	shalt  }
0x47: {  	_ =	shalt  }
0x48: {  	_ =	shalt  }
0x49: {  	_ =	shalt  }
0x4a: {  	_ =	shalt  }
0x4b: {  	_ =	shalt  }
0x4c: {  	_ =	shalt  }
0x4d: {  	_ =	shalt  }
0x4e: {  	_ =	shalt  }
0x4f: {  	_ =	shalt  }
0x50: {  	_ =	shalt  }
0x51: {  	_ =	shalt  }
0x52: {  	_ =	shalt  }
0x53: {  	_ =	shalt  }
0x54: {  	_ =	shalt  }
0x55: {  	_ =	shalt  }
0x56: {  	_ =	shalt  }
0x57: {  	_ =	shalt  }
0x58: {  	_ =	shalt  }
0x59: {  	_ =	shalt  }
0x5a: {  	_ =	shalt  }
0x5b: {  	_ =	shalt  }
0x5c: {  	_ =	shalt  }
0x5d: {  	_ =	shalt  }
0x5e: {  	_ =	shalt  }
0x5f: {  	_ =	shalt  }
0x60: {  	_ =	shalt  }
0x61: {  	_ =	shalt  }
0x62: {  	_ =	shalt  }
0x63: {  	_ =	shalt  }
0x64: {  	_ =	shalt  }
0x65: {  	_ =	shalt  }
0x66: {  	_ =	shalt  }
0x67: {  	_ =	shalt  }
0x68: {  	_ =	shalt  }
0x69: {  	_ =	shalt  }
0x6a: {  	_ =	shalt  }
0x6b: {  	_ =	shalt  }
0x6c: {  	_ =	shalt  }
0x6d: {  	_ =	shalt  }
0x6e: {  	_ =	shalt  }
0x6f: {  	_ =	shalt  }
0x70: {  	_ =	shalt  }
0x71: {  	_ =	shalt  }
0x72: {  	_ =	shalt  }
0x73: {  	_ =	shalt  }
0x74: {  	_ =	shalt  }
0x75: {  	_ =	shalt  }
0x76: {  	_ =	shalt  }
0x77: {  	_ =	shalt  }
0x78: {  	_ =	shalt  }
0x79: {  	_ =	shalt  }
0x7a: {  	_ =	shalt  }
0x7b: {  	_ =	shalt  }
0x7c: {  	_ =	shalt  }
0x7d: {  	_ =	shalt  }
0x7e: {  	_ =	shalt  }
0x7f: {  	_ =	shalt  }
0x80: {  	_ =	shalt  }
0x81: {  	_ =	shalt  }
0x82: {  	_ =	shalt  }
0x83: {  	_ =	shalt  }
0x84: {  	_ =	shalt  }
0x85: {  	_ =	shalt  }
0x86: {  	_ =	shalt  }
0x87: {  	_ =	shalt  }
.Lfunc_end0:
.L_simem_size_0:
called_computation_lowered:
.L_overlay_start_0:
0x88: {  	s2 =	sld [smem:$0x3FD9]  }
0x89: {  	s3 =	sld [smem:$0x3FFE];
	_ =	sdelay $0x1  }
0x8a: {  	s1 =	srdreg.scid  }
0x8b: {  	s0 =	sand.u32 $0x1, s1  }
0x8c: {  	s14 =	sshll.u32 s0, $0xA;
	s2 =	sadd.s32 s3, s2  }
0x8d: {  	s2 =	sadd.s32 s2, s14  }
0x8e: {  	[smem:$0x3FBB] =	sst s2  }
0x8f: {  	_ = 	snop  }
0x90: {  	s2 =	sld [smem:$0x3FD0];
	_ =	sdelay $0x2  }
0x91: {  	s15 =	simm.s32 $0xA;
	s4 =	simm.s32 $0x10  }
0x92: {  	[smem:s4], [sflag:s15] =	dma.local [hbm:s2], $0x1  }
0x93: {  	_ =	swait.eq [sflag:s15], $0x1  }
0x94: {  	[sflag:s15] =	ssyncset.done $0x0  }
0x95: {  	s16 =	sld [smem:$0x10];
	[sflag:s15] =	ssyncadd.s32 $0xFFFFFFFF  }
0x96: {  	s17 =	sld [smem:$0x11];
	(tm) =	ssettm $0x1  }
0x97: {  	s18 =	sld [smem:$0x3FFB];
	_ =	sdelay $0x3  }
0x98: {  	_ =	strace s18  }
0x99: {  	s4 =	sld [smem:$0x3FFC];
	_ =	sdelay $0x3  }
0x9a: {  	_ =	strace s4  }
0x9b: {  	s4 =	sld [smem:$0x3FFD];
	_ =	sdelay $0x3  }
0x9c: {  	_ =	strace s4  }
0x9d: {  	_ =	strace $0x8FFFFFFF  }
0x9e: {  	s19 =	sld [smem:$0x3FDB];
	_ =	sdelay $0x1  }
0x9f: {  	s5 =	simm.s32 $_scs_section_size  }
0xa0: {  	s6 =	simm.s32 $_size__tile_overlayer_lowered;
	s7 =	simm.s32 $_tile_overlayer_lowered  }
0xa1: {  	s22 =	simm.s32 $0x1BFF;
	s21 =	sshll.u32 s7, $0x1;
	s4 =	sadd.s32 s5, s19  }
0xa2: {  	s8 =	simm.s32 $0x0;
	s20 =	sshll.u32 s6, $0x1;
	s6 =	sadd.s32 s21, s4  }
0xa3: {  	[timem:s8], [sflag:s22] =	dma.local [hbm:s6], s20  }
0xa4: {  	_ =	swait.ge [sflag:s22], s20  }
0xa5: {  	s5 =	ssub.s32 $0x0, s20;
	[sflag:s22] =	ssyncset.done $0x0  }
0xa6: {  	[sflag:s22] =	ssyncadd.s32 s5;
	_ =	sdelay $0x1  }
0xa7: {  	s23 =	simm.s32 $0x1B8B  }
0xa8: {  	_ =	swait.ge [sflag:s23], $0x1  }
0xa9: {  	[sflag:s23] =	ssyncset.done $0x0  }
0xaa: {  	s25 =	simm.s32 $0x1B8E;
	s24 =	sld [smem:$0x3FFE];
	[sflag:s23] =	ssyncadd.s32 $0xFFFFFFFF  }
0xab: {  	s26 =	simm.s32 $execute0_lowered;
	[smem:$0x3FD2] =	sst s25  }
0xac: {  	s6 =	sshll.u32 s26, $0x1;
	_ =	strace $0x80000046;
	[dreg:$0x1] =	wrdreg $0xFFFFFFFF  }
0xad: {  	s28 =	simm.s32 $_size_execute0_lowered;
	s4 =	sadd.s32 s4, s6;
	[dreg:$0x0] =	wrdreg $0x0  }
0xae: {  	s6 =	sshll.u32 s28, $0x1;
	[dreg:$0x2] =	wrdreg s4  }
0xaf: {  	[dreg:$0x3] =	wrdreg s6  }
0xb0: {  	[dreg:$0x4] =	wrdreg $0xC0  }
0xb1: {  	_ =	task [dreg:s8], $0x5FFFF  }
0xb2: {  	[dreg:$0x1] =	wrdreg $0xFFFFFFFF  }
0xb3: {  	[dreg:$0x0] =	wrdreg $0x60  }
0xb4: {  	[dreg:$0x2] =	wrdreg s16  }
0xb5: {  	[dreg:$0x3] =	wrdreg s17  }
0xb6: {  	[dreg:$0x4] =	wrdreg s24  }
0xb7: {  	[dreg:$0x5] =	wrdreg $0x9  }
0xb8: {  	_ =	task.clear_ibuf [dreg:s8], $0x6FFFF;
	_ =	strace $0x90000046  }
0xb9: {  	s29 =	simm.s32 $0x9;
	_ =	strace $0x80000048  }
0xba: {  	_ =	swait.ge [sflag:s29], $0x1  }
0xbb: {  	[sflag:s29] =	ssyncadd.s32 $0xFFFFFFFF  }
0xbc: {  	_ =	strace $0x90000048  }
0xbd: {  	_ =	sfence  }
0xbe: {  	s30 =	sld [smem:$0x0];
	_ =	sdelay $0x2  }
0xbf: {  	s31 =	sshll.u32 s1, $0xD;
	s1 =	sshrl.u32 s1, $0x2  }
0xc0: {  	s3 =	sand.u32 $0x4000, s31;
	s1 =	sadd.s32 s1, s30  }
0xc1: {  	s0 =	sor.u32 s3, s0;
	s1 =	sshll.u32 s1, $0x11  }
0xc2: {  	s0 =	sor.u32 s1, s0  }
0xc3: {  	s0 =	sadd.s32 $0x8F2B, s0  }
0xc4: {  	[sflag:s0] =	ssyncadd.remote.s32 $0x1  }
0xc5: {  	_ =	sfence.sel $0xFFFF  }
0xc6: {  	[dreg:$0x0] =	wrdreg $0xFFFFFFFF;
	(pc) =	sbr.abs _section_cstart, $3  }
0xc7: {  	[dreg:$0x1] =	wrdreg $0xFFFFFFFF  }
0xc8: {  	_ =	task.clear_ibuf [dreg:s8], $0x2FFFF;
	_ =	strace $0x9FFFFFFF  }
0xc9: {  	(tm) =	ssettm $0x7FFFFFFF  }
tec
execute0_lowered:
.L_overlay_start_1:
0x0: {  	(tag) =	ssettag $0x1  }
0x1: {  	s1 =	rddreg [dreg:$0x0]  }
0x2: {  	s2 =	rddreg [dreg:$0x1]  }
0x3: {  	s0 =	rddreg [dreg:$0x2]  }
0x4: {  	s3 =	simm.s32 $0x0;
	s29 =	srdreg.scid;
	s7 =	stileid.u32  }
0x5: {  	s10 =	simm.s32 $0x3;
	s12 =	simm.s32 $0x100;
	s31 =	simm.s32 $0x9100  }
0x6: {  	s11 =	simm.s32 $0xB900;
	s13 =	simm.s32 $0xC100;
	s14 =	simm.s32 $0xC900  }
0x7: {  	s15 =	simm.s32 $0xD100;
	s16 =	simm.s32 $0xD900;
	s17 =	simm.s32 $0xE100  }
0x8: {  	s18 =	simm.s32 $0xE900;
	s19 =	simm.s32 $0xF100;
	s20 =	simm.s32 $0xF900  }
0x9: {  	s21 =	simm.s32 $0x1;
	s22 =	simm.s32 $0x2;
	s24 =	simm.s32 $0x0  }
0xa: {  	[smem:$0x7FF] =	sst s3;
	s3 =	sand.u32 $0x1, s29;
	s5 =	sadd.s32 $0xBC00, s0  }
0xb: {  	s6 =	sadd.s32 $0x15000, s0;
	s9 =	sshll.u32 s7, $0x1;
	s4 =	ssub.s32 $0x2, s3  }
0xc: {  	s7 =	sadd.s32 $0x1E400, s0;
	_ =	strace $0x80000047;
	s8 =	sshrl.u32 s4, $0x1  }
0xd: {  	v2 =	vlaneseq.u32;
	s3 =	sor.u32 s3, s9;
	s9 =	simm.s32 $0xA900;
	s30 =	ssub.s32 s4, s8  }
0xe: {  	vm0 =	vmmov $0xffff;
	v1 =	vshrl.u32 v2, $0x3;
	s8 =	smul.u32 $0x2500, s3;
	s4 =	simm.s32 $0xA100;
	s0 =	smax.u32 s30, $0x1  }
0xf: {  	v0 =	vand.u32 $0x7, v2;
	v2 =	vor.u32 $0x8, v2;
	v1 =	vmul.u32 $0x8, v1;
	s3 =	simm.s32 $0xB100;
	[dreg:$0x4] =	wrdreg s0;
	s0 =	simm.s32 $0x9900  }
.LBB2_1:
0x10: {  	[dreg:$0x5] =	wrdreg s24;
	s23 =	simm.s32 $0x0  }
.LBB2_2:
0x11: {  	s24 =	sshll.u32 s23, $0x7  }
0x12: {  	s24 =	sadd.s32 s8, s24  }
0x13: {  	s26 =	sshrl.u32 s24, $0x3  }
0x14: {  	s25 =	simm.s32 $0x0;
	s28 =	sadd.s32 s5, s26  }
0x15: {  	[tilespmem:s25], [sflag:$0x3] =	stream.linear.gather [hbm4b:s28+s25], $0x80, $0x38;
	[tilespmem:$0x10100] =	vst v63  }
0x16: {  	_ =	swait.ge [sflag:s10], $0x80  }
0x17: {  	[sflag:s10] =	ssyncset.done $0x0  }
0x18: {  	s26 =	sadd.s32 s6, s26;
	s28 =	simm.s32 $0x80;
	[sflag:s10] =	ssyncadd.s32 $0xFFFFFF80  }
0x19: {  	[tilespmem:s28], [sflag:$0x3] =	stream.linear.gather [hbm4b:s26+s25], $0x80, $0x38;
	[tilespmem:$0x10100] =	vst v63  }
0x1a: {  	_ =	swait.ge [sflag:s10], $0x80  }
0x1b: {  	[sflag:s10] =	ssyncset.done $0x0  }
0x1c: {  	[sflag:s10] =	ssyncadd.s32 $0xFFFFFF80  }
0x1d: {  	v3 =	vld [tilespmem:$0x0];
	_ =	sdelay $0x4  }
0x1e: {  	v4 =	vshll.u32 v3, $0x1  }
0x1f: {  	v3 =	vand.u32 $0x7, v3;
	v4 =	vand.u32 $0xFFFFFFF0, v4  }
0x20: {  	v3 =	vor.u32 v3, v4  }
0x21: {  	v4 =	vperm.xlane v3, v0;
	_ =	sdelay $0x1  }
0x22: {  	v3 =	vperm.xlane v3, v2;
	v4 =	vadd.s32 v1, v4;
	_ =	sdelay $0x1  }
0x23: {  	v3 =	vadd.s32 v1, v3;
	_ =	sdelay $0x2  }
0x24: {  	[tilespmem:s12], [sflag:$0x1] =	stream.indirect_vreg.gather [hbm4b:s1+s25], $0x80, v4, vm0, $0xb8;
	[tilespmem:$0x10100] =	vst v63  }
0x25: {  	s29 =	simm.s32 $0x900  }
0x26: {  	[tilespmem:s29], [sflag:$0x1] =	stream.indirect_vreg.gather [hbm4b:s1+s25], $0x80, v3, vm0, $0xb8;
	[tilespmem:$0x10100] =	vst v63  }
0x27: {  	v3 =	vld [tilespmem:$0x10];
	_ =	sdelay $0x4  }
0x28: {  	v4 =	vshll.u32 v3, $0x1  }
0x29: {  	v3 =	vand.u32 $0x7, v3;
	v4 =	vand.u32 $0xFFFFFFF0, v4  }
0x2a: {  	v3 =	vor.u32 v3, v4  }
0x2b: {  	v4 =	vperm.xlane v3, v0;
	_ =	sdelay $0x1  }
0x2c: {  	v3 =	vperm.xlane v3, v2;
	v4 =	vadd.s32 v1, v4;
	_ =	sdelay $0x1  }
0x2d: {  	v3 =	vadd.s32 v1, v3;
	_ =	sdelay $0x1  }
0x2e: {  	s30 =	simm.s32 $0x1100  }
0x2f: {  	[tilespmem:s30], [sflag:$0x1] =	stream.indirect_vreg.gather [hbm4b:s1+s25], $0x80, v4, vm0, $0xb8;
	[tilespmem:$0x10100] =	vst v63  }
0x30: {  	s29 =	simm.s32 $0x1900  }
0x31: {  	[tilespmem:s29], [sflag:$0x1] =	stream.indirect_vreg.gather [hbm4b:s1+s25], $0x80, v3, vm0, $0xb8;
	[tilespmem:$0x10100] =	vst v63  }
0x32: {  	v3 =	vld [tilespmem:$0x20];
	_ =	sdelay $0x4  }
0x33: {  	v4 =	vshll.u32 v3, $0x1  }
0x34: {  	v3 =	vand.u32 $0x7, v3;
	v4 =	vand.u32 $0xFFFFFFF0, v4  }
0x35: {  	v3 =	vor.u32 v3, v4  }
0x36: {  	v4 =	vperm.xlane v3, v0;
	_ =	sdelay $0x1  }
0x37: {  	v3 =	vperm.xlane v3, v2;
	v4 =	vadd.s32 v1, v4;
	_ =	sdelay $0x1  }
0x38: {  	v3 =	vadd.s32 v1, v3;
	_ =	sdelay $0x1  }
0x39: {  	s30 =	simm.s32 $0x2100  }
0x3a: {  	[tilespmem:s30], [sflag:$0x1] =	stream.indirect_vreg.gather [hbm4b:s1+s25], $0x80, v4, vm0, $0xb8;
	[tilespmem:$0x10100] =	vst v63  }
0x3b: {  	s29 =	simm.s32 $0x2900  }
0x3c: {  	[tilespmem:s29], [sflag:$0x1] =	stream.indirect_vreg.gather [hbm4b:s1+s25], $0x80, v3, vm0, $0xb8;
	[tilespmem:$0x10100] =	vst v63  }
0x3d: {  	v3 =	vld [tilespmem:$0x30];
	_ =	sdelay $0x4  }
0x3e: {  	v4 =	vshll.u32 v3, $0x1  }
0x3f: {  	v3 =	vand.u32 $0x7, v3;
	v4 =	vand.u32 $0xFFFFFFF0, v4  }
0x40: {  	v3 =	vor.u32 v3, v4  }
0x41: {  	v4 =	vperm.xlane v3, v0;
	_ =	sdelay $0x1  }
0x42: {  	v3 =	vperm.xlane v3, v2;
	v4 =	vadd.s32 v1, v4;
	_ =	sdelay $0x1  }
0x43: {  	v3 =	vadd.s32 v1, v3;
	_ =	sdelay $0x1  }
0x44: {  	s30 =	simm.s32 $0x3100  }
0x45: {  	[tilespmem:s30], [sflag:$0x1] =	stream.indirect_vreg.gather [hbm4b:s1+s25], $0x80, v4, vm0, $0xb8;
	[tilespmem:$0x10100] =	vst v63  }
0x46: {  	s29 =	simm.s32 $0x3900  }
0x47: {  	[tilespmem:s29], [sflag:$0x1] =	stream.indirect_vreg.gather [hbm4b:s1+s25], $0x80, v3, vm0, $0xb8;
	[tilespmem:$0x10100] =	vst v63  }
0x48: {  	v3 =	vld [tilespmem:$0x40];
	_ =	sdelay $0x4  }
0x49: {  	v4 =	vshll.u32 v3, $0x1  }
0x4a: {  	v3 =	vand.u32 $0x7, v3;
	v4 =	vand.u32 $0xFFFFFFF0, v4  }
0x4b: {  	v3 =	vor.u32 v3, v4  }
0x4c: {  	v4 =	vperm.xlane v3, v0;
	_ =	sdelay $0x1  }
0x4d: {  	v3 =	vperm.xlane v3, v2;
	v4 =	vadd.s32 v1, v4;
	_ =	sdelay $0x1  }
0x4e: {  	v3 =	vadd.s32 v1, v3;
	_ =	sdelay $0x1  }
0x4f: {  	s30 =	simm.s32 $0x4100  }
0x50: {  	[tilespmem:s30], [sflag:$0x1] =	stream.indirect_vreg.gather [hbm4b:s1+s25], $0x80, v4, vm0, $0xb8;
	[tilespmem:$0x10100] =	vst v63  }
0x51: {  	s29 =	simm.s32 $0x4900  }
0x52: {  	[tilespmem:s29], [sflag:$0x1] =	stream.indirect_vreg.gather [hbm4b:s1+s25], $0x80, v3, vm0, $0xb8;
	[tilespmem:$0x10100] =	vst v63  }
0x53: {  	v3 =	vld [tilespmem:$0x50];
	_ =	sdelay $0x4  }
0x54: {  	v4 =	vshll.u32 v3, $0x1  }
0x55: {  	v3 =	vand.u32 $0x7, v3;
	v4 =	vand.u32 $0xFFFFFFF0, v4  }
0x56: {  	v3 =	vor.u32 v3, v4  }
0x57: {  	v4 =	vperm.xlane v3, v0;
	_ =	sdelay $0x1  }
0x58: {  	v3 =	vperm.xlane v3, v2;
	v4 =	vadd.s32 v1, v4;
	_ =	sdelay $0x1  }
0x59: {  	v3 =	vadd.s32 v1, v3;
	_ =	sdelay $0x1  }
0x5a: {  	s30 =	simm.s32 $0x5100  }
0x5b: {  	[tilespmem:s30], [sflag:$0x1] =	stream.indirect_vreg.gather [hbm4b:s1+s25], $0x80, v4, vm0, $0xb8;
	[tilespmem:$0x10100] =	vst v63  }
0x5c: {  	s29 =	simm.s32 $0x5900  }
0x5d: {  	[tilespmem:s29], [sflag:$0x1] =	stream.indirect_vreg.gather [hbm4b:s1+s25], $0x80, v3, vm0, $0xb8;
	[tilespmem:$0x10100] =	vst v63  }
0x5e: {  	v3 =	vld [tilespmem:$0x60];
	_ =	sdelay $0x4  }
0x5f: {  	v4 =	vshll.u32 v3, $0x1  }
0x60: {  	v3 =	vand.u32 $0x7, v3;
	v4 =	vand.u32 $0xFFFFFFF0, v4  }
0x61: {  	v3 =	vor.u32 v3, v4  }
0x62: {  	v4 =	vperm.xlane v3, v0;
	_ =	sdelay $0x1  }
0x63: {  	v3 =	vperm.xlane v3, v2;
	v4 =	vadd.s32 v1, v4;
	_ =	sdelay $0x1  }
0x64: {  	v3 =	vadd.s32 v1, v3;
	_ =	sdelay $0x1  }
0x65: {  	s30 =	simm.s32 $0x6100  }
0x66: {  	[tilespmem:s30], [sflag:$0x1] =	stream.indirect_vreg.gather [hbm4b:s1+s25], $0x80, v4, vm0, $0xb8;
	[tilespmem:$0x10100] =	vst v63  }
0x67: {  	s29 =	simm.s32 $0x6900  }
0x68: {  	[tilespmem:s29], [sflag:$0x1] =	stream.indirect_vreg.gather [hbm4b:s1+s25], $0x80, v3, vm0, $0xb8;
	[tilespmem:$0x10100] =	vst v63  }
0x69: {  	v3 =	vld [tilespmem:$0x70];
	_ =	sdelay $0x4  }
0x6a: {  	v4 =	vshll.u32 v3, $0x1  }
0x6b: {  	v3 =	vand.u32 $0x7, v3;
	v4 =	vand.u32 $0xFFFFFFF0, v4  }
0x6c: {  	v3 =	vor.u32 v3, v4  }
0x6d: {  	v4 =	vperm.xlane v3, v0;
	_ =	sdelay $0x1  }
0x6e: {  	v3 =	vperm.xlane v3, v2;
	v4 =	vadd.s32 v1, v4;
	_ =	sdelay $0x1  }
0x6f: {  	v3 =	vadd.s32 v1, v3;
	_ =	sdelay $0x1  }
0x70: {  	s30 =	simm.s32 $0x7100  }
0x71: {  	[tilespmem:s30], [sflag:$0x1] =	stream.indirect_vreg.gather [hbm4b:s1+s25], $0x80, v4, vm0, $0xb8;
	[tilespmem:$0x10100] =	vst v63  }
0x72: {  	s29 =	simm.s32 $0x7900  }
0x73: {  	[tilespmem:s29], [sflag:$0x1] =	stream.indirect_vreg.gather [hbm4b:s1+s25], $0x80, v3, vm0, $0xb8;
	[tilespmem:$0x10100] =	vst v63  }
0x74: {  	v3 =	vld [tilespmem:$0x80];
	_ =	sdelay $0x4  }
0x75: {  	v4 =	vshll.u32 v3, $0x1  }
0x76: {  	v3 =	vand.u32 $0x7, v3;
	v4 =	vand.u32 $0xFFFFFFF0, v4  }
0x77: {  	v3 =	vor.u32 v3, v4  }
0x78: {  	v4 =	vperm.xlane v3, v0;
	_ =	sdelay $0x1  }
0x79: {  	v3 =	vperm.xlane v3, v2;
	v4 =	vadd.s32 v1, v4;
	_ =	sdelay $0x1  }
0x7a: {  	v3 =	vadd.s32 v1, v3;
	_ =	sdelay $0x1  }
0x7b: {  	s30 =	simm.s32 $0x8100  }
0x7c: {  	[tilespmem:s30], [sflag:$0x2] =	stream.indirect_vreg.gather [hbm4b:s2+s25], $0x80, v4, vm0, $0xb8;
	[tilespmem:$0x10100] =	vst v63  }
0x7d: {  	s29 =	simm.s32 $0x8900  }
0x7e: {  	[tilespmem:s29], [sflag:$0x2] =	stream.indirect_vreg.gather [hbm4b:s2+s25], $0x80, v3, vm0, $0xb8;
	[tilespmem:$0x10100] =	vst v63  }
0x7f: {  	v3 =	vld [tilespmem:$0x90];
	_ =	sdelay $0x4  }
0x80: {  	v4 =	vshll.u32 v3, $0x1  }
0x81: {  	v3 =	vand.u32 $0x7, v3;
	v4 =	vand.u32 $0xFFFFFFF0, v4  }
0x82: {  	v3 =	vor.u32 v3, v4  }
0x83: {  	v4 =	vperm.xlane v3, v0;
	_ =	sdelay $0x1  }
0x84: {  	v3 =	vperm.xlane v3, v2;
	v4 =	vadd.s32 v1, v4;
	_ =	sdelay $0x1  }
0x85: {  	v3 =	vadd.s32 v1, v3;
	_ =	sdelay $0x2  }
0x86: {  	[tilespmem:s31], [sflag:$0x2] =	stream.indirect_vreg.gather [hbm4b:s2+s25], $0x80, v4, vm0, $0xb8;
	[tilespmem:$0x10100] =	vst v63  }
0x87: {  	_ = 	snop  }
0x88: {  	[tilespmem:s0], [sflag:$0x2] =	stream.indirect_vreg.gather [hbm4b:s2+s25], $0x80, v3, vm0, $0xb8;
	[tilespmem:$0x10100] =	vst v63  }
0x89: {  	v3 =	vld [tilespmem:$0xA0];
	_ =	sdelay $0x4  }
0x8a: {  	v4 =	vshll.u32 v3, $0x1  }
0x8b: {  	v3 =	vand.u32 $0x7, v3;
	v4 =	vand.u32 $0xFFFFFFF0, v4  }
0x8c: {  	v3 =	vor.u32 v3, v4  }
0x8d: {  	v4 =	vperm.xlane v3, v0;
	_ =	sdelay $0x1  }
0x8e: {  	v3 =	vperm.xlane v3, v2;
	v4 =	vadd.s32 v1, v4;
	_ =	sdelay $0x1  }
0x8f: {  	v3 =	vadd.s32 v1, v3;
	_ =	sdelay $0x2  }
0x90: {  	[tilespmem:s4], [sflag:$0x2] =	stream.indirect_vreg.gather [hbm4b:s2+s25], $0x80, v4, vm0, $0xb8;
	[tilespmem:$0x10100] =	vst v63  }
0x91: {  	_ = 	snop  }
0x92: {  	[tilespmem:s9], [sflag:$0x2] =	stream.indirect_vreg.gather [hbm4b:s2+s25], $0x80, v3, vm0, $0xb8;
	[tilespmem:$0x10100] =	vst v63  }
0x93: {  	v3 =	vld [tilespmem:$0xB0];
	_ =	sdelay $0x4  }
0x94: {  	v4 =	vshll.u32 v3, $0x1  }
0x95: {  	v3 =	vand.u32 $0x7, v3;
	v4 =	vand.u32 $0xFFFFFFF0, v4  }
0x96: {  	v3 =	vor.u32 v3, v4  }
0x97: {  	v4 =	vperm.xlane v3, v0;
	_ =	sdelay $0x1  }
0x98: {  	v3 =	vperm.xlane v3, v2;
	v4 =	vadd.s32 v1, v4;
	_ =	sdelay $0x1  }
0x99: {  	v3 =	vadd.s32 v1, v3;
	_ =	sdelay $0x2  }
0x9a: {  	[tilespmem:s3], [sflag:$0x2] =	stream.indirect_vreg.gather [hbm4b:s2+s25], $0x80, v4, vm0, $0xb8;
	[tilespmem:$0x10100] =	vst v63  }
0x9b: {  	_ = 	snop  }
0x9c: {  	[tilespmem:s11], [sflag:$0x2] =	stream.indirect_vreg.gather [hbm4b:s2+s25], $0x80, v3, vm0, $0xb8;
	[tilespmem:$0x10100] =	vst v63  }
0x9d: {  	v3 =	vld [tilespmem:$0xC0];
	_ =	sdelay $0x4  }
0x9e: {  	v4 =	vshll.u32 v3, $0x1  }
0x9f: {  	v3 =	vand.u32 $0x7, v3;
	v4 =	vand.u32 $0xFFFFFFF0, v4  }
0xa0: {  	v3 =	vor.u32 v3, v4  }
0xa1: {  	v4 =	vperm.xlane v3, v0;
	_ =	sdelay $0x1  }
0xa2: {  	v3 =	vperm.xlane v3, v2;
	v4 =	vadd.s32 v1, v4;
	_ =	sdelay $0x1  }
0xa3: {  	v3 =	vadd.s32 v1, v3;
	_ =	sdelay $0x2  }
0xa4: {  	[tilespmem:s13], [sflag:$0x2] =	stream.indirect_vreg.gather [hbm4b:s2+s25], $0x80, v4, vm0, $0xb8;
	[tilespmem:$0x10100] =	vst v63  }
0xa5: {  	_ = 	snop  }
0xa6: {  	[tilespmem:s14], [sflag:$0x2] =	stream.indirect_vreg.gather [hbm4b:s2+s25], $0x80, v3, vm0, $0xb8;
	[tilespmem:$0x10100] =	vst v63  }
0xa7: {  	v3 =	vld [tilespmem:$0xD0];
	_ =	sdelay $0x4  }
0xa8: {  	v4 =	vshll.u32 v3, $0x1  }
0xa9: {  	v3 =	vand.u32 $0x7, v3;
	v4 =	vand.u32 $0xFFFFFFF0, v4  }
0xaa: {  	v3 =	vor.u32 v3, v4  }
0xab: {  	v4 =	vperm.xlane v3, v0;
	_ =	sdelay $0x1  }
0xac: {  	v3 =	vperm.xlane v3, v2;
	v4 =	vadd.s32 v1, v4;
	_ =	sdelay $0x1  }
0xad: {  	v3 =	vadd.s32 v1, v3;
	_ =	sdelay $0x2  }
0xae: {  	[tilespmem:s15], [sflag:$0x2] =	stream.indirect_vreg.gather [hbm4b:s2+s25], $0x80, v4, vm0, $0xb8;
	[tilespmem:$0x10100] =	vst v63  }
0xaf: {  	_ = 	snop  }
0xb0: {  	[tilespmem:s16], [sflag:$0x2] =	stream.indirect_vreg.gather [hbm4b:s2+s25], $0x80, v3, vm0, $0xb8;
	[tilespmem:$0x10100] =	vst v63  }
0xb1: {  	v3 =	vld [tilespmem:$0xE0];
	_ =	sdelay $0x4  }
0xb2: {  	v4 =	vshll.u32 v3, $0x1  }
0xb3: {  	v3 =	vand.u32 $0x7, v3;
	v4 =	vand.u32 $0xFFFFFFF0, v4  }
0xb4: {  	v3 =	vor.u32 v3, v4  }
0xb5: {  	v4 =	vperm.xlane v3, v0;
	_ =	sdelay $0x1  }
0xb6: {  	v3 =	vperm.xlane v3, v2;
	v4 =	vadd.s32 v1, v4;
	_ =	sdelay $0x1  }
0xb7: {  	v3 =	vadd.s32 v1, v3;
	_ =	sdelay $0x2  }
0xb8: {  	[tilespmem:s17], [sflag:$0x2] =	stream.indirect_vreg.gather [hbm4b:s2+s25], $0x80, v4, vm0, $0xb8;
	[tilespmem:$0x10100] =	vst v63  }
0xb9: {  	_ = 	snop  }
0xba: {  	[tilespmem:s18], [sflag:$0x2] =	stream.indirect_vreg.gather [hbm4b:s2+s25], $0x80, v3, vm0, $0xb8;
	[tilespmem:$0x10100] =	vst v63  }
0xbb: {  	v3 =	vld [tilespmem:$0xF0];
	_ =	sdelay $0x4  }
0xbc: {  	v4 =	vshll.u32 v3, $0x1  }
0xbd: {  	v3 =	vand.u32 $0x7, v3;
	v4 =	vand.u32 $0xFFFFFFF0, v4  }
0xbe: {  	v3 =	vor.u32 v3, v4  }
0xbf: {  	v4 =	vperm.xlane v3, v0;
	_ =	sdelay $0x1  }
0xc0: {  	v3 =	vperm.xlane v3, v2;
	v4 =	vadd.s32 v1, v4;
	_ =	sdelay $0x1  }
0xc1: {  	v3 =	vadd.s32 v1, v3;
	_ =	sdelay $0x2  }
0xc2: {  	[tilespmem:s19], [sflag:$0x2] =	stream.indirect_vreg.gather [hbm4b:s2+s25], $0x80, v4, vm0, $0xb8;
	[tilespmem:$0x10100] =	vst v63  }
0xc3: {  	_ = 	snop  }
0xc4: {  	[tilespmem:s20], [sflag:$0x2] =	stream.indirect_vreg.gather [hbm4b:s2+s25], $0x80, v3, vm0, $0xb8;
	[tilespmem:$0x10100] =	vst v63  }
0xc5: {  	_ =	swait.ge [sflag:s21], $0x8000  }
0xc6: {  	[sflag:s21] =	ssyncset.done $0x0  }
0xc7: {  	[sflag:s21] =	ssyncadd.s32 $0xFFFF8000  }
0xc8: {  	_ =	swait.ge [sflag:s22], $0x8000  }
0xc9: {  	s30 =	sand.u32 $0x7800, s25;
	s25 =	sand.u32 $0x380, s25;
	[sflag:s22] =	ssyncset.done $0x0  }
0xca: {  	s25 =	sor.u32 s25, s30;
	[sflag:s22] =	ssyncadd.s32 $0xFFFF8000  }
0xcb: {  	v10 =	vld [tilespmem:s25+$0x8100]  }
0xcc: {  	v11 =	vld [tilespmem:s25+$0x8110]  }
0xcd: {  	v12 =	vld [tilespmem:s25+$0x8120]  }
0xce: {  	v13 =	vld [tilespmem:s25+$0x8130]  }
0xcf: {  	v14 =	vld [tilespmem:s25+$0x8140]  }
0xd0: {  	v15 =	vld [tilespmem:s25+$0x8150]  }
0xd1: {  	v16 =	vld [tilespmem:s25+$0x8160]  }
0xd2: {  	v17 =	vld [tilespmem:s25+$0x8170]  }
0xd3: {  	v18 =	vld [tilespmem:s25+$0x8500]  }
0xd4: {  	v9 =	vld [tilespmem:s25+$0x8510]  }
0xd5: {  	v8 =	vld [tilespmem:s25+$0x8520]  }
0xd6: {  	v7 =	vld [tilespmem:s25+$0x8530]  }
0xd7: {  	v6 =	vld [tilespmem:s25+$0x8540]  }
0xd8: {  	v5 =	vld [tilespmem:s25+$0x8550]  }
0xd9: {  	v4 =	vld [tilespmem:s25+$0x8560]  }
0xda: {  	v3 =	vld [tilespmem:s25+$0x8570]  }
0xdb: {  	v19 =	vld [tilespmem:s25+$0x100]  }
0xdc: {  	v20 =	vld [tilespmem:s25+$0x110]  }
0xdd: {  	v21 =	vld [tilespmem:s25+$0x120]  }
0xde: {  	v22 =	vld [tilespmem:s25+$0x130]  }
0xdf: {  	v23 =	vld [tilespmem:s25+$0x140]  }
0xe0: {  	v10 =	vadd.f32 v10, v19;
	v19 =	vld [tilespmem:s25+$0x150]  }
0xe1: {  	v61 =	vld [tilespmem:s25+$0x160];
	v11 =	vadd.f32 v11, v20  }
0xe2: {  	v62 =	vld [tilespmem:s25+$0x170];
	[tilespmem:s25+$0x100] =	vst v10;
	v10 =	vadd.f32 v12, v21  }
0xe3: {  	v63 =	vld [tilespmem:s25+$0x500];
	[tilespmem:s25+$0x110] =	vst v11;
	v11 =	vadd.f32 v13, v22  }
0xe4: {  	v13 =	vld [tilespmem:s25+$0x510];
	[tilespmem:s25+$0x120] =	vst v10;
	v10 =	vadd.f32 v14, v23  }
0xe5: {  	v12 =	vld [tilespmem:s25+$0x520];
	[tilespmem:s25+$0x130] =	vst v11;
	v11 =	vadd.f32 v15, v19  }
0xe6: {  	v14 =	vadd.f32 v16, v61;
	[tilespmem:s25+$0x140] =	vst v10;
	v10 =	vld [tilespmem:s25+$0x530]  }
0xe7: {  	v16 =	vadd.f32 v17, v62;
	[tilespmem:s25+$0x150] =	vst v11;
	v11 =	vld [tilespmem:s25+$0x540]  }
0xe8: {  	s26 =	simm.s32 $0x80;
	s28 =	simm.s32 $0x100;
	v15 =	vadd.f32 v18, v63;
	[tilespmem:s25+$0x160] =	vst v14;
	v14 =	vld [tilespmem:s25+$0x550]  }
.LBB2_3:
0xe9: {  	s29 =	sand.u32 $0x7800, s28;
	s30 =	sand.u32 $0x380, s26;
	p0 =	sne.s32 s28, $0x7F00;
	[tilespmem:s25+$0x170] =	vst v16;
	v9 =	vadd.f32 v9, v13;
	v13 =	vld [tilespmem:s25+$0x560]  }
0xea: {  	s29 =	sor.u32 s30, s29;
	[tilespmem:s25+$0x500] =	vst v15;
	v8 =	vadd.f32 v8, v12;
	v12 =	vld [tilespmem:s25+$0x570]  }
0xeb: {  	v15 =	vld [tilespmem:s29+$0x8100];
	[tilespmem:s25+$0x510] =	vst v9;
	v7 =	vadd.f32 v7, v10  }
0xec: {  	v10 =	vld [tilespmem:s29+$0x8110];
	[tilespmem:s25+$0x520] =	vst v8;
	v6 =	vadd.f32 v6, v11  }
0xed: {  	v11 =	vld [tilespmem:s29+$0x8120];
	[tilespmem:s25+$0x530] =	vst v7;
	v5 =	vadd.f32 v5, v14  }
0xee: {  	v14 =	vld [tilespmem:s29+$0x8130];
	[tilespmem:s25+$0x540] =	vst v6;
	v4 =	vadd.f32 v4, v13  }
0xef: {  	v13 =	vld [tilespmem:s29+$0x8140];
	[tilespmem:s25+$0x550] =	vst v5;
	v3 =	vadd.f32 v3, v12  }
0xf0: {  	v12 =	vld [tilespmem:s29+$0x8150];
	[tilespmem:s25+$0x560] =	vst v4  }
0xf1: {  	v16 =	vld [tilespmem:s29+$0x8160];
	[tilespmem:s25+$0x570] =	vst v3;
	s25 =	smov.u32 s29  }
0xf2: {  	v17 =	vld [tilespmem:s25+$0x8170]  }
0xf3: {  	v18 =	vld [tilespmem:s25+$0x8500]  }
0xf4: {  	v9 =	vld [tilespmem:s25+$0x8510]  }
0xf5: {  	v8 =	vld [tilespmem:s25+$0x8520]  }
0xf6: {  	v7 =	vld [tilespmem:s25+$0x8530]  }
0xf7: {  	v6 =	vld [tilespmem:s25+$0x8540]  }
0xf8: {  	v5 =	vld [tilespmem:s25+$0x8550]  }
0xf9: {  	v4 =	vld [tilespmem:s25+$0x8560]  }
0xfa: {  	v3 =	vld [tilespmem:s25+$0x8570]  }
0xfb: {  	v19 =	vld [tilespmem:s25+$0x100]  }
0xfc: {  	v20 =	vld [tilespmem:s25+$0x110]  }
0xfd: {  	v21 =	vld [tilespmem:s25+$0x120]  }
0xfe: {  	v22 =	vld [tilespmem:s25+$0x130]  }
0xff: {  	v23 =	vld [tilespmem:s25+$0x140]  }
0x100: {  	v15 =	vadd.f32 v15, v19;
	v19 =	vld [tilespmem:s25+$0x150]  }
0x101: {  	v10 =	vadd.f32 v10, v20;
	v20 =	vld [tilespmem:s25+$0x160]  }
0x102: {  	[tilespmem:s25+$0x100] =	vst v15;
	v11 =	vadd.f32 v11, v21;
	v15 =	vld [tilespmem:s25+$0x170]  }
0x103: {  	[tilespmem:s25+$0x110] =	vst v10;
	v10 =	vadd.f32 v14, v22;
	v14 =	vld [tilespmem:s25+$0x500]  }
.Ltmp0:
0x104: {  	[tilespmem:s25+$0x120] =	vst v11;
	v11 =	vadd.f32 v13, v23;
	v13 =	vld [tilespmem:s25+$0x510];
	(pc) =	sbr.rel @p0 .LBB2_3-.Ltmp0, $4  }
0x105: {  	[tilespmem:s25+$0x130] =	vst v10;
	v19 =	vadd.f32 v12, v19;
	v12 =	vld [tilespmem:s25+$0x520]  }
0x106: {  	[tilespmem:s25+$0x140] =	vst v11;
	v20 =	vadd.f32 v16, v20;
	v10 =	vld [tilespmem:s25+$0x530]  }
0x107: {  	[tilespmem:s25+$0x150] =	vst v19;
	v16 =	vadd.f32 v17, v15;
	v11 =	vld [tilespmem:s25+$0x540]  }
0x108: {  	s26 =	sadd.s32 $0x80, s26;
	s28 =	sadd.s32 $0x100, s28;
	[tilespmem:s25+$0x160] =	vst v20;
	v15 =	vadd.f32 v18, v14;
	v14 =	vld [tilespmem:s25+$0x550]  }
0x109: {  	[tilespmem:s25+$0x170] =	vst v16;
	v9 =	vadd.f32 v9, v13;
	v62 =	vld [tilespmem:s25+$0x560]  }
0x10a: {  	v63 =	vld [tilespmem:s25+$0x570];
	[tilespmem:s25+$0x500] =	vst v15;
	v8 =	vadd.f32 v8, v12  }
0x10b: {  	[tilespmem:s25+$0x510] =	vst v9;
	v7 =	vadd.f32 v7, v10  }
0x10c: {  	[tilespmem:s25+$0x520] =	vst v8;
	v6 =	vadd.f32 v6, v11  }
0x10d: {  	[tilespmem:s25+$0x530] =	vst v7;
	v5 =	vadd.f32 v5, v14  }
0x10e: {  	[tilespmem:s25+$0x540] =	vst v6;
	v4 =	vadd.f32 v4, v62  }
0x10f: {  	s23 =	sadd.s32 $0x1, s23;
	v3 =	vadd.f32 v3, v63;
	[tilespmem:s25+$0x550] =	vst v5  }
0x110: {  	s24 =	sshll.u32 s24, $0x5;
	p0 =	sne.s32 s23, $0x4A;
	[tilespmem:s25+$0x560] =	vst v4  }
.Ltmp1:
0x111: {  	s30 =	simm.s32 $0x0;
	s24 =	sadd.s32 s7, s24;
	[tilespmem:s25+$0x570] =	vst v3;
	(pc) =	sbr.rel @p0 .LBB2_2-.Ltmp1, $4  }
0x112: {  	[hbm4b:s24+s30] =	stream.linear.scatter [tilespmem:s12], [sflag:$0x3], $0x8000, $0x38;
	[tilespmem:$0x10100] =	vst v63  }
0x113: {  	_ =	swait.ge [sflag:s10], $0x8000  }
0x114: {  	[sflag:s10] =	ssyncset.done $0x0  }
0x115: {  	[sflag:s10] =	ssyncadd.s32 $0xFFFF8000  }
0x116: {  	s24 =	rddreg [dreg:$0x5]  }
0x117: {  	s23 =	rddreg [dreg:$0x4];
	s24 =	sadd.s32 $0x1, s24  }
0x118: {  	p0 =	sne.s32 s24, s23  }
.Ltmp2:
0x119: {  	_ = 	snop;
	(pc) =	sbr.rel @p0 .LBB2_1-.Ltmp2, $1  }
0x11a: {  	_ =	sdelay $0x3  }
0x11b: {  	_ =	sfence.sel $0x180000  }
0x11c: {  	[bflag:$0x0] =	sbarrier.arrive $0xFFFF  }
0x11d: {  	_ =	strace $0x90000047  }
0x11e: {  	s0 =	stileid.u32;
	[bflag:$0x2] =	sbarrier.arrive $0xFFFF  }
0x11f: {  	p0 =	sne.s32 s0, $0x0;
	s0 =	rddreg [dreg:$0x3]  }
0x120: {  	s0 =	sadd.s32 @!p0 $0x100000, s0  }
0x121: {  	[sflag:s0] =	ssyncadd.tile.s32 @!p0 $0x1;
	_ =	shalt  }
.Lfunc_end2:
_tile_overlayer_lowered:
.L_overlay_start_2:
0x122: {  	(tag) =	ssettag $0x2  }
0x123: {  	s0 =	rddreg [dreg:$0x0];
	s2 =	stileid.u32  }
0x124: {  	s1 =	rddreg [dreg:$0x1];
	p0 =	sne.s32 s2, $0x0  }
0x125: {  	s3 =	rddreg [dreg:$0x2];
	[bflag:$0x3] =	sbarrier.arrive $0xFFFF;
	s2 =	simm.s32 @!p0 $0x1C03  }
0x126: {  	[timem:s3], [sflag:s2] =	dma.local @!p0 [hbm:s0], s1  }
0x127: {  	s0 =	simm.s32 @!p0 $0x3  }
0x128: {  	_ =	swait.ge @!p0 [sflag:s0], s1  }
0x129: {  	s1 =	ssub.s32 @!p0 $0x0, s1;
	[sflag:s0] =	ssyncset.done @!p0 $0x0  }
0x12a: {  	[sflag:s0] =	ssyncadd.s32 @!p0 s1  }
0x12b: {  	[bflag:$0x3] =	sbarrier.arrive $0xFFFF  }
0x12c: {  	_ =	shalt  }

</sc_bundles>
